<compile_context>
chip_gen: v7x
topology: tpu7x:2x2x1
jax: 0.10.2.dev20260603
libtpu: 0.0.44.dev20260713+nightly
codegen_flags: <defaults>
</compile_context>

<pallas_src>
import functools
import numpy as np
import jax
import jax.numpy as jnp
from jax.experimental import pallas as pl
from jax.experimental.pallas import tpu as pltpu
from jax.experimental.pallas import tpu_sc as plsc

_NBINS = 10
_EDGES = np.linspace(0.0, 1.0, _NBINS + 1).astype(np.float32)
_ROWS = 128
_STRIP = 128
_LANES = 16
_SC_CORES = 2
_SC_TILES = 16
_NW = _SC_CORES * _SC_TILES
_UNROLL = 8
_NSUB = 4
_TAB = _NBINS * _LANES
_PART = 2 * _TAB


def _tc_body(preds_ref, tgt_ref, word_ref):
    num_classes = preds_ref.shape[1]
    width = tgt_ref.shape[2]
    lanepat = jax.lax.broadcasted_iota(
        jnp.int32, (tgt_ref.shape[1], _STRIP), 1) & (_LANES - 1)
    for s in range(0, width, _STRIP):
        sl = pl.ds(s, _STRIP)
        t = tgt_ref[0, :, sl]
        se = jnp.zeros(t.shape, jnp.float32)
        p_t = jnp.zeros(t.shape, jnp.float32)
        for c in range(num_classes):
            xc = preds_ref[0, c, :, sl]
            se = se + jnp.exp(xc)
            p_t = jnp.where(t == c, xc, p_t)
        ce = jnp.log(se) - p_t
        g = jnp.abs(p_t - 1.0)
        inds = jnp.zeros(t.shape, jnp.int32)
        for j in range(1, _NBINS):
            inds = inds + jnp.where(g > _EDGES[j], 1, 0)
        ce_hi = (jax.lax.bitcast_convert_type(ce, jnp.int32)
                 + 32768) & jnp.int32(-65536)
        word_ref[0, :, sl] = ce_hi | ((inds << 4) + lanepat)


def _sc_accum(n_total, word_hbm, out_hbm, word_buf, cnt_tabs, ces_tabs):
    wid = jax.lax.axis_index("s") * _SC_CORES + jax.lax.axis_index("c")
    ones = jnp.ones((_LANES,), jnp.float32)
    zeros = jnp.zeros((_LANES,), jnp.float32)
    for tab in cnt_tabs + ces_tabs:
        for k in range(_NBINS):
            tab[pl.ds(k * _LANES, _LANES)] = zeros

    per_tile = n_total // _NW
    pltpu.sync_copy(word_hbm.at[pl.ds(wid * per_tile, per_tile)], word_buf)

    def body(i, carry):
        s0 = pl.multiple_of(i * (_LANES * _UNROLL), _LANES * _UNROLL)
        for u in range(_UNROLL):
            w = word_buf[pl.ds(s0 + u * _LANES, _LANES)]
            slot = w & 255
            cv = jax.lax.bitcast_convert_type(
                w & jnp.int32(-65536), jnp.float32)
            plsc.addupdate_scatter(cnt_tabs[u % _NSUB], [slot], ones)
            plsc.addupdate_scatter(ces_tabs[u % _NSUB], [slot], cv)
        return carry

    jax.lax.fori_loop(0, per_tile // (_LANES * _UNROLL), body, 0)

    for k in range(_NBINS):
        r = pl.ds(k * _LANES, _LANES)
        cnt_tabs[0][r] += cnt_tabs[1][r] + cnt_tabs[2][r] + cnt_tabs[3][r]
        ces_tabs[0][r] += ces_tabs[1][r] + ces_tabs[2][r] + ces_tabs[3][r]

    pltpu.sync_copy(cnt_tabs[0], out_hbm.at[pl.ds(wid * _PART, _TAB)])
    pltpu.sync_copy(ces_tabs[0], out_hbm.at[pl.ds(wid * _PART + _TAB, _TAB)])


def _sc_fin(n_total, parts_hbm, out_hbm, red_buf, out_buf):
    wid = jax.lax.axis_index("s") * _SC_CORES + jax.lax.axis_index("c")
    zeros = jnp.zeros((_LANES,), jnp.float32)

    @pl.when(wid == 0)
    def _():
        pltpu.sync_copy(parts_hbm, red_buf)

        def body(t, carry):
            cnts, cess = carry
            toff = pl.multiple_of(t * _PART, _PART)
            new_cnts = tuple(
                cnts[k] + red_buf[pl.ds(toff + k * _LANES, _LANES)]
                for k in range(_NBINS))
            new_cess = tuple(
                cess[k] + red_buf[pl.ds(toff + _TAB + k * _LANES, _LANES)]
                for k in range(_NBINS))
            return (new_cnts, new_cess)

        init = (tuple(zeros for _ in range(_NBINS)),
                tuple(zeros for _ in range(_NBINS)))
        cnts, cess = jax.lax.fori_loop(0, _NW, body, init)
        loss = zeros
        for k in range(_NBINS):
            cnt_b = jnp.full((_LANES,), jnp.sum(cnts[k]), jnp.float32)
            ces_b = jnp.full((_LANES,), jnp.sum(cess[k]), jnp.float32)
            loss = loss + ces_b / (0.1 * cnt_b + 1e-06)
        out_buf[...] = loss * (1.0 / n_total)
        pltpu.sync_copy(out_buf, out_hbm)


def kernel(preds, target):
    batch, num_classes, height, width = preds.shape
    tgt = target.astype(jnp.int32)
    nb = height // _ROWS
    n_total = batch * height * width

    words = pl.pallas_call(
        _tc_body,
        grid=(batch, nb),
        in_specs=[
            pl.BlockSpec((1, num_classes, _ROWS, width),
                         lambda b, rb: (b, 0, rb, 0)),
            pl.BlockSpec((1, _ROWS, width), lambda b, rb: (b, rb, 0)),
        ],
        out_specs=pl.BlockSpec((1, _ROWS, width), lambda b, rb: (b, rb, 0)),
        out_shape=jax.ShapeDtypeStruct((batch, height, width), jnp.int32),
        compiler_params=pltpu.CompilerParams(
            dimension_semantics=("arbitrary", "arbitrary")),
    )(preds, tgt)

    mesh = plsc.VectorSubcoreMesh(
        core_axis_name="c", subcore_axis_name="s", num_cores=_SC_CORES)
    sc_params = pltpu.CompilerParams(needs_layout_passes=False)
    per_tile = n_total // _NW

    accum = functools.partial(
        pl.kernel,
        mesh=mesh,
        compiler_params=sc_params,
        out_type=jax.ShapeDtypeStruct((_NW * _PART,), jnp.float32),
        scratch_types=[
            pltpu.VMEM((per_tile,), jnp.int32),
            [pltpu.VMEM((_TAB,), jnp.float32) for _ in range(_NSUB)],
            [pltpu.VMEM((_TAB,), jnp.float32) for _ in range(_NSUB)],
        ],
    )(functools.partial(_sc_accum, n_total))

    fin = functools.partial(
        pl.kernel,
        mesh=mesh,
        compiler_params=sc_params,
        out_type=jax.ShapeDtypeStruct((_LANES,), jnp.float32),
        scratch_types=[
            pltpu.VMEM((_NW * _PART,), jnp.float32),
            pltpu.VMEM((_LANES,), jnp.float32),
        ],
    )(functools.partial(_sc_fin, n_total))

    loss16 = fin(accum(words.reshape(-1)))
    return loss16[0]

# --- scband reference (transcript-rebuilt; emitter-appended) ---
"""Pipeline reference for scband-ghmcloss-16329465659915 (READ-ONLY COPY).

The authoritative reference and input builder live on the scoring server;
editing this copy changes nothing except your own understanding.
"""

import jax, jax.numpy as jnp
import numpy as np

BINS = 10
MOMENTUM = 0.9


def setup_inputs(seed: int = 0) -> dict:
    key = jax.random.key(seed)
    k1, k2 = jax.random.split(key)
    preds = jax.random.normal(k1, (4, 21, 512, 512), dtype=jnp.float32)
    target = jax.random.randint(k2, (4, 512, 512), 0, 21, dtype=jnp.int64)
    return {"preds": preds, "target": target}


def reference(preds, target):
    bins = BINS
    momentum = MOMENTUM
    edges = jnp.linspace(0.0, 1.0, bins + 1)
    edges = edges.at[-1].add(1e-06)
    num_classes = preds.shape[1]
    # F.one_hot(target) -> [B,H,W,C]; permute(0,3,1,2) -> [B,C,H,W]
    target_one_hot = jax.nn.one_hot(target, num_classes, dtype=preds.dtype)
    target_one_hot = jnp.transpose(target_one_hot, (0, 3, 1, 2))
    p_t = jnp.sum(preds * target_one_hot, axis=1)
    gradients = jnp.abs(p_t - 1.0).reshape(-1)
    # torch.bucketize(x, edges, right=False) == searchsorted side='left'
    inds = jnp.searchsorted(edges, gradients, side='left') - 1
    inds = jnp.clip(inds, 0, bins - 1)
    bin_count = jnp.bincount(inds, minlength=bins, length=bins).astype(jnp.float32)
    # momentum > 0: acc_sum starts at zeros, single forward step
    acc_sum = momentum * jnp.zeros((bins,), dtype=jnp.float32) + (1.0 - momentum) * bin_count
    bin_count = acc_sum
    weights = 1.0 / (bin_count[inds] + 1e-06)
    weights = weights.reshape(-1)
    # F.cross_entropy(preds, target, reduction='none') over class dim 1
    logp = jax.nn.log_softmax(preds, axis=1)
    ce_loss = -jnp.take_along_axis(logp, target[:, None, :, :], axis=1)[:, 0, :, :]
    ce_loss = ce_loss.reshape(-1)
    weighted_loss = ce_loss * weights
    return jnp.mean(weighted_loss)

if __name__ == "__main__":
    import jax
    _d = setup_inputs()
    print(jax.jit(kernel)(*tuple(_d.values())))

</pallas_src>

<mosaic_0001>
#map = affine_map<(d0, d1) -> (0)>
module attributes {stable_mosaic.version = 14 : i64} {
  func.func @_sc_fin(%arg0: i32, %arg1: i32, %arg2: memref<10240xf32, #tpu.memory_space<hbm>>, %arg3: memref<16xf32, #tpu.memory_space<hbm>>, %arg4: memref<10240xf32, #tpu.memory_space<vmem>>, %arg5: memref<16xf32, #tpu.memory_space<vmem>>) attributes {dimension_semantics = [#tpu.dimension_semantics<core_parallel>, #tpu.dimension_semantics<subcore_parallel>], iteration_bounds = array<i64: 2, 16>, scalar_prefetch = 0 : i64, scratch_operands = 2 : i64, tpu.core_type = #tpu.core_type<sc_vector_subcore>, window_params = [{transform_indices = #map}, {transform_indices = #map}]} {
    %mul3A = arith.constant 2 : i32
    %mul3A_0 = arith.muli %arg1, %mul3A : i32
    %add3A = arith.addi %mul3A_0, %arg0 : i32
    %broadcast_in_dim3A = arith.constant 0.000000e+00 : f32
    %broadcast_in_dim3A_1 = vector.broadcast %broadcast_in_dim3A : f32 to vector<16xf32>
    %eq3A = arith.constant 0 : i32
    %eq3A_2 = arith.cmpi eq, %add3A, %eq3A : i32
    %convert_element_type3A = arith.extui %eq3A_2 : i1 to i32
    %cond3A = arith.constant 0 : i32
    %cond3A_3 = arith.cmpi ne, %convert_element_type3A, %cond3A : i32
    scf.if %cond3A_3 {
      "tpu.region"() ({
        %run_scoped3A = tpu.sem_alloc : memref<!tpu.dma_semaphore, #tpu.memory_space<semaphore_mem>>
        tpu.enqueue_dma source(%arg2 : memref<10240xf32, #tpu.memory_space<hbm>>) target(%arg4 : memref<10240xf32, #tpu.memory_space<vmem>>) target_semaphore(%run_scoped3A : memref<!tpu.dma_semaphore, #tpu.memory_space<semaphore_mem>>)
        tpu.wait_dma2 semaphore(%run_scoped3A : memref<!tpu.dma_semaphore, #tpu.memory_space<semaphore_mem>>) src(%arg2 : memref<10240xf32, #tpu.memory_space<hbm>>) dst(%arg4 : memref<10240xf32, #tpu.memory_space<vmem>>)
        tpu.yield
      }) : () -> ()
      %scan3A = arith.constant 0 : i32
      %scan3A_4 = arith.constant 32 : i32
      %scan3A_5 = arith.addi %scan3A, %scan3A_4 : i32
      %scan3A_6 = arith.constant 1 : i32
      %scan3A_7:20 = scf.for %scan3A_191 = %scan3A to %scan3A_5 step %scan3A_6 iter_args(%scan3A_192 = %broadcast_in_dim3A_1, %scan3A_193 = %broadcast_in_dim3A_1, %scan3A_194 = %broadcast_in_dim3A_1, %scan3A_195 = %broadcast_in_dim3A_1, %scan3A_196 = %broadcast_in_dim3A_1, %scan3A_197 = %broadcast_in_dim3A_1, %scan3A_198 = %broadcast_in_dim3A_1, %scan3A_199 = %broadcast_in_dim3A_1, %scan3A_200 = %broadcast_in_dim3A_1, %scan3A_201 = %broadcast_in_dim3A_1, %scan3A_202 = %broadcast_in_dim3A_1, %scan3A_203 = %broadcast_in_dim3A_1, %scan3A_204 = %broadcast_in_dim3A_1, %scan3A_205 = %broadcast_in_dim3A_1, %scan3A_206 = %broadcast_in_dim3A_1, %scan3A_207 = %broadcast_in_dim3A_1, %scan3A_208 = %broadcast_in_dim3A_1, %scan3A_209 = %broadcast_in_dim3A_1, %scan3A_210 = %broadcast_in_dim3A_1, %scan3A_211 = %broadcast_in_dim3A_1) -> (vector<16xf32>, vector<16xf32>, vector<16xf32>, vector<16xf32>, vector<16xf32>, vector<16xf32>, vector<16xf32>, vector<16xf32>, vector<16xf32>, vector<16xf32>, vector<16xf32>, vector<16xf32>, vector<16xf32>, vector<16xf32>, vector<16xf32>, vector<16xf32>, vector<16xf32>, vector<16xf32>, vector<16xf32>, vector<16xf32>)  : i32 {
        %mul3A_212 = arith.constant 320 : i32
        %mul3A_213 = arith.muli %scan3A_191, %mul3A_212 : i32
        %multiple_of3A = tpu.assume_multiple %mul3A_213, 320 : i32
        %add3A_214 = arith.constant 0 : i32
        %add3A_215 = arith.addi %multiple_of3A, %add3A_214 : i32
        %get3A = arith.index_cast %add3A_215 : i32 to index
        %get3A_216 = tpu.vector_load %arg4[%get3A] {strides = array<i32>} : memref<10240xf32, #tpu.memory_space<vmem>>, vector<16xf32>,
        %add3A_217 = arith.addf %scan3A_192, %get3A_216 : vector<16xf32>
        %add3A_218 = arith.constant 16 : i32
        %add3A_219 = arith.addi %multiple_of3A, %add3A_218 : i32
        %get3A_220 = arith.index_cast %add3A_219 : i32 to index
        %get3A_221 = tpu.vector_load %arg4[%get3A_220] {strides = array<i32>} : memref<10240xf32, #tpu.memory_space<vmem>>, vector<16xf32>,
        %add3A_222 = arith.addf %scan3A_193, %get3A_221 : vector<16xf32>
        %add3A_223 = arith.constant 32 : i32
        %add3A_224 = arith.addi %multiple_of3A, %add3A_223 : i32
        %get3A_225 = arith.index_cast %add3A_224 : i32 to index
        %get3A_226 = tpu.vector_load %arg4[%get3A_225] {strides = array<i32>} : memref<10240xf32, #tpu.memory_space<vmem>>, vector<16xf32>,
        %add3A_227 = arith.addf %scan3A_194, %get3A_226 : vector<16xf32>
        %add3A_228 = arith.constant 48 : i32
        %add3A_229 = arith.addi %multiple_of3A, %add3A_228 : i32
        %get3A_230 = arith.index_cast %add3A_229 : i32 to index
        %get3A_231 = tpu.vector_load %arg4[%get3A_230] {strides = array<i32>} : memref<10240xf32, #tpu.memory_space<vmem>>, vector<16xf32>,
        %add3A_232 = arith.addf %scan3A_195, %get3A_231 : vector<16xf32>
        %add3A_233 = arith.constant 64 : i32
        %add3A_234 = arith.addi %multiple_of3A, %add3A_233 : i32
        %get3A_235 = arith.index_cast %add3A_234 : i32 to index
        %get3A_236 = tpu.vector_load %arg4[%get3A_235] {strides = array<i32>} : memref<10240xf32, #tpu.memory_space<vmem>>, vector<16xf32>,
        %add3A_237 = arith.addf %scan3A_196, %get3A_236 : vector<16xf32>
        %add3A_238 = arith.constant 80 : i32
        %add3A_239 = arith.addi %multiple_of3A, %add3A_238 : i32
        %get3A_240 = arith.index_cast %add3A_239 : i32 to index
        %get3A_241 = tpu.vector_load %arg4[%get3A_240] {strides = array<i32>} : memref<10240xf32, #tpu.memory_space<vmem>>, vector<16xf32>,
        %add3A_242 = arith.addf %scan3A_197, %get3A_241 : vector<16xf32>
        %add3A_243 = arith.constant 96 : i32
        %add3A_244 = arith.addi %multiple_of3A, %add3A_243 : i32
        %get3A_245 = arith.index_cast %add3A_244 : i32 to index
        %get3A_246 = tpu.vector_load %arg4[%get3A_245] {strides = array<i32>} : memref<10240xf32, #tpu.memory_space<vmem>>, vector<16xf32>,
        %add3A_247 = arith.addf %scan3A_198, %get3A_246 : vector<16xf32>
        %add3A_248 = arith.constant 112 : i32
        %add3A_249 = arith.addi %multiple_of3A, %add3A_248 : i32
        %get3A_250 = arith.index_cast %add3A_249 : i32 to index
        %get3A_251 = tpu.vector_load %arg4[%get3A_250] {strides = array<i32>} : memref<10240xf32, #tpu.memory_space<vmem>>, vector<16xf32>,
        %add3A_252 = arith.addf %scan3A_199, %get3A_251 : vector<16xf32>
        %add3A_253 = arith.constant 128 : i32
        %add3A_254 = arith.addi %multiple_of3A, %add3A_253 : i32
        %get3A_255 = arith.index_cast %add3A_254 : i32 to index
        %get3A_256 = tpu.vector_load %arg4[%get3A_255] {strides = array<i32>} : memref<10240xf32, #tpu.memory_space<vmem>>, vector<16xf32>,
        %add3A_257 = arith.addf %scan3A_200, %get3A_256 : vector<16xf32>
        %add3A_258 = arith.constant 144 : i32
        %add3A_259 = arith.addi %multiple_of3A, %add3A_258 : i32
        %get3A_260 = arith.index_cast %add3A_259 : i32 to index
        %get3A_261 = tpu.vector_load %arg4[%get3A_260] {strides = array<i32>} : memref<10240xf32, #tpu.memory_space<vmem>>, vector<16xf32>,
        %add3A_262 = arith.addf %scan3A_201, %get3A_261 : vector<16xf32>
        %add3A_263 = arith.constant 160 : i32
        %add3A_264 = arith.addi %multiple_of3A, %add3A_263 : i32
        %add3A_265 = arith.constant 0 : i32
        %add3A_266 = arith.addi %add3A_264, %add3A_265 : i32
        %get3A_267 = arith.index_cast %add3A_266 : i32 to index
        %get3A_268 = tpu.vector_load %arg4[%get3A_267] {strides = array<i32>} : memref<10240xf32, #tpu.memory_space<vmem>>, vector<16xf32>,
        %add3A_269 = arith.addf %scan3A_202, %get3A_268 : vector<16xf32>
        %add3A_270 = arith.constant 160 : i32
        %add3A_271 = arith.addi %multiple_of3A, %add3A_270 : i32
        %add3A_272 = arith.constant 16 : i32
        %add3A_273 = arith.addi %add3A_271, %add3A_272 : i32
        %get3A_274 = arith.index_cast %add3A_273 : i32 to index
        %get3A_275 = tpu.vector_load %arg4[%get3A_274] {strides = array<i32>} : memref<10240xf32, #tpu.memory_space<vmem>>, vector<16xf32>,
        %add3A_276 = arith.addf %scan3A_203, %get3A_275 : vector<16xf32>
        %add3A_277 = arith.constant 160 : i32
        %add3A_278 = arith.addi %multiple_of3A, %add3A_277 : i32
        %add3A_279 = arith.constant 32 : i32
        %add3A_280 = arith.addi %add3A_278, %add3A_279 : i32
        %get3A_281 = arith.index_cast %add3A_280 : i32 to index
        %get3A_282 = tpu.vector_load %arg4[%get3A_281] {strides = array<i32>} : memref<10240xf32, #tpu.memory_space<vmem>>, vector<16xf32>,
        %add3A_283 = arith.addf %scan3A_204, %get3A_282 : vector<16xf32>
        %add3A_284 = arith.constant 160 : i32
        %add3A_285 = arith.addi %multiple_of3A, %add3A_284 : i32
        %add3A_286 = arith.constant 48 : i32
        %add3A_287 = arith.addi %add3A_285, %add3A_286 : i32
        %get3A_288 = arith.index_cast %add3A_287 : i32 to index
        %get3A_289 = tpu.vector_load %arg4[%get3A_288] {strides = array<i32>} : memref<10240xf32, #tpu.memory_space<vmem>>, vector<16xf32>,
        %add3A_290 = arith.addf %scan3A_205, %get3A_289 : vector<16xf32>
        %add3A_291 = arith.constant 160 : i32
        %add3A_292 = arith.addi %multiple_of3A, %add3A_291 : i32
        %add3A_293 = arith.constant 64 : i32
        %add3A_294 = arith.addi %add3A_292, %add3A_293 : i32
        %get3A_295 = arith.index_cast %add3A_294 : i32 to index
        %get3A_296 = tpu.vector_load %arg4[%get3A_295] {strides = array<i32>} : memref<10240xf32, #tpu.memory_space<vmem>>, vector<16xf32>,
        %add3A_297 = arith.addf %scan3A_206, %get3A_296 : vector<16xf32>
        %add3A_298 = arith.constant 160 : i32
        %add3A_299 = arith.addi %multiple_of3A, %add3A_298 : i32
        %add3A_300 = arith.constant 80 : i32
        %add3A_301 = arith.addi %add3A_299, %add3A_300 : i32
        %get3A_302 = arith.index_cast %add3A_301 : i32 to index
        %get3A_303 = tpu.vector_load %arg4[%get3A_302] {strides = array<i32>} : memref<10240xf32, #tpu.memory_space<vmem>>, vector<16xf32>,
        %add3A_304 = arith.addf %scan3A_207, %get3A_303 : vector<16xf32>
        %add3A_305 = arith.constant 160 : i32
        %add3A_306 = arith.addi %multiple_of3A, %add3A_305 : i32
        %add3A_307 = arith.constant 96 : i32
        %add3A_308 = arith.addi %add3A_306, %add3A_307 : i32
        %get3A_309 = arith.index_cast %add3A_308 : i32 to index
        %get3A_310 = tpu.vector_load %arg4[%get3A_309] {strides = array<i32>} : memref<10240xf32, #tpu.memory_space<vmem>>, vector<16xf32>,
        %add3A_311 = arith.addf %scan3A_208, %get3A_310 : vector<16xf32>
        %add3A_312 = arith.constant 160 : i32
        %add3A_313 = arith.addi %multiple_of3A, %add3A_312 : i32
        %add3A_314 = arith.constant 112 : i32
        %add3A_315 = arith.addi %add3A_313, %add3A_314 : i32
        %get3A_316 = arith.index_cast %add3A_315 : i32 to index
        %get3A_317 = tpu.vector_load %arg4[%get3A_316] {strides = array<i32>} : memref<10240xf32, #tpu.memory_space<vmem>>, vector<16xf32>,
        %add3A_318 = arith.addf %scan3A_209, %get3A_317 : vector<16xf32>
        %add3A_319 = arith.constant 160 : i32
        %add3A_320 = arith.addi %multiple_of3A, %add3A_319 : i32
        %add3A_321 = arith.constant 128 : i32
        %add3A_322 = arith.addi %add3A_320, %add3A_321 : i32
        %get3A_323 = arith.index_cast %add3A_322 : i32 to index
        %get3A_324 = tpu.vector_load %arg4[%get3A_323] {strides = array<i32>} : memref<10240xf32, #tpu.memory_space<vmem>>, vector<16xf32>,
        %add3A_325 = arith.addf %scan3A_210, %get3A_324 : vector<16xf32>
        %add3A_326 = arith.constant 160 : i32
        %add3A_327 = arith.addi %multiple_of3A, %add3A_326 : i32
        %add3A_328 = arith.constant 144 : i32
        %add3A_329 = arith.addi %add3A_327, %add3A_328 : i32
        %get3A_330 = arith.index_cast %add3A_329 : i32 to index
        %get3A_331 = tpu.vector_load %arg4[%get3A_330] {strides = array<i32>} : memref<10240xf32, #tpu.memory_space<vmem>>, vector<16xf32>,
        %add3A_332 = arith.addf %scan3A_211, %get3A_331 : vector<16xf32>
        scf.yield %add3A_217, %add3A_222, %add3A_227, %add3A_232, %add3A_237, %add3A_242, %add3A_247, %add3A_252, %add3A_257, %add3A_262, %add3A_269, %add3A_276, %add3A_283, %add3A_290, %add3A_297, %add3A_304, %add3A_311, %add3A_318, %add3A_325, %add3A_332 : vector<16xf32>, vector<16xf32>, vector<16xf32>, vector<16xf32>, vector<16xf32>, vector<16xf32>, vector<16xf32>, vector<16xf32>, vector<16xf32>, vector<16xf32>, vector<16xf32>, vector<16xf32>, vector<16xf32>, vector<16xf32>, vector<16xf32>, vector<16xf32>, vector<16xf32>, vector<16xf32>, vector<16xf32>, vector<16xf32>
      }
      %scan3A_8 = arith.constant 32 : i32
      %reduce_sum3A = arith.constant true
      %reduce_sum3A_9 = vector.broadcast %reduce_sum3A : i1 to vector<16xi1>
      %reduce_sum3A_10 = tpu.scan <sum>, %scan3A_7#0 masked %reduce_sum3A_9 : vector<16xf32>, vector<16xi1> -> vector<16xf32>
      %reduce_sum3A_11 = vector.extract %reduce_sum3A_10[15] : f32 from vector<16xf32>
      %broadcast_in_dim3A_12 = vector.broadcast %reduce_sum3A_11 : f32 to vector<16xf32>
      %reduce_sum3A_13 = arith.constant true
      %reduce_sum3A_14 = vector.broadcast %reduce_sum3A_13 : i1 to vector<16xi1>
      %reduce_sum3A_15 = tpu.scan <sum>, %scan3A_7#10 masked %reduce_sum3A_14 : vector<16xf32>, vector<16xi1> -> vector<16xf32>
      %reduce_sum3A_16 = vector.extract %reduce_sum3A_15[15] : f32 from vector<16xf32>
      %broadcast_in_dim3A_17 = vector.broadcast %reduce_sum3A_16 : f32 to vector<16xf32>
      %mul3A_18 = arith.constant 1.000000e-01 : f32
      %mul3A_19 = vector.broadcast %mul3A_18 : f32 to vector<16xf32>
      %mul3A_20 = arith.mulf %mul3A_19, %broadcast_in_dim3A_12 : vector<16xf32>
      %add3A_21 = arith.constant 9.99999997E-7 : f32
      %add3A_22 = vector.broadcast %add3A_21 : f32 to vector<16xf32>
      %add3A_23 = arith.addf %mul3A_20, %add3A_22 : vector<16xf32>
      %div3A = arith.divf %broadcast_in_dim3A_17, %add3A_23 : vector<16xf32>
      %add3A_24 = arith.addf %broadcast_in_dim3A_1, %div3A : vector<16xf32>
      %reduce_sum3A_25 = arith.constant true
      %reduce_sum3A_26 = vector.broadcast %reduce_sum3A_25 : i1 to vector<16xi1>
      %reduce_sum3A_27 = tpu.scan <sum>, %scan3A_7#1 masked %reduce_sum3A_26 : vector<16xf32>, vector<16xi1> -> vector<16xf32>
      %reduce_sum3A_28 = vector.extract %reduce_sum3A_27[15] : f32 from vector<16xf32>
      %broadcast_in_dim3A_29 = vector.broadcast %reduce_sum3A_28 : f32 to vector<16xf32>
      %reduce_sum3A_30 = arith.constant true
      %reduce_sum3A_31 = vector.broadcast %reduce_sum3A_30 : i1 to vector<16xi1>
      %reduce_sum3A_32 = tpu.scan <sum>, %scan3A_7#11 masked %reduce_sum3A_31 : vector<16xf32>, vector<16xi1> -> vector<16xf32>
      %reduce_sum3A_33 = vector.extract %reduce_sum3A_32[15] : f32 from vector<16xf32>
      %broadcast_in_dim3A_34 = vector.broadcast %reduce_sum3A_33 : f32 to vector<16xf32>
      %mul3A_35 = arith.constant 1.000000e-01 : f32
      %mul3A_36 = vector.broadcast %mul3A_35 : f32 to vector<16xf32>
      %mul3A_37 = arith.mulf %mul3A_36, %broadcast_in_dim3A_29 : vector<16xf32>
      %add3A_38 = arith.constant 9.99999997E-7 : f32
      %add3A_39 = vector.broadcast %add3A_38 : f32 to vector<16xf32>
      %add3A_40 = arith.addf %mul3A_37, %add3A_39 : vector<16xf32>
      %div3A_41 = arith.divf %broadcast_in_dim3A_34, %add3A_40 : vector<16xf32>
      %add3A_42 = arith.addf %add3A_24, %div3A_41 : vector<16xf32>
      %reduce_sum3A_43 = arith.constant true
      %reduce_sum3A_44 = vector.broadcast %reduce_sum3A_43 : i1 to vector<16xi1>
      %reduce_sum3A_45 = tpu.scan <sum>, %scan3A_7#2 masked %reduce_sum3A_44 : vector<16xf32>, vector<16xi1> -> vector<16xf32>
      %reduce_sum3A_46 = vector.extract %reduce_sum3A_45[15] : f32 from vector<16xf32>
      %broadcast_in_dim3A_47 = vector.broadcast %reduce_sum3A_46 : f32 to vector<16xf32>
      %reduce_sum3A_48 = arith.constant true
      %reduce_sum3A_49 = vector.broadcast %reduce_sum3A_48 : i1 to vector<16xi1>
      %reduce_sum3A_50 = tpu.scan <sum>, %scan3A_7#12 masked %reduce_sum3A_49 : vector<16xf32>, vector<16xi1> -> vector<16xf32>
      %reduce_sum3A_51 = vector.extract %reduce_sum3A_50[15] : f32 from vector<16xf32>
      %broadcast_in_dim3A_52 = vector.broadcast %reduce_sum3A_51 : f32 to vector<16xf32>
      %mul3A_53 = arith.constant 1.000000e-01 : f32
      %mul3A_54 = vector.broadcast %mul3A_53 : f32 to vector<16xf32>
      %mul3A_55 = arith.mulf %mul3A_54, %broadcast_in_dim3A_47 : vector<16xf32>
      %add3A_56 = arith.constant 9.99999997E-7 : f32
      %add3A_57 = vector.broadcast %add3A_56 : f32 to vector<16xf32>
      %add3A_58 = arith.addf %mul3A_55, %add3A_57 : vector<16xf32>
      %div3A_59 = arith.divf %broadcast_in_dim3A_52, %add3A_58 : vector<16xf32>
      %add3A_60 = arith.addf %add3A_42, %div3A_59 : vector<16xf32>
      %reduce_sum3A_61 = arith.constant true
      %reduce_sum3A_62 = vector.broadcast %reduce_sum3A_61 : i1 to vector<16xi1>
      %reduce_sum3A_63 = tpu.scan <sum>, %scan3A_7#3 masked %reduce_sum3A_62 : vector<16xf32>, vector<16xi1> -> vector<16xf32>
      %reduce_sum3A_64 = vector.extract %reduce_sum3A_63[15] : f32 from vector<16xf32>
      %broadcast_in_dim3A_65 = vector.broadcast %reduce_sum3A_64 : f32 to vector<16xf32>
      %reduce_sum3A_66 = arith.constant true
      %reduce_sum3A_67 = vector.broadcast %reduce_sum3A_66 : i1 to vector<16xi1>
      %reduce_sum3A_68 = tpu.scan <sum>, %scan3A_7#13 masked %reduce_sum3A_67 : vector<16xf32>, vector<16xi1> -> vector<16xf32>
      %reduce_sum3A_69 = vector.extract %reduce_sum3A_68[15] : f32 from vector<16xf32>
      %broadcast_in_dim3A_70 = vector.broadcast %reduce_sum3A_69 : f32 to vector<16xf32>
      %mul3A_71 = arith.constant 1.000000e-01 : f32
      %mul3A_72 = vector.broadcast %mul3A_71 : f32 to vector<16xf32>
      %mul3A_73 = arith.mulf %mul3A_72, %broadcast_in_dim3A_65 : vector<16xf32>
      %add3A_74 = arith.constant 9.99999997E-7 : f32
      %add3A_75 = vector.broadcast %add3A_74 : f32 to vector<16xf32>
      %add3A_76 = arith.addf %mul3A_73, %add3A_75 : vector<16xf32>
      %div3A_77 = arith.divf %broadcast_in_dim3A_70, %add3A_76 : vector<16xf32>
      %add3A_78 = arith.addf %add3A_60, %div3A_77 : vector<16xf32>
      %reduce_sum3A_79 = arith.constant true
      %reduce_sum3A_80 = vector.broadcast %reduce_sum3A_79 : i1 to vector<16xi1>
      %reduce_sum3A_81 = tpu.scan <sum>, %scan3A_7#4 masked %reduce_sum3A_80 : vector<16xf32>, vector<16xi1> -> vector<16xf32>
      %reduce_sum3A_82 = vector.extract %reduce_sum3A_81[15] : f32 from vector<16xf32>
      %broadcast_in_dim3A_83 = vector.broadcast %reduce_sum3A_82 : f32 to vector<16xf32>
      %reduce_sum3A_84 = arith.constant true
      %reduce_sum3A_85 = vector.broadcast %reduce_sum3A_84 : i1 to vector<16xi1>
      %reduce_sum3A_86 = tpu.scan <sum>, %scan3A_7#14 masked %reduce_sum3A_85 : vector<16xf32>, vector<16xi1> -> vector<16xf32>
      %reduce_sum3A_87 = vector.extract %reduce_sum3A_86[15] : f32 from vector<16xf32>
      %broadcast_in_dim3A_88 = vector.broadcast %reduce_sum3A_87 : f32 to vector<16xf32>
      %mul3A_89 = arith.constant 1.000000e-01 : f32
      %mul3A_90 = vector.broadcast %mul3A_89 : f32 to vector<16xf32>
      %mul3A_91 = arith.mulf %mul3A_90, %broadcast_in_dim3A_83 : vector<16xf32>
      %add3A_92 = arith.constant 9.99999997E-7 : f32
      %add3A_93 = vector.broadcast %add3A_92 : f32 to vector<16xf32>
      %add3A_94 = arith.addf %mul3A_91, %add3A_93 : vector<16xf32>
      %div3A_95 = arith.divf %broadcast_in_dim3A_88, %add3A_94 : vector<16xf32>
      %add3A_96 = arith.addf %add3A_78, %div3A_95 : vector<16xf32>
      %reduce_sum3A_97 = arith.constant true
      %reduce_sum3A_98 = vector.broadcast %reduce_sum3A_97 : i1 to vector<16xi1>
      %reduce_sum3A_99 = tpu.scan <sum>, %scan3A_7#5 masked %reduce_sum3A_98 : vector<16xf32>, vector<16xi1> -> vector<16xf32>
      %reduce_sum3A_100 = vector.extract %reduce_sum3A_99[15] : f32 from vector<16xf32>
      %broadcast_in_dim3A_101 = vector.broadcast %reduce_sum3A_100 : f32 to vector<16xf32>
      %reduce_sum3A_102 = arith.constant true
      %reduce_sum3A_103 = vector.broadcast %reduce_sum3A_102 : i1 to vector<16xi1>
      %reduce_sum3A_104 = tpu.scan <sum>, %scan3A_7#15 masked %reduce_sum3A_103 : vector<16xf32>, vector<16xi1> -> vector<16xf32>
      %reduce_sum3A_105 = vector.extract %reduce_sum3A_104[15] : f32 from vector<16xf32>
      %broadcast_in_dim3A_106 = vector.broadcast %reduce_sum3A_105 : f32 to vector<16xf32>
      %mul3A_107 = arith.constant 1.000000e-01 : f32
      %mul3A_108 = vector.broadcast %mul3A_107 : f32 to vector<16xf32>
      %mul3A_109 = arith.mulf %mul3A_108, %broadcast_in_dim3A_101 : vector<16xf32>
      %add3A_110 = arith.constant 9.99999997E-7 : f32
      %add3A_111 = vector.broadcast %add3A_110 : f32 to vector<16xf32>
      %add3A_112 = arith.addf %mul3A_109, %add3A_111 : vector<16xf32>
      %div3A_113 = arith.divf %broadcast_in_dim3A_106, %add3A_112 : vector<16xf32>
      %add3A_114 = arith.addf %add3A_96, %div3A_113 : vector<16xf32>
      %reduce_sum3A_115 = arith.constant true
      %reduce_sum3A_116 = vector.broadcast %reduce_sum3A_115 : i1 to vector<16xi1>
      %reduce_sum3A_117 = tpu.scan <sum>, %scan3A_7#6 masked %reduce_sum3A_116 : vector<16xf32>, vector<16xi1> -> vector<16xf32>
      %reduce_sum3A_118 = vector.extract %reduce_sum3A_117[15] : f32 from vector<16xf32>
      %broadcast_in_dim3A_119 = vector.broadcast %reduce_sum3A_118 : f32 to vector<16xf32>
      %reduce_sum3A_120 = arith.constant true
      %reduce_sum3A_121 = vector.broadcast %reduce_sum3A_120 : i1 to vector<16xi1>
      %reduce_sum3A_122 = tpu.scan <sum>, %scan3A_7#16 masked %reduce_sum3A_121 : vector<16xf32>, vector<16xi1> -> vector<16xf32>
      %reduce_sum3A_123 = vector.extract %reduce_sum3A_122[15] : f32 from vector<16xf32>
      %broadcast_in_dim3A_124 = vector.broadcast %reduce_sum3A_123 : f32 to vector<16xf32>
      %mul3A_125 = arith.constant 1.000000e-01 : f32
      %mul3A_126 = vector.broadcast %mul3A_125 : f32 to vector<16xf32>
      %mul3A_127 = arith.mulf %mul3A_126, %broadcast_in_dim3A_119 : vector<16xf32>
      %add3A_128 = arith.constant 9.99999997E-7 : f32
      %add3A_129 = vector.broadcast %add3A_128 : f32 to vector<16xf32>
      %add3A_130 = arith.addf %mul3A_127, %add3A_129 : vector<16xf32>
      %div3A_131 = arith.divf %broadcast_in_dim3A_124, %add3A_130 : vector<16xf32>
      %add3A_132 = arith.addf %add3A_114, %div3A_131 : vector<16xf32>
      %reduce_sum3A_133 = arith.constant true
      %reduce_sum3A_134 = vector.broadcast %reduce_sum3A_133 : i1 to vector<16xi1>
      %reduce_sum3A_135 = tpu.scan <sum>, %scan3A_7#7 masked %reduce_sum3A_134 : vector<16xf32>, vector<16xi1> -> vector<16xf32>
      %reduce_sum3A_136 = vector.extract %reduce_sum3A_135[15] : f32 from vector<16xf32>
      %broadcast_in_dim3A_137 = vector.broadcast %reduce_sum3A_136 : f32 to vector<16xf32>
      %reduce_sum3A_138 = arith.constant true
      %reduce_sum3A_139 = vector.broadcast %reduce_sum3A_138 : i1 to vector<16xi1>
      %reduce_sum3A_140 = tpu.scan <sum>, %scan3A_7#17 masked %reduce_sum3A_139 : vector<16xf32>, vector<16xi1> -> vector<16xf32>
      %reduce_sum3A_141 = vector.extract %reduce_sum3A_140[15] : f32 from vector<16xf32>
      %broadcast_in_dim3A_142 = vector.broadcast %reduce_sum3A_141 : f32 to vector<16xf32>
      %mul3A_143 = arith.constant 1.000000e-01 : f32
      %mul3A_144 = vector.broadcast %mul3A_143 : f32 to vector<16xf32>
      %mul3A_145 = arith.mulf %mul3A_144, %broadcast_in_dim3A_137 : vector<16xf32>
      %add3A_146 = arith.constant 9.99999997E-7 : f32
      %add3A_147 = vector.broadcast %add3A_146 : f32 to vector<16xf32>
      %add3A_148 = arith.addf %mul3A_145, %add3A_147 : vector<16xf32>
      %div3A_149 = arith.divf %broadcast_in_dim3A_142, %add3A_148 : vector<16xf32>
      %add3A_150 = arith.addf %add3A_132, %div3A_149 : vector<16xf32>
      %reduce_sum3A_151 = arith.constant true
      %reduce_sum3A_152 = vector.broadcast %reduce_sum3A_151 : i1 to vector<16xi1>
      %reduce_sum3A_153 = tpu.scan <sum>, %scan3A_7#8 masked %reduce_sum3A_152 : vector<16xf32>, vector<16xi1> -> vector<16xf32>
      %reduce_sum3A_154 = vector.extract %reduce_sum3A_153[15] : f32 from vector<16xf32>
      %broadcast_in_dim3A_155 = vector.broadcast %reduce_sum3A_154 : f32 to vector<16xf32>
      %reduce_sum3A_156 = arith.constant true
      %reduce_sum3A_157 = vector.broadcast %reduce_sum3A_156 : i1 to vector<16xi1>
      %reduce_sum3A_158 = tpu.scan <sum>, %scan3A_7#18 masked %reduce_sum3A_157 : vector<16xf32>, vector<16xi1> -> vector<16xf32>
      %reduce_sum3A_159 = vector.extract %reduce_sum3A_158[15] : f32 from vector<16xf32>
      %broadcast_in_dim3A_160 = vector.broadcast %reduce_sum3A_159 : f32 to vector<16xf32>
      %mul3A_161 = arith.constant 1.000000e-01 : f32
      %mul3A_162 = vector.broadcast %mul3A_161 : f32 to vector<16xf32>
      %mul3A_163 = arith.mulf %mul3A_162, %broadcast_in_dim3A_155 : vector<16xf32>
      %add3A_164 = arith.constant 9.99999997E-7 : f32
      %add3A_165 = vector.broadcast %add3A_164 : f32 to vector<16xf32>
      %add3A_166 = arith.addf %mul3A_163, %add3A_165 : vector<16xf32>
      %div3A_167 = arith.divf %broadcast_in_dim3A_160, %add3A_166 : vector<16xf32>
      %add3A_168 = arith.addf %add3A_150, %div3A_167 : vector<16xf32>
      %reduce_sum3A_169 = arith.constant true
      %reduce_sum3A_170 = vector.broadcast %reduce_sum3A_169 : i1 to vector<16xi1>
      %reduce_sum3A_171 = tpu.scan <sum>, %scan3A_7#9 masked %reduce_sum3A_170 : vector<16xf32>, vector<16xi1> -> vector<16xf32>
      %reduce_sum3A_172 = vector.extract %reduce_sum3A_171[15] : f32 from vector<16xf32>
      %broadcast_in_dim3A_173 = vector.broadcast %reduce_sum3A_172 : f32 to vector<16xf32>
      %reduce_sum3A_174 = arith.constant true
      %reduce_sum3A_175 = vector.broadcast %reduce_sum3A_174 : i1 to vector<16xi1>
      %reduce_sum3A_176 = tpu.scan <sum>, %scan3A_7#19 masked %reduce_sum3A_175 : vector<16xf32>, vector<16xi1> -> vector<16xf32>
      %reduce_sum3A_177 = vector.extract %reduce_sum3A_176[15] : f32 from vector<16xf32>
      %broadcast_in_dim3A_178 = vector.broadcast %reduce_sum3A_177 : f32 to vector<16xf32>
      %mul3A_179 = arith.constant 1.000000e-01 : f32
      %mul3A_180 = vector.broadcast %mul3A_179 : f32 to vector<16xf32>
      %mul3A_181 = arith.mulf %mul3A_180, %broadcast_in_dim3A_173 : vector<16xf32>
      %add3A_182 = arith.constant 9.99999997E-7 : f32
      %add3A_183 = vector.broadcast %add3A_182 : f32 to vector<16xf32>
      %add3A_184 = arith.addf %mul3A_181, %add3A_183 : vector<16xf32>
      %div3A_185 = arith.divf %broadcast_in_dim3A_178, %add3A_184 : vector<16xf32>
      %add3A_186 = arith.addf %add3A_168, %div3A_185 : vector<16xf32>
      %mul3A_187 = arith.constant 9.53674316E-7 : f32
      %mul3A_188 = vector.broadcast %mul3A_187 : f32 to vector<16xf32>
      %mul3A_189 = arith.mulf %add3A_186, %mul3A_188 : vector<16xf32>
      %swap3A = arith.constant 0 : index
      %swap3A_190 = tpu.vector_load %arg5[%swap3A] {strides = array<i32>} : memref<16xf32, #tpu.memory_space<vmem>>, vector<16xf32>,
      tpu.vector_store %arg5[%swap3A], %mul3A_189 {strides = array<i32>} : memref<16xf32, #tpu.memory_space<vmem>>, vector<16xf32>,
      "tpu.region"() ({
        %run_scoped3A = tpu.sem_alloc : memref<!tpu.dma_semaphore, #tpu.memory_space<semaphore_mem>>
        tpu.enqueue_dma source(%arg5 : memref<16xf32, #tpu.memory_space<vmem>>) target(%arg3 : memref<16xf32, #tpu.memory_space<hbm>>) target_semaphore(%run_scoped3A : memref<!tpu.dma_semaphore, #tpu.memory_space<semaphore_mem>>)
        tpu.wait_dma2 semaphore(%run_scoped3A : memref<!tpu.dma_semaphore, #tpu.memory_space<semaphore_mem>>) src(%arg5 : memref<16xf32, #tpu.memory_space<vmem>>) dst(%arg3 : memref<16xf32, #tpu.memory_space<hbm>>)
        tpu.yield
      }) : () -> ()
    } else {
    }
    return
  }
}

#map = affine_map<(d0, d1) -> (0)>
module attributes {stable_mosaic.version = 14 : i64} {
  func.func @_sc_accum(%arg0: i32, %arg1: i32, %arg2: memref<1048576xi32, #tpu.memory_space<hbm>>, %arg3: memref<10240xf32, #tpu.memory_space<hbm>>, %arg4: memref<32768xi32, #tpu.memory_space<vmem>>, %arg5: memref<160xf32, #tpu.memory_space<vmem>>, %arg6: memref<160xf32, #tpu.memory_space<vmem>>, %arg7: memref<160xf32, #tpu.memory_space<vmem>>, %arg8: memref<160xf32, #tpu.memory_space<vmem>>, %arg9: memref<160xf32, #tpu.memory_space<vmem>>, %arg10: memref<160xf32, #tpu.memory_space<vmem>>, %arg11: memref<160xf32, #tpu.memory_space<vmem>>, %arg12: memref<160xf32, #tpu.memory_space<vmem>>) attributes {dimension_semantics = [#tpu.dimension_semantics<core_parallel>, #tpu.dimension_semantics<subcore_parallel>], iteration_bounds = array<i64: 2, 16>, scalar_prefetch = 0 : i64, scratch_operands = 9 : i64, tpu.core_type = #tpu.core_type<sc_vector_subcore>, window_params = [{transform_indices = #map}, {transform_indices = #map}]} {
    %mul3A = arith.constant 2 : i32
    %mul3A_0 = arith.muli %arg1, %mul3A : i32
    %add3A = arith.addi %mul3A_0, %arg0 : i32
    %broadcast_in_dim3A = arith.constant 1.000000e+00 : f32
    %broadcast_in_dim3A_1 = vector.broadcast %broadcast_in_dim3A : f32 to vector<16xf32>
    %broadcast_in_dim3A_2 = arith.constant 0.000000e+00 : f32
    %broadcast_in_dim3A_3 = vector.broadcast %broadcast_in_dim3A_2 : f32 to vector<16xf32>
    %swap3A = arith.constant 0 : index
    %swap3A_4 = tpu.vector_load %arg5[%swap3A] {strides = array<i32>} : memref<160xf32, #tpu.memory_space<vmem>>, vector<16xf32>,
    tpu.vector_store %arg5[%swap3A], %broadcast_in_dim3A_3 {strides = array<i32>} : memref<160xf32, #tpu.memory_space<vmem>>, vector<16xf32>,
    %swap3A_5 = arith.constant 16 : index
    %swap3A_6 = tpu.vector_load %arg5[%swap3A_5] {strides = array<i32>} : memref<160xf32, #tpu.memory_space<vmem>>, vector<16xf32>,
    tpu.vector_store %arg5[%swap3A_5], %broadcast_in_dim3A_3 {strides = array<i32>} : memref<160xf32, #tpu.memory_space<vmem>>, vector<16xf32>,
    %swap3A_7 = arith.constant 32 : index
    %swap3A_8 = tpu.vector_load %arg5[%swap3A_7] {strides = array<i32>} : memref<160xf32, #tpu.memory_space<vmem>>, vector<16xf32>,
    tpu.vector_store %arg5[%swap3A_7], %broadcast_in_dim3A_3 {strides = array<i32>} : memref<160xf32, #tpu.memory_space<vmem>>, vector<16xf32>,
    %swap3A_9 = arith.constant 48 : index
    %swap3A_10 = tpu.vector_load %arg5[%swap3A_9] {strides = array<i32>} : memref<160xf32, #tpu.memory_space<vmem>>, vector<16xf32>,
    tpu.vector_store %arg5[%swap3A_9], %broadcast_in_dim3A_3 {strides = array<i32>} : memref<160xf32, #tpu.memory_space<vmem>>, vector<16xf32>,
    %swap3A_11 = arith.constant 64 : index
    %swap3A_12 = tpu.vector_load %arg5[%swap3A_11] {strides = array<i32>} : memref<160xf32, #tpu.memory_space<vmem>>, vector<16xf32>,
    tpu.vector_store %arg5[%swap3A_11], %broadcast_in_dim3A_3 {strides = array<i32>} : memref<160xf32, #tpu.memory_space<vmem>>, vector<16xf32>,
    %swap3A_13 = arith.constant 80 : index
    %swap3A_14 = tpu.vector_load %arg5[%swap3A_13] {strides = array<i32>} : memref<160xf32, #tpu.memory_space<vmem>>, vector<16xf32>,
    tpu.vector_store %arg5[%swap3A_13], %broadcast_in_dim3A_3 {strides = array<i32>} : memref<160xf32, #tpu.memory_space<vmem>>, vector<16xf32>,
    %swap3A_15 = arith.constant 96 : index
    %swap3A_16 = tpu.vector_load %arg5[%swap3A_15] {strides = array<i32>} : memref<160xf32, #tpu.memory_space<vmem>>, vector<16xf32>,
    tpu.vector_store %arg5[%swap3A_15], %broadcast_in_dim3A_3 {strides = array<i32>} : memref<160xf32, #tpu.memory_space<vmem>>, vector<16xf32>,
    %swap3A_17 = arith.constant 112 : index
    %swap3A_18 = tpu.vector_load %arg5[%swap3A_17] {strides = array<i32>} : memref<160xf32, #tpu.memory_space<vmem>>, vector<16xf32>,
    tpu.vector_store %arg5[%swap3A_17], %broadcast_in_dim3A_3 {strides = array<i32>} : memref<160xf32, #tpu.memory_space<vmem>>, vector<16xf32>,
    %swap3A_19 = arith.constant 128 : index
    %swap3A_20 = tpu.vector_load %arg5[%swap3A_19] {strides = array<i32>} : memref<160xf32, #tpu.memory_space<vmem>>, vector<16xf32>,
    tpu.vector_store %arg5[%swap3A_19], %broadcast_in_dim3A_3 {strides = array<i32>} : memref<160xf32, #tpu.memory_space<vmem>>, vector<16xf32>,
    %swap3A_21 = arith.constant 144 : index
    %swap3A_22 = tpu.vector_load %arg5[%swap3A_21] {strides = array<i32>} : memref<160xf32, #tpu.memory_space<vmem>>, vector<16xf32>,
    tpu.vector_store %arg5[%swap3A_21], %broadcast_in_dim3A_3 {strides = array<i32>} : memref<160xf32, #tpu.memory_space<vmem>>, vector<16xf32>,
    %swap3A_23 = arith.constant 0 : index
    %swap3A_24 = tpu.vector_load %arg6[%swap3A_23] {strides = array<i32>} : memref<160xf32, #tpu.memory_space<vmem>>, vector<16xf32>,
    tpu.vector_store %arg6[%swap3A_23], %broadcast_in_dim3A_3 {strides = array<i32>} : memref<160xf32, #tpu.memory_space<vmem>>, vector<16xf32>,
    %swap3A_25 = arith.constant 16 : index
    %swap3A_26 = tpu.vector_load %arg6[%swap3A_25] {strides = array<i32>} : memref<160xf32, #tpu.memory_space<vmem>>, vector<16xf32>,
    tpu.vector_store %arg6[%swap3A_25], %broadcast_in_dim3A_3 {strides = array<i32>} : memref<160xf32, #tpu.memory_space<vmem>>, vector<16xf32>,
    %swap3A_27 = arith.constant 32 : index
    %swap3A_28 = tpu.vector_load %arg6[%swap3A_27] {strides = array<i32>} : memref<160xf32, #tpu.memory_space<vmem>>, vector<16xf32>,
    tpu.vector_store %arg6[%swap3A_27], %broadcast_in_dim3A_3 {strides = array<i32>} : memref<160xf32, #tpu.memory_space<vmem>>, vector<16xf32>,
    %swap3A_29 = arith.constant 48 : index
    %swap3A_30 = tpu.vector_load %arg6[%swap3A_29] {strides = array<i32>} : memref<160xf32, #tpu.memory_space<vmem>>, vector<16xf32>,
    tpu.vector_store %arg6[%swap3A_29], %broadcast_in_dim3A_3 {strides = array<i32>} : memref<160xf32, #tpu.memory_space<vmem>>, vector<16xf32>,
    %swap3A_31 = arith.constant 64 : index
    %swap3A_32 = tpu.vector_load %arg6[%swap3A_31] {strides = array<i32>} : memref<160xf32, #tpu.memory_space<vmem>>, vector<16xf32>,
    tpu.vector_store %arg6[%swap3A_31], %broadcast_in_dim3A_3 {strides = array<i32>} : memref<160xf32, #tpu.memory_space<vmem>>, vector<16xf32>,
    %swap3A_33 = arith.constant 80 : index
    %swap3A_34 = tpu.vector_load %arg6[%swap3A_33] {strides = array<i32>} : memref<160xf32, #tpu.memory_space<vmem>>, vector<16xf32>,
    tpu.vector_store %arg6[%swap3A_33], %broadcast_in_dim3A_3 {strides = array<i32>} : memref<160xf32, #tpu.memory_space<vmem>>, vector<16xf32>,
    %swap3A_35 = arith.constant 96 : index
    %swap3A_36 = tpu.vector_load %arg6[%swap3A_35] {strides = array<i32>} : memref<160xf32, #tpu.memory_space<vmem>>, vector<16xf32>,
    tpu.vector_store %arg6[%swap3A_35], %broadcast_in_dim3A_3 {strides = array<i32>} : memref<160xf32, #tpu.memory_space<vmem>>, vector<16xf32>,
    %swap3A_37 = arith.constant 112 : index
    %swap3A_38 = tpu.vector_load %arg6[%swap3A_37] {strides = array<i32>} : memref<160xf32, #tpu.memory_space<vmem>>, vector<16xf32>,
    tpu.vector_store %arg6[%swap3A_37], %broadcast_in_dim3A_3 {strides = array<i32>} : memref<160xf32, #tpu.memory_space<vmem>>, vector<16xf32>,
    %swap3A_39 = arith.constant 128 : index
    %swap3A_40 = tpu.vector_load %arg6[%swap3A_39] {strides = array<i32>} : memref<160xf32, #tpu.memory_space<vmem>>, vector<16xf32>,
    tpu.vector_store %arg6[%swap3A_39], %broadcast_in_dim3A_3 {strides = array<i32>} : memref<160xf32, #tpu.memory_space<vmem>>, vector<16xf32>,
    %swap3A_41 = arith.constant 144 : index
    %swap3A_42 = tpu.vector_load %arg6[%swap3A_41] {strides = array<i32>} : memref<160xf32, #tpu.memory_space<vmem>>, vector<16xf32>,
    tpu.vector_store %arg6[%swap3A_41], %broadcast_in_dim3A_3 {strides = array<i32>} : memref<160xf32, #tpu.memory_space<vmem>>, vector<16xf32>,
    %swap3A_43 = arith.constant 0 : index
    %swap3A_44 = tpu.vector_load %arg7[%swap3A_43] {strides = array<i32>} : memref<160xf32, #tpu.memory_space<vmem>>, vector<16xf32>,
    tpu.vector_store %arg7[%swap3A_43], %broadcast_in_dim3A_3 {strides = array<i32>} : memref<160xf32, #tpu.memory_space<vmem>>, vector<16xf32>,
    %swap3A_45 = arith.constant 16 : index
    %swap3A_46 = tpu.vector_load %arg7[%swap3A_45] {strides = array<i32>} : memref<160xf32, #tpu.memory_space<vmem>>, vector<16xf32>,
    tpu.vector_store %arg7[%swap3A_45], %broadcast_in_dim3A_3 {strides = array<i32>} : memref<160xf32, #tpu.memory_space<vmem>>, vector<16xf32>,
    %swap3A_47 = arith.constant 32 : index
    %swap3A_48 = tpu.vector_load %arg7[%swap3A_47] {strides = array<i32>} : memref<160xf32, #tpu.memory_space<vmem>>, vector<16xf32>,
    tpu.vector_store %arg7[%swap3A_47], %broadcast_in_dim3A_3 {strides = array<i32>} : memref<160xf32, #tpu.memory_space<vmem>>, vector<16xf32>,
    %swap3A_49 = arith.constant 48 : index
    %swap3A_50 = tpu.vector_load %arg7[%swap3A_49] {strides = array<i32>} : memref<160xf32, #tpu.memory_space<vmem>>, vector<16xf32>,
    tpu.vector_store %arg7[%swap3A_49], %broadcast_in_dim3A_3 {strides = array<i32>} : memref<160xf32, #tpu.memory_space<vmem>>, vector<16xf32>,
    %swap3A_51 = arith.constant 64 : index
    %swap3A_52 = tpu.vector_load %arg7[%swap3A_51] {strides = array<i32>} : memref<160xf32, #tpu.memory_space<vmem>>, vector<16xf32>,
    tpu.vector_store %arg7[%swap3A_51], %broadcast_in_dim3A_3 {strides = array<i32>} : memref<160xf32, #tpu.memory_space<vmem>>, vector<16xf32>,
    %swap3A_53 = arith.constant 80 : index
    %swap3A_54 = tpu.vector_load %arg7[%swap3A_53] {strides = array<i32>} : memref<160xf32, #tpu.memory_space<vmem>>, vector<16xf32>,
    tpu.vector_store %arg7[%swap3A_53], %broadcast_in_dim3A_3 {strides = array<i32>} : memref<160xf32, #tpu.memory_space<vmem>>, vector<16xf32>,
    %swap3A_55 = arith.constant 96 : index
    %swap3A_56 = tpu.vector_load %arg7[%swap3A_55] {strides = array<i32>} : memref<160xf32, #tpu.memory_space<vmem>>, vector<16xf32>,
    tpu.vector_store %arg7[%swap3A_55], %broadcast_in_dim3A_3 {strides = array<i32>} : memref<160xf32, #tpu.memory_space<vmem>>, vector<16xf32>,
    %swap3A_57 = arith.constant 112 : index
    %swap3A_58 = tpu.vector_load %arg7[%swap3A_57] {strides = array<i32>} : memref<160xf32, #tpu.memory_space<vmem>>, vector<16xf32>,
    tpu.vector_store %arg7[%swap3A_57], %broadcast_in_dim3A_3 {strides = array<i32>} : memref<160xf32, #tpu.memory_space<vmem>>, vector<16xf32>,
    %swap3A_59 = arith.constant 128 : index
    %swap3A_60 = tpu.vector_load %arg7[%swap3A_59] {strides = array<i32>} : memref<160xf32, #tpu.memory_space<vmem>>, vector<16xf32>,
    tpu.vector_store %arg7[%swap3A_59], %broadcast_in_dim3A_3 {strides = array<i32>} : memref<160xf32, #tpu.memory_space<vmem>>, vector<16xf32>,
    %swap3A_61 = arith.constant 144 : index
    %swap3A_62 = tpu.vector_load %arg7[%swap3A_61] {strides = array<i32>} : memref<160xf32, #tpu.memory_space<vmem>>, vector<16xf32>,
    tpu.vector_store %arg7[%swap3A_61], %broadcast_in_dim3A_3 {strides = array<i32>} : memref<160xf32, #tpu.memory_space<vmem>>, vector<16xf32>,
    %swap3A_63 = arith.constant 0 : index
    %swap3A_64 = tpu.vector_load %arg8[%swap3A_63] {strides = array<i32>} : memref<160xf32, #tpu.memory_space<vmem>>, vector<16xf32>,
    tpu.vector_store %arg8[%swap3A_63], %broadcast_in_dim3A_3 {strides = array<i32>} : memref<160xf32, #tpu.memory_space<vmem>>, vector<16xf32>,
    %swap3A_65 = arith.constant 16 : index
    %swap3A_66 = tpu.vector_load %arg8[%swap3A_65] {strides = array<i32>} : memref<160xf32, #tpu.memory_space<vmem>>, vector<16xf32>,
    tpu.vector_store %arg8[%swap3A_65], %broadcast_in_dim3A_3 {strides = array<i32>} : memref<160xf32, #tpu.memory_space<vmem>>, vector<16xf32>,
    %swap3A_67 = arith.constant 32 : index
    %swap3A_68 = tpu.vector_load %arg8[%swap3A_67] {strides = array<i32>} : memref<160xf32, #tpu.memory_space<vmem>>, vector<16xf32>,
    tpu.vector_store %arg8[%swap3A_67], %broadcast_in_dim3A_3 {strides = array<i32>} : memref<160xf32, #tpu.memory_space<vmem>>, vector<16xf32>,
    %swap3A_69 = arith.constant 48 : index
    %swap3A_70 = tpu.vector_load %arg8[%swap3A_69] {strides = array<i32>} : memref<160xf32, #tpu.memory_space<vmem>>, vector<16xf32>,
    tpu.vector_store %arg8[%swap3A_69], %broadcast_in_dim3A_3 {strides = array<i32>} : memref<160xf32, #tpu.memory_space<vmem>>, vector<16xf32>,
    %swap3A_71 = arith.constant 64 : index
    %swap3A_72 = tpu.vector_load %arg8[%swap3A_71] {strides = array<i32>} : memref<160xf32, #tpu.memory_space<vmem>>, vector<16xf32>,
    tpu.vector_store %arg8[%swap3A_71], %broadcast_in_dim3A_3 {strides = array<i32>} : memref<160xf32, #tpu.memory_space<vmem>>, vector<16xf32>,
    %swap3A_73 = arith.constant 80 : index
    %swap3A_74 = tpu.vector_load %arg8[%swap3A_73] {strides = array<i32>} : memref<160xf32, #tpu.memory_space<vmem>>, vector<16xf32>,
    tpu.vector_store %arg8[%swap3A_73], %broadcast_in_dim3A_3 {strides = array<i32>} : memref<160xf32, #tpu.memory_space<vmem>>, vector<16xf32>,
    %swap3A_75 = arith.constant 96 : index
    %swap3A_76 = tpu.vector_load %arg8[%swap3A_75] {strides = array<i32>} : memref<160xf32, #tpu.memory_space<vmem>>, vector<16xf32>,
    tpu.vector_store %arg8[%swap3A_75], %broadcast_in_dim3A_3 {strides = array<i32>} : memref<160xf32, #tpu.memory_space<vmem>>, vector<16xf32>,
    %swap3A_77 = arith.constant 112 : index
    %swap3A_78 = tpu.vector_load %arg8[%swap3A_77] {strides = array<i32>} : memref<160xf32, #tpu.memory_space<vmem>>, vector<16xf32>,
    tpu.vector_store %arg8[%swap3A_77], %broadcast_in_dim3A_3 {strides = array<i32>} : memref<160xf32, #tpu.memory_space<vmem>>, vector<16xf32>,
    %swap3A_79 = arith.constant 128 : index
    %swap3A_80 = tpu.vector_load %arg8[%swap3A_79] {strides = array<i32>} : memref<160xf32, #tpu.memory_space<vmem>>, vector<16xf32>,
    tpu.vector_store %arg8[%swap3A_79], %broadcast_in_dim3A_3 {strides = array<i32>} : memref<160xf32, #tpu.memory_space<vmem>>, vector<16xf32>,
    %swap3A_81 = arith.constant 144 : index
    %swap3A_82 = tpu.vector_load %arg8[%swap3A_81] {strides = array<i32>} : memref<160xf32, #tpu.memory_space<vmem>>, vector<16xf32>,
    tpu.vector_store %arg8[%swap3A_81], %broadcast_in_dim3A_3 {strides = array<i32>} : memref<160xf32, #tpu.memory_space<vmem>>, vector<16xf32>,
    %swap3A_83 = arith.constant 0 : index
    %swap3A_84 = tpu.vector_load %arg9[%swap3A_83] {strides = array<i32>} : memref<160xf32, #tpu.memory_space<vmem>>, vector<16xf32>,
    tpu.vector_store %arg9[%swap3A_83], %broadcast_in_dim3A_3 {strides = array<i32>} : memref<160xf32, #tpu.memory_space<vmem>>, vector<16xf32>,
    %swap3A_85 = arith.constant 16 : index
    %swap3A_86 = tpu.vector_load %arg9[%swap3A_85] {strides = array<i32>} : memref<160xf32, #tpu.memory_space<vmem>>, vector<16xf32>,
    tpu.vector_store %arg9[%swap3A_85], %broadcast_in_dim3A_3 {strides = array<i32>} : memref<160xf32, #tpu.memory_space<vmem>>, vector<16xf32>,
    %swap3A_87 = arith.constant 32 : index
    %swap3A_88 = tpu.vector_load %arg9[%swap3A_87] {strides = array<i32>} : memref<160xf32, #tpu.memory_space<vmem>>, vector<16xf32>,
    tpu.vector_store %arg9[%swap3A_87], %broadcast_in_dim3A_3 {strides = array<i32>} : memref<160xf32, #tpu.memory_space<vmem>>, vector<16xf32>,
    %swap3A_89 = arith.constant 48 : index
    %swap3A_90 = tpu.vector_load %arg9[%swap3A_89] {strides = array<i32>} : memref<160xf32, #tpu.memory_space<vmem>>, vector<16xf32>,
    tpu.vector_store %arg9[%swap3A_89], %broadcast_in_dim3A_3 {strides = array<i32>} : memref<160xf32, #tpu.memory_space<vmem>>, vector<16xf32>,
    %swap3A_91 = arith.constant 64 : index
    %swap3A_92 = tpu.vector_load %arg9[%swap3A_91] {strides = array<i32>} : memref<160xf32, #tpu.memory_space<vmem>>, vector<16xf32>,
    tpu.vector_store %arg9[%swap3A_91], %broadcast_in_dim3A_3 {strides = array<i32>} : memref<160xf32, #tpu.memory_space<vmem>>, vector<16xf32>,
    %swap3A_93 = arith.constant 80 : index
    %swap3A_94 = tpu.vector_load %arg9[%swap3A_93] {strides = array<i32>} : memref<160xf32, #tpu.memory_space<vmem>>, vector<16xf32>,
    tpu.vector_store %arg9[%swap3A_93], %broadcast_in_dim3A_3 {strides = array<i32>} : memref<160xf32, #tpu.memory_space<vmem>>, vector<16xf32>,
    %swap3A_95 = arith.constant 96 : index
    %swap3A_96 = tpu.vector_load %arg9[%swap3A_95] {strides = array<i32>} : memref<160xf32, #tpu.memory_space<vmem>>, vector<16xf32>,
    tpu.vector_store %arg9[%swap3A_95], %broadcast_in_dim3A_3 {strides = array<i32>} : memref<160xf32, #tpu.memory_space<vmem>>, vector<16xf32>,
    %swap3A_97 = arith.constant 112 : index
    %swap3A_98 = tpu.vector_load %arg9[%swap3A_97] {strides = array<i32>} : memref<160xf32, #tpu.memory_space<vmem>>, vector<16xf32>,
    tpu.vector_store %arg9[%swap3A_97], %broadcast_in_dim3A_3 {strides = array<i32>} : memref<160xf32, #tpu.memory_space<vmem>>, vector<16xf32>,
    %swap3A_99 = arith.constant 128 : index
    %swap3A_100 = tpu.vector_load %arg9[%swap3A_99] {strides = array<i32>} : memref<160xf32, #tpu.memory_space<vmem>>, vector<16xf32>,
    tpu.vector_store %arg9[%swap3A_99], %broadcast_in_dim3A_3 {strides = array<i32>} : memref<160xf32, #tpu.memory_space<vmem>>, vector<16xf32>,
    %swap3A_101 = arith.constant 144 : index
    %swap3A_102 = tpu.vector_load %arg9[%swap3A_101] {strides = array<i32>} : memref<160xf32, #tpu.memory_space<vmem>>, vector<16xf32>,
    tpu.vector_store %arg9[%swap3A_101], %broadcast_in_dim3A_3 {strides = array<i32>} : memref<160xf32, #tpu.memory_space<vmem>>, vector<16xf32>,
    %swap3A_103 = arith.constant 0 : index
    %swap3A_104 = tpu.vector_load %arg10[%swap3A_103] {strides = array<i32>} : memref<160xf32, #tpu.memory_space<vmem>>, vector<16xf32>,
    tpu.vector_store %arg10[%swap3A_103], %broadcast_in_dim3A_3 {strides = array<i32>} : memref<160xf32, #tpu.memory_space<vmem>>, vector<16xf32>,
    %swap3A_105 = arith.constant 16 : index
    %swap3A_106 = tpu.vector_load %arg10[%swap3A_105] {strides = array<i32>} : memref<160xf32, #tpu.memory_space<vmem>>, vector<16xf32>,
    tpu.vector_store %arg10[%swap3A_105], %broadcast_in_dim3A_3 {strides = array<i32>} : memref<160xf32, #tpu.memory_space<vmem>>, vector<16xf32>,
    %swap3A_107 = arith.constant 32 : index
    %swap3A_108 = tpu.vector_load %arg10[%swap3A_107] {strides = array<i32>} : memref<160xf32, #tpu.memory_space<vmem>>, vector<16xf32>,
    tpu.vector_store %arg10[%swap3A_107], %broadcast_in_dim3A_3 {strides = array<i32>} : memref<160xf32, #tpu.memory_space<vmem>>, vector<16xf32>,
    %swap3A_109 = arith.constant 48 : index
    %swap3A_110 = tpu.vector_load %arg10[%swap3A_109] {strides = array<i32>} : memref<160xf32, #tpu.memory_space<vmem>>, vector<16xf32>,
    tpu.vector_store %arg10[%swap3A_109], %broadcast_in_dim3A_3 {strides = array<i32>} : memref<160xf32, #tpu.memory_space<vmem>>, vector<16xf32>,
    %swap3A_111 = arith.constant 64 : index
    %swap3A_112 = tpu.vector_load %arg10[%swap3A_111] {strides = array<i32>} : memref<160xf32, #tpu.memory_space<vmem>>, vector<16xf32>,
    tpu.vector_store %arg10[%swap3A_111], %broadcast_in_dim3A_3 {strides = array<i32>} : memref<160xf32, #tpu.memory_space<vmem>>, vector<16xf32>,
    %swap3A_113 = arith.constant 80 : index
    %swap3A_114 = tpu.vector_load %arg10[%swap3A_113] {strides = array<i32>} : memref<160xf32, #tpu.memory_space<vmem>>, vector<16xf32>,
    tpu.vector_store %arg10[%swap3A_113], %broadcast_in_dim3A_3 {strides = array<i32>} : memref<160xf32, #tpu.memory_space<vmem>>, vector<16xf32>,
    %swap3A_115 = arith.constant 96 : index
    %swap3A_116 = tpu.vector_load %arg10[%swap3A_115] {strides = array<i32>} : memref<160xf32, #tpu.memory_space<vmem>>, vector<16xf32>,
    tpu.vector_store %arg10[%swap3A_115], %broadcast_in_dim3A_3 {strides = array<i32>} : memref<160xf32, #tpu.memory_space<vmem>>, vector<16xf32>,
    %swap3A_117 = arith.constant 112 : index
    %swap3A_118 = tpu.vector_load %arg10[%swap3A_117] {strides = array<i32>} : memref<160xf32, #tpu.memory_space<vmem>>, vector<16xf32>,
    tpu.vector_store %arg10[%swap3A_117], %broadcast_in_dim3A_3 {strides = array<i32>} : memref<160xf32, #tpu.memory_space<vmem>>, vector<16xf32>,
    %swap3A_119 = arith.constant 128 : index
    %swap3A_120 = tpu.vector_load %arg10[%swap3A_119] {strides = array<i32>} : memref<160xf32, #tpu.memory_space<vmem>>, vector<16xf32>,
    tpu.vector_store %arg10[%swap3A_119], %broadcast_in_dim3A_3 {strides = array<i32>} : memref<160xf32, #tpu.memory_space<vmem>>, vector<16xf32>,
    %swap3A_121 = arith.constant 144 : index
    %swap3A_122 = tpu.vector_load %arg10[%swap3A_121] {strides = array<i32>} : memref<160xf32, #tpu.memory_space<vmem>>, vector<16xf32>,
    tpu.vector_store %arg10[%swap3A_121], %broadcast_in_dim3A_3 {strides = array<i32>} : memref<160xf32, #tpu.memory_space<vmem>>, vector<16xf32>,
    %swap3A_123 = arith.constant 0 : index
    %swap3A_124 = tpu.vector_load %arg11[%swap3A_123] {strides = array<i32>} : memref<160xf32, #tpu.memory_space<vmem>>, vector<16xf32>,
    tpu.vector_store %arg11[%swap3A_123], %broadcast_in_dim3A_3 {strides = array<i32>} : memref<160xf32, #tpu.memory_space<vmem>>, vector<16xf32>,
    %swap3A_125 = arith.constant 16 : index
    %swap3A_126 = tpu.vector_load %arg11[%swap3A_125] {strides = array<i32>} : memref<160xf32, #tpu.memory_space<vmem>>, vector<16xf32>,
    tpu.vector_store %arg11[%swap3A_125], %broadcast_in_dim3A_3 {strides = array<i32>} : memref<160xf32, #tpu.memory_space<vmem>>, vector<16xf32>,
    %swap3A_127 = arith.constant 32 : index
    %swap3A_128 = tpu.vector_load %arg11[%swap3A_127] {strides = array<i32>} : memref<160xf32, #tpu.memory_space<vmem>>, vector<16xf32>,
    tpu.vector_store %arg11[%swap3A_127], %broadcast_in_dim3A_3 {strides = array<i32>} : memref<160xf32, #tpu.memory_space<vmem>>, vector<16xf32>,
    %swap3A_129 = arith.constant 48 : index
    %swap3A_130 = tpu.vector_load %arg11[%swap3A_129] {strides = array<i32>} : memref<160xf32, #tpu.memory_space<vmem>>, vector<16xf32>,
    tpu.vector_store %arg11[%swap3A_129], %broadcast_in_dim3A_3 {strides = array<i32>} : memref<160xf32, #tpu.memory_space<vmem>>, vector<16xf32>,
    %swap3A_131 = arith.constant 64 : index
    %swap3A_132 = tpu.vector_load %arg11[%swap3A_131] {strides = array<i32>} : memref<160xf32, #tpu.memory_space<vmem>>, vector<16xf32>,
    tpu.vector_store %arg11[%swap3A_131], %broadcast_in_dim3A_3 {strides = array<i32>} : memref<160xf32, #tpu.memory_space<vmem>>, vector<16xf32>,
    %swap3A_133 = arith.constant 80 : index
    %swap3A_134 = tpu.vector_load %arg11[%swap3A_133] {strides = array<i32>} : memref<160xf32, #tpu.memory_space<vmem>>, vector<16xf32>,
    tpu.vector_store %arg11[%swap3A_133], %broadcast_in_dim3A_3 {strides = array<i32>} : memref<160xf32, #tpu.memory_space<vmem>>, vector<16xf32>,
    %swap3A_135 = arith.constant 96 : index
    %swap3A_136 = tpu.vector_load %arg11[%swap3A_135] {strides = array<i32>} : memref<160xf32, #tpu.memory_space<vmem>>, vector<16xf32>,
    tpu.vector_store %arg11[%swap3A_135], %broadcast_in_dim3A_3 {strides = array<i32>} : memref<160xf32, #tpu.memory_space<vmem>>, vector<16xf32>,
    %swap3A_137 = arith.constant 112 : index
    %swap3A_138 = tpu.vector_load %arg11[%swap3A_137] {strides = array<i32>} : memref<160xf32, #tpu.memory_space<vmem>>, vector<16xf32>,
    tpu.vector_store %arg11[%swap3A_137], %broadcast_in_dim3A_3 {strides = array<i32>} : memref<160xf32, #tpu.memory_space<vmem>>, vector<16xf32>,
    %swap3A_139 = arith.constant 128 : index
    %swap3A_140 = tpu.vector_load %arg11[%swap3A_139] {strides = array<i32>} : memref<160xf32, #tpu.memory_space<vmem>>, vector<16xf32>,
    tpu.vector_store %arg11[%swap3A_139], %broadcast_in_dim3A_3 {strides = array<i32>} : memref<160xf32, #tpu.memory_space<vmem>>, vector<16xf32>,
    %swap3A_141 = arith.constant 144 : index
    %swap3A_142 = tpu.vector_load %arg11[%swap3A_141] {strides = array<i32>} : memref<160xf32, #tpu.memory_space<vmem>>, vector<16xf32>,
    tpu.vector_store %arg11[%swap3A_141], %broadcast_in_dim3A_3 {strides = array<i32>} : memref<160xf32, #tpu.memory_space<vmem>>, vector<16xf32>,
    %swap3A_143 = arith.constant 0 : index
    %swap3A_144 = tpu.vector_load %arg12[%swap3A_143] {strides = array<i32>} : memref<160xf32, #tpu.memory_space<vmem>>, vector<16xf32>,
    tpu.vector_store %arg12[%swap3A_143], %broadcast_in_dim3A_3 {strides = array<i32>} : memref<160xf32, #tpu.memory_space<vmem>>, vector<16xf32>,
    %swap3A_145 = arith.constant 16 : index
    %swap3A_146 = tpu.vector_load %arg12[%swap3A_145] {strides = array<i32>} : memref<160xf32, #tpu.memory_space<vmem>>, vector<16xf32>,
    tpu.vector_store %arg12[%swap3A_145], %broadcast_in_dim3A_3 {strides = array<i32>} : memref<160xf32, #tpu.memory_space<vmem>>, vector<16xf32>,
    %swap3A_147 = arith.constant 32 : index
    %swap3A_148 = tpu.vector_load %arg12[%swap3A_147] {strides = array<i32>} : memref<160xf32, #tpu.memory_space<vmem>>, vector<16xf32>,
    tpu.vector_store %arg12[%swap3A_147], %broadcast_in_dim3A_3 {strides = array<i32>} : memref<160xf32, #tpu.memory_space<vmem>>, vector<16xf32>,
    %swap3A_149 = arith.constant 48 : index
    %swap3A_150 = tpu.vector_load %arg12[%swap3A_149] {strides = array<i32>} : memref<160xf32, #tpu.memory_space<vmem>>, vector<16xf32>,
    tpu.vector_store %arg12[%swap3A_149], %broadcast_in_dim3A_3 {strides = array<i32>} : memref<160xf32, #tpu.memory_space<vmem>>, vector<16xf32>,
    %swap3A_151 = arith.constant 64 : index
    %swap3A_152 = tpu.vector_load %arg12[%swap3A_151] {strides = array<i32>} : memref<160xf32, #tpu.memory_space<vmem>>, vector<16xf32>,
    tpu.vector_store %arg12[%swap3A_151], %broadcast_in_dim3A_3 {strides = array<i32>} : memref<160xf32, #tpu.memory_space<vmem>>, vector<16xf32>,
    %swap3A_153 = arith.constant 80 : index
    %swap3A_154 = tpu.vector_load %arg12[%swap3A_153] {strides = array<i32>} : memref<160xf32, #tpu.memory_space<vmem>>, vector<16xf32>,
    tpu.vector_store %arg12[%swap3A_153], %broadcast_in_dim3A_3 {strides = array<i32>} : memref<160xf32, #tpu.memory_space<vmem>>, vector<16xf32>,
    %swap3A_155 = arith.constant 96 : index
    %swap3A_156 = tpu.vector_load %arg12[%swap3A_155] {strides = array<i32>} : memref<160xf32, #tpu.memory_space<vmem>>, vector<16xf32>,
    tpu.vector_store %arg12[%swap3A_155], %broadcast_in_dim3A_3 {strides = array<i32>} : memref<160xf32, #tpu.memory_space<vmem>>, vector<16xf32>,
    %swap3A_157 = arith.constant 112 : index
    %swap3A_158 = tpu.vector_load %arg12[%swap3A_157] {strides = array<i32>} : memref<160xf32, #tpu.memory_space<vmem>>, vector<16xf32>,
    tpu.vector_store %arg12[%swap3A_157], %broadcast_in_dim3A_3 {strides = array<i32>} : memref<160xf32, #tpu.memory_space<vmem>>, vector<16xf32>,
    %swap3A_159 = arith.constant 128 : index
    %swap3A_160 = tpu.vector_load %arg12[%swap3A_159] {strides = array<i32>} : memref<160xf32, #tpu.memory_space<vmem>>, vector<16xf32>,
    tpu.vector_store %arg12[%swap3A_159], %broadcast_in_dim3A_3 {strides = array<i32>} : memref<160xf32, #tpu.memory_space<vmem>>, vector<16xf32>,
    %swap3A_161 = arith.constant 144 : index
    %swap3A_162 = tpu.vector_load %arg12[%swap3A_161] {strides = array<i32>} : memref<160xf32, #tpu.memory_space<vmem>>, vector<16xf32>,
    tpu.vector_store %arg12[%swap3A_161], %broadcast_in_dim3A_3 {strides = array<i32>} : memref<160xf32, #tpu.memory_space<vmem>>, vector<16xf32>,
    %mul3A_163 = arith.constant 32768 : i32
    %mul3A_164 = arith.muli %add3A, %mul3A_163 : i32
    "tpu.region"() ({
      %run_scoped3A = tpu.sem_alloc : memref<!tpu.dma_semaphore, #tpu.memory_space<semaphore_mem>>
      %dma_start3A = tpu.memref_slice %arg2[%mul3A_164] : memref<1048576xi32, #tpu.memory_space<hbm>> -> memref<32768xi32, #tpu.memory_space<hbm>>
      %dma_start3A_435 = tpu.memref_slice %arg2[%mul3A_164] : memref<1048576xi32, #tpu.memory_space<hbm>> -> memref<32768xi32, #tpu.memory_space<hbm>>
      tpu.enqueue_dma source(%dma_start3A_435 : memref<32768xi32, #tpu.memory_space<hbm>>) target(%arg4 : memref<32768xi32, #tpu.memory_space<vmem>>) target_semaphore(%run_scoped3A : memref<!tpu.dma_semaphore, #tpu.memory_space<semaphore_mem>>)
      %dma_wait3A = tpu.memref_slice %arg2[%mul3A_164] : memref<1048576xi32, #tpu.memory_space<hbm>> -> memref<32768xi32, #tpu.memory_space<hbm>>
      %dma_wait3A_436 = tpu.memref_slice %arg2[%mul3A_164] : memref<1048576xi32, #tpu.memory_space<hbm>> -> memref<32768xi32, #tpu.memory_space<hbm>>
      tpu.wait_dma2 semaphore(%run_scoped3A : memref<!tpu.dma_semaphore, #tpu.memory_space<semaphore_mem>>) src(%dma_wait3A_436 : memref<32768xi32, #tpu.memory_space<hbm>>) dst(%arg4 : memref<32768xi32, #tpu.memory_space<vmem>>)
      tpu.yield
    }) : () -> ()
    %scan3A = arith.constant 0 : i32
    %scan3A_165 = arith.constant 0 : i32
    %scan3A_166 = arith.constant 256 : i32
    %scan3A_167 = arith.addi %scan3A_165, %scan3A_166 : i32
    %scan3A_168 = arith.constant 1 : i32
    scf.for %scan3A_435 = %scan3A_165 to %scan3A_167 step %scan3A_168  : i32 {
      %mul3A_436 = arith.constant 128 : i32
      %mul3A_437 = arith.muli %scan3A_435, %mul3A_436 : i32
      %multiple_of3A = tpu.assume_multiple %mul3A_437, 128 : i32
      %add3A_438 = arith.constant 0 : i32
      %add3A_439 = arith.addi %multiple_of3A, %add3A_438 : i32
      %get3A_440 = arith.index_cast %add3A_439 : i32 to index
      %get3A_441 = tpu.vector_load %arg4[%get3A_440] {strides = array<i32>} : memref<32768xi32, #tpu.memory_space<vmem>>, vector<16xi32>,
      %and3A = arith.constant 255 : i32
      %and3A_442 = vector.broadcast %and3A : i32 to vector<16xi32>
      %and3A_443 = arith.andi %get3A_441, %and3A_442 : vector<16xi32>
      %and3A_444 = arith.constant -65536 : i32
      %and3A_445 = vector.broadcast %and3A_444 : i32 to vector<16xi32>
      %and3A_446 = arith.andi %get3A_441, %and3A_445 : vector<16xi32>
      %bitcast_convert_type3A = tpu.bitcast %and3A_446 : vector<16xi32> -> vector<16xf32>
      tpu.vector_store_idx %arg5[%and3A_443], %broadcast_in_dim3A_1 {add = true} : memref<160xf32, #tpu.memory_space<vmem>>[vector<16xi32>], vector<16xf32>,
      tpu.vector_store_idx %arg9[%and3A_443], %bitcast_convert_type3A {add = true} : memref<160xf32, #tpu.memory_space<vmem>>[vector<16xi32>], vector<16xf32>,
      %add3A_447 = arith.constant 16 : i32
      %add3A_448 = arith.addi %multiple_of3A, %add3A_447 : i32
      %get3A_449 = arith.index_cast %add3A_448 : i32 to index
      %get3A_450 = tpu.vector_load %arg4[%get3A_449] {strides = array<i32>} : memref<32768xi32, #tpu.memory_space<vmem>>, vector<16xi32>,
      %and3A_451 = arith.constant 255 : i32
      %and3A_452 = vector.broadcast %and3A_451 : i32 to vector<16xi32>
      %and3A_453 = arith.andi %get3A_450, %and3A_452 : vector<16xi32>
      %and3A_454 = arith.constant -65536 : i32
      %and3A_455 = vector.broadcast %and3A_454 : i32 to vector<16xi32>
      %and3A_456 = arith.andi %get3A_450, %and3A_455 : vector<16xi32>
      %bitcast_convert_type3A_457 = tpu.bitcast %and3A_456 : vector<16xi32> -> vector<16xf32>
      tpu.vector_store_idx %arg6[%and3A_453], %broadcast_in_dim3A_1 {add = true} : memref<160xf32, #tpu.memory_space<vmem>>[vector<16xi32>], vector<16xf32>,
      tpu.vector_store_idx %arg10[%and3A_453], %bitcast_convert_type3A_457 {add = true} : memref<160xf32, #tpu.memory_space<vmem>>[vector<16xi32>], vector<16xf32>,
      %add3A_458 = arith.constant 32 : i32
      %add3A_459 = arith.addi %multiple_of3A, %add3A_458 : i32
      %get3A_460 = arith.index_cast %add3A_459 : i32 to index
      %get3A_461 = tpu.vector_load %arg4[%get3A_460] {strides = array<i32>} : memref<32768xi32, #tpu.memory_space<vmem>>, vector<16xi32>,
      %and3A_462 = arith.constant 255 : i32
      %and3A_463 = vector.broadcast %and3A_462 : i32 to vector<16xi32>
      %and3A_464 = arith.andi %get3A_461, %and3A_463 : vector<16xi32>
      %and3A_465 = arith.constant -65536 : i32
      %and3A_466 = vector.broadcast %and3A_465 : i32 to vector<16xi32>
      %and3A_467 = arith.andi %get3A_461, %and3A_466 : vector<16xi32>
      %bitcast_convert_type3A_468 = tpu.bitcast %and3A_467 : vector<16xi32> -> vector<16xf32>
      tpu.vector_store_idx %arg7[%and3A_464], %broadcast_in_dim3A_1 {add = true} : memref<160xf32, #tpu.memory_space<vmem>>[vector<16xi32>], vector<16xf32>,
      tpu.vector_store_idx %arg11[%and3A_464], %bitcast_convert_type3A_468 {add = true} : memref<160xf32, #tpu.memory_space<vmem>>[vector<16xi32>], vector<16xf32>,
      %add3A_469 = arith.constant 48 : i32
      %add3A_470 = arith.addi %multiple_of3A, %add3A_469 : i32
      %get3A_471 = arith.index_cast %add3A_470 : i32 to index
      %get3A_472 = tpu.vector_load %arg4[%get3A_471] {strides = array<i32>} : memref<32768xi32, #tpu.memory_space<vmem>>, vector<16xi32>,
      %and3A_473 = arith.constant 255 : i32
      %and3A_474 = vector.broadcast %and3A_473 : i32 to vector<16xi32>
      %and3A_475 = arith.andi %get3A_472, %and3A_474 : vector<16xi32>
      %and3A_476 = arith.constant -65536 : i32
      %and3A_477 = vector.broadcast %and3A_476 : i32 to vector<16xi32>
      %and3A_478 = arith.andi %get3A_472, %and3A_477 : vector<16xi32>
      %bitcast_convert_type3A_479 = tpu.bitcast %and3A_478 : vector<16xi32> -> vector<16xf32>
      tpu.vector_store_idx %arg8[%and3A_475], %broadcast_in_dim3A_1 {add = true} : memref<160xf32, #tpu.memory_space<vmem>>[vector<16xi32>], vector<16xf32>,
      tpu.vector_store_idx %arg12[%and3A_475], %bitcast_convert_type3A_479 {add = true} : memref<160xf32, #tpu.memory_space<vmem>>[vector<16xi32>], vector<16xf32>,
      %add3A_480 = arith.constant 64 : i32
      %add3A_481 = arith.addi %multiple_of3A, %add3A_480 : i32
      %get3A_482 = arith.index_cast %add3A_481 : i32 to index
      %get3A_483 = tpu.vector_load %arg4[%get3A_482] {strides = array<i32>} : memref<32768xi32, #tpu.memory_space<vmem>>, vector<16xi32>,
      %and3A_484 = arith.constant 255 : i32
      %and3A_485 = vector.broadcast %and3A_484 : i32 to vector<16xi32>
      %and3A_486 = arith.andi %get3A_483, %and3A_485 : vector<16xi32>
      %and3A_487 = arith.constant -65536 : i32
      %and3A_488 = vector.broadcast %and3A_487 : i32 to vector<16xi32>
      %and3A_489 = arith.andi %get3A_483, %and3A_488 : vector<16xi32>
      %bitcast_convert_type3A_490 = tpu.bitcast %and3A_489 : vector<16xi32> -> vector<16xf32>
      tpu.vector_store_idx %arg5[%and3A_486], %broadcast_in_dim3A_1 {add = true} : memref<160xf32, #tpu.memory_space<vmem>>[vector<16xi32>], vector<16xf32>,
      tpu.vector_store_idx %arg9[%and3A_486], %bitcast_convert_type3A_490 {add = true} : memref<160xf32, #tpu.memory_space<vmem>>[vector<16xi32>], vector<16xf32>,
      %add3A_491 = arith.constant 80 : i32
      %add3A_492 = arith.addi %multiple_of3A, %add3A_491 : i32
      %get3A_493 = arith.index_cast %add3A_492 : i32 to index
      %get3A_494 = tpu.vector_load %arg4[%get3A_493] {strides = array<i32>} : memref<32768xi32, #tpu.memory_space<vmem>>, vector<16xi32>,
      %and3A_495 = arith.constant 255 : i32
      %and3A_496 = vector.broadcast %and3A_495 : i32 to vector<16xi32>
      %and3A_497 = arith.andi %get3A_494, %and3A_496 : vector<16xi32>
      %and3A_498 = arith.constant -65536 : i32
      %and3A_499 = vector.broadcast %and3A_498 : i32 to vector<16xi32>
      %and3A_500 = arith.andi %get3A_494, %and3A_499 : vector<16xi32>
      %bitcast_convert_type3A_501 = tpu.bitcast %and3A_500 : vector<16xi32> -> vector<16xf32>
      tpu.vector_store_idx %arg6[%and3A_497], %broadcast_in_dim3A_1 {add = true} : memref<160xf32, #tpu.memory_space<vmem>>[vector<16xi32>], vector<16xf32>,
      tpu.vector_store_idx %arg10[%and3A_497], %bitcast_convert_type3A_501 {add = true} : memref<160xf32, #tpu.memory_space<vmem>>[vector<16xi32>], vector<16xf32>,
      %add3A_502 = arith.constant 96 : i32
      %add3A_503 = arith.addi %multiple_of3A, %add3A_502 : i32
      %get3A_504 = arith.index_cast %add3A_503 : i32 to index
      %get3A_505 = tpu.vector_load %arg4[%get3A_504] {strides = array<i32>} : memref<32768xi32, #tpu.memory_space<vmem>>, vector<16xi32>,
      %and3A_506 = arith.constant 255 : i32
      %and3A_507 = vector.broadcast %and3A_506 : i32 to vector<16xi32>
      %and3A_508 = arith.andi %get3A_505, %and3A_507 : vector<16xi32>
      %and3A_509 = arith.constant -65536 : i32
      %and3A_510 = vector.broadcast %and3A_509 : i32 to vector<16xi32>
      %and3A_511 = arith.andi %get3A_505, %and3A_510 : vector<16xi32>
      %bitcast_convert_type3A_512 = tpu.bitcast %and3A_511 : vector<16xi32> -> vector<16xf32>
      tpu.vector_store_idx %arg7[%and3A_508], %broadcast_in_dim3A_1 {add = true} : memref<160xf32, #tpu.memory_space<vmem>>[vector<16xi32>], vector<16xf32>,
      tpu.vector_store_idx %arg11[%and3A_508], %bitcast_convert_type3A_512 {add = true} : memref<160xf32, #tpu.memory_space<vmem>>[vector<16xi32>], vector<16xf32>,
      %add3A_513 = arith.constant 112 : i32
      %add3A_514 = arith.addi %multiple_of3A, %add3A_513 : i32
      %get3A_515 = arith.index_cast %add3A_514 : i32 to index
      %get3A_516 = tpu.vector_load %arg4[%get3A_515] {strides = array<i32>} : memref<32768xi32, #tpu.memory_space<vmem>>, vector<16xi32>,
      %and3A_517 = arith.constant 255 : i32
      %and3A_518 = vector.broadcast %and3A_517 : i32 to vector<16xi32>
      %and3A_519 = arith.andi %get3A_516, %and3A_518 : vector<16xi32>
      %and3A_520 = arith.constant -65536 : i32
      %and3A_521 = vector.broadcast %and3A_520 : i32 to vector<16xi32>
      %and3A_522 = arith.andi %get3A_516, %and3A_521 : vector<16xi32>
      %bitcast_convert_type3A_523 = tpu.bitcast %and3A_522 : vector<16xi32> -> vector<16xf32>
      tpu.vector_store_idx %arg8[%and3A_519], %broadcast_in_dim3A_1 {add = true} : memref<160xf32, #tpu.memory_space<vmem>>[vector<16xi32>], vector<16xf32>,
      tpu.vector_store_idx %arg12[%and3A_519], %bitcast_convert_type3A_523 {add = true} : memref<160xf32, #tpu.memory_space<vmem>>[vector<16xi32>], vector<16xf32>,
    }
    %scan3A_169 = arith.constant 256 : i32
    %get3A = arith.constant 0 : index
    %get3A_170 = tpu.vector_load %arg5[%get3A] {strides = array<i32>} : memref<160xf32, #tpu.memory_space<vmem>>, vector<16xf32>,
    %get3A_171 = arith.constant 0 : index
    %get3A_172 = tpu.vector_load %arg6[%get3A_171] {strides = array<i32>} : memref<160xf32, #tpu.memory_space<vmem>>, vector<16xf32>,
    %get3A_173 = arith.constant 0 : index
    %get3A_174 = tpu.vector_load %arg7[%get3A_173] {strides = array<i32>} : memref<160xf32, #tpu.memory_space<vmem>>, vector<16xf32>,
    %add3A_175 = arith.addf %get3A_172, %get3A_174 : vector<16xf32>
    %get3A_176 = arith.constant 0 : index
    %get3A_177 = tpu.vector_load %arg8[%get3A_176] {strides = array<i32>} : memref<160xf32, #tpu.memory_space<vmem>>, vector<16xf32>,
    %add3A_178 = arith.addf %add3A_175, %get3A_177 : vector<16xf32>
    %add3A_179 = arith.addf %get3A_170, %add3A_178 : vector<16xf32>
    %swap3A_180 = arith.constant 0 : index
    %swap3A_181 = tpu.vector_load %arg5[%swap3A_180] {strides = array<i32>} : memref<160xf32, #tpu.memory_space<vmem>>, vector<16xf32>,
    tpu.vector_store %arg5[%swap3A_180], %add3A_179 {strides = array<i32>} : memref<160xf32, #tpu.memory_space<vmem>>, vector<16xf32>,
    %get3A_182 = arith.constant 0 : index
    %get3A_183 = tpu.vector_load %arg9[%get3A_182] {strides = array<i32>} : memref<160xf32, #tpu.memory_space<vmem>>, vector<16xf32>,
    %get3A_184 = arith.constant 0 : index
    %get3A_185 = tpu.vector_load %arg10[%get3A_184] {strides = array<i32>} : memref<160xf32, #tpu.memory_space<vmem>>, vector<16xf32>,
    %get3A_186 = arith.constant 0 : index
    %get3A_187 = tpu.vector_load %arg11[%get3A_186] {strides = array<i32>} : memref<160xf32, #tpu.memory_space<vmem>>, vector<16xf32>,
    %add3A_188 = arith.addf %get3A_185, %get3A_187 : vector<16xf32>
    %get3A_189 = arith.constant 0 : index
    %get3A_190 = tpu.vector_load %arg12[%get3A_189] {strides = array<i32>} : memref<160xf32, #tpu.memory_space<vmem>>, vector<16xf32>,
    %add3A_191 = arith.addf %add3A_188, %get3A_190 : vector<16xf32>
    %add3A_192 = arith.addf %get3A_183, %add3A_191 : vector<16xf32>
    %swap3A_193 = arith.constant 0 : index
    %swap3A_194 = tpu.vector_load %arg9[%swap3A_193] {strides = array<i32>} : memref<160xf32, #tpu.memory_space<vmem>>, vector<16xf32>,
    tpu.vector_store %arg9[%swap3A_193], %add3A_192 {strides = array<i32>} : memref<160xf32, #tpu.memory_space<vmem>>, vector<16xf32>,
    %get3A_195 = arith.constant 16 : index
    %get3A_196 = tpu.vector_load %arg5[%get3A_195] {strides = array<i32>} : memref<160xf32, #tpu.memory_space<vmem>>, vector<16xf32>,
    %get3A_197 = arith.constant 16 : index
    %get3A_198 = tpu.vector_load %arg6[%get3A_197] {strides = array<i32>} : memref<160xf32, #tpu.memory_space<vmem>>, vector<16xf32>,
    %get3A_199 = arith.constant 16 : index
    %get3A_200 = tpu.vector_load %arg7[%get3A_199] {strides = array<i32>} : memref<160xf32, #tpu.memory_space<vmem>>, vector<16xf32>,
    %add3A_201 = arith.addf %get3A_198, %get3A_200 : vector<16xf32>
    %get3A_202 = arith.constant 16 : index
    %get3A_203 = tpu.vector_load %arg8[%get3A_202] {strides = array<i32>} : memref<160xf32, #tpu.memory_space<vmem>>, vector<16xf32>,
    %add3A_204 = arith.addf %add3A_201, %get3A_203 : vector<16xf32>
    %add3A_205 = arith.addf %get3A_196, %add3A_204 : vector<16xf32>
    %swap3A_206 = arith.constant 16 : index
    %swap3A_207 = tpu.vector_load %arg5[%swap3A_206] {strides = array<i32>} : memref<160xf32, #tpu.memory_space<vmem>>, vector<16xf32>,
    tpu.vector_store %arg5[%swap3A_206], %add3A_205 {strides = array<i32>} : memref<160xf32, #tpu.memory_space<vmem>>, vector<16xf32>,
    %get3A_208 = arith.constant 16 : index
    %get3A_209 = tpu.vector_load %arg9[%get3A_208] {strides = array<i32>} : memref<160xf32, #tpu.memory_space<vmem>>, vector<16xf32>,
    %get3A_210 = arith.constant 16 : index
    %get3A_211 = tpu.vector_load %arg10[%get3A_210] {strides = array<i32>} : memref<160xf32, #tpu.memory_space<vmem>>, vector<16xf32>,
    %get3A_212 = arith.constant 16 : index
    %get3A_213 = tpu.vector_load %arg11[%get3A_212] {strides = array<i32>} : memref<160xf32, #tpu.memory_space<vmem>>, vector<16xf32>,
    %add3A_214 = arith.addf %get3A_211, %get3A_213 : vector<16xf32>
    %get3A_215 = arith.constant 16 : index
    %get3A_216 = tpu.vector_load %arg12[%get3A_215] {strides = array<i32>} : memref<160xf32, #tpu.memory_space<vmem>>, vector<16xf32>,
    %add3A_217 = arith.addf %add3A_214, %get3A_216 : vector<16xf32>
    %add3A_218 = arith.addf %get3A_209, %add3A_217 : vector<16xf32>
    %swap3A_219 = arith.constant 16 : index
    %swap3A_220 = tpu.vector_load %arg9[%swap3A_219] {strides = array<i32>} : memref<160xf32, #tpu.memory_space<vmem>>, vector<16xf32>,
    tpu.vector_store %arg9[%swap3A_219], %add3A_218 {strides = array<i32>} : memref<160xf32, #tpu.memory_space<vmem>>, vector<16xf32>,
    %get3A_221 = arith.constant 32 : index
    %get3A_222 = tpu.vector_load %arg5[%get3A_221] {strides = array<i32>} : memref<160xf32, #tpu.memory_space<vmem>>, vector<16xf32>,
    %get3A_223 = arith.constant 32 : index
    %get3A_224 = tpu.vector_load %arg6[%get3A_223] {strides = array<i32>} : memref<160xf32, #tpu.memory_space<vmem>>, vector<16xf32>,
    %get3A_225 = arith.constant 32 : index
    %get3A_226 = tpu.vector_load %arg7[%get3A_225] {strides = array<i32>} : memref<160xf32, #tpu.memory_space<vmem>>, vector<16xf32>,
    %add3A_227 = arith.addf %get3A_224, %get3A_226 : vector<16xf32>
    %get3A_228 = arith.constant 32 : index
    %get3A_229 = tpu.vector_load %arg8[%get3A_228] {strides = array<i32>} : memref<160xf32, #tpu.memory_space<vmem>>, vector<16xf32>,
    %add3A_230 = arith.addf %add3A_227, %get3A_229 : vector<16xf32>
    %add3A_231 = arith.addf %get3A_222, %add3A_230 : vector<16xf32>
    %swap3A_232 = arith.constant 32 : index
    %swap3A_233 = tpu.vector_load %arg5[%swap3A_232] {strides = array<i32>} : memref<160xf32, #tpu.memory_space<vmem>>, vector<16xf32>,
    tpu.vector_store %arg5[%swap3A_232], %add3A_231 {strides = array<i32>} : memref<160xf32, #tpu.memory_space<vmem>>, vector<16xf32>,
    %get3A_234 = arith.constant 32 : index
    %get3A_235 = tpu.vector_load %arg9[%get3A_234] {strides = array<i32>} : memref<160xf32, #tpu.memory_space<vmem>>, vector<16xf32>,
    %get3A_236 = arith.constant 32 : index
    %get3A_237 = tpu.vector_load %arg10[%get3A_236] {strides = array<i32>} : memref<160xf32, #tpu.memory_space<vmem>>, vector<16xf32>,
    %get3A_238 = arith.constant 32 : index
    %get3A_239 = tpu.vector_load %arg11[%get3A_238] {strides = array<i32>} : memref<160xf32, #tpu.memory_space<vmem>>, vector<16xf32>,
    %add3A_240 = arith.addf %get3A_237, %get3A_239 : vector<16xf32>
    %get3A_241 = arith.constant 32 : index
    %get3A_242 = tpu.vector_load %arg12[%get3A_241] {strides = array<i32>} : memref<160xf32, #tpu.memory_space<vmem>>, vector<16xf32>,
    %add3A_243 = arith.addf %add3A_240, %get3A_242 : vector<16xf32>
    %add3A_244 = arith.addf %get3A_235, %add3A_243 : vector<16xf32>
    %swap3A_245 = arith.constant 32 : index
    %swap3A_246 = tpu.vector_load %arg9[%swap3A_245] {strides = array<i32>} : memref<160xf32, #tpu.memory_space<vmem>>, vector<16xf32>,
    tpu.vector_store %arg9[%swap3A_245], %add3A_244 {strides = array<i32>} : memref<160xf32, #tpu.memory_space<vmem>>, vector<16xf32>,
    %get3A_247 = arith.constant 48 : index
    %get3A_248 = tpu.vector_load %arg5[%get3A_247] {strides = array<i32>} : memref<160xf32, #tpu.memory_space<vmem>>, vector<16xf32>,
    %get3A_249 = arith.constant 48 : index
    %get3A_250 = tpu.vector_load %arg6[%get3A_249] {strides = array<i32>} : memref<160xf32, #tpu.memory_space<vmem>>, vector<16xf32>,
    %get3A_251 = arith.constant 48 : index
    %get3A_252 = tpu.vector_load %arg7[%get3A_251] {strides = array<i32>} : memref<160xf32, #tpu.memory_space<vmem>>, vector<16xf32>,
    %add3A_253 = arith.addf %get3A_250, %get3A_252 : vector<16xf32>
    %get3A_254 = arith.constant 48 : index
    %get3A_255 = tpu.vector_load %arg8[%get3A_254] {strides = array<i32>} : memref<160xf32, #tpu.memory_space<vmem>>, vector<16xf32>,
    %add3A_256 = arith.addf %add3A_253, %get3A_255 : vector<16xf32>
    %add3A_257 = arith.addf %get3A_248, %add3A_256 : vector<16xf32>
    %swap3A_258 = arith.constant 48 : index
    %swap3A_259 = tpu.vector_load %arg5[%swap3A_258] {strides = array<i32>} : memref<160xf32, #tpu.memory_space<vmem>>, vector<16xf32>,
    tpu.vector_store %arg5[%swap3A_258], %add3A_257 {strides = array<i32>} : memref<160xf32, #tpu.memory_space<vmem>>, vector<16xf32>,
    %get3A_260 = arith.constant 48 : index
    %get3A_261 = tpu.vector_load %arg9[%get3A_260] {strides = array<i32>} : memref<160xf32, #tpu.memory_space<vmem>>, vector<16xf32>,
    %get3A_262 = arith.constant 48 : index
    %get3A_263 = tpu.vector_load %arg10[%get3A_262] {strides = array<i32>} : memref<160xf32, #tpu.memory_space<vmem>>, vector<16xf32>,
    %get3A_264 = arith.constant 48 : index
    %get3A_265 = tpu.vector_load %arg11[%get3A_264] {strides = array<i32>} : memref<160xf32, #tpu.memory_space<vmem>>, vector<16xf32>,
    %add3A_266 = arith.addf %get3A_263, %get3A_265 : vector<16xf32>
    %get3A_267 = arith.constant 48 : index
    %get3A_268 = tpu.vector_load %arg12[%get3A_267] {strides = array<i32>} : memref<160xf32, #tpu.memory_space<vmem>>, vector<16xf32>,
    %add3A_269 = arith.addf %add3A_266, %get3A_268 : vector<16xf32>
    %add3A_270 = arith.addf %get3A_261, %add3A_269 : vector<16xf32>
    %swap3A_271 = arith.constant 48 : index
    %swap3A_272 = tpu.vector_load %arg9[%swap3A_271] {strides = array<i32>} : memref<160xf32, #tpu.memory_space<vmem>>, vector<16xf32>,
    tpu.vector_store %arg9[%swap3A_271], %add3A_270 {strides = array<i32>} : memref<160xf32, #tpu.memory_space<vmem>>, vector<16xf32>,
    %get3A_273 = arith.constant 64 : index
    %get3A_274 = tpu.vector_load %arg5[%get3A_273] {strides = array<i32>} : memref<160xf32, #tpu.memory_space<vmem>>, vector<16xf32>,
    %get3A_275 = arith.constant 64 : index
    %get3A_276 = tpu.vector_load %arg6[%get3A_275] {strides = array<i32>} : memref<160xf32, #tpu.memory_space<vmem>>, vector<16xf32>,
    %get3A_277 = arith.constant 64 : index
    %get3A_278 = tpu.vector_load %arg7[%get3A_277] {strides = array<i32>} : memref<160xf32, #tpu.memory_space<vmem>>, vector<16xf32>,
    %add3A_279 = arith.addf %get3A_276, %get3A_278 : vector<16xf32>
    %get3A_280 = arith.constant 64 : index
    %get3A_281 = tpu.vector_load %arg8[%get3A_280] {strides = array<i32>} : memref<160xf32, #tpu.memory_space<vmem>>, vector<16xf32>,
    %add3A_282 = arith.addf %add3A_279, %get3A_281 : vector<16xf32>
    %add3A_283 = arith.addf %get3A_274, %add3A_282 : vector<16xf32>
    %swap3A_284 = arith.constant 64 : index
    %swap3A_285 = tpu.vector_load %arg5[%swap3A_284] {strides = array<i32>} : memref<160xf32, #tpu.memory_space<vmem>>, vector<16xf32>,
    tpu.vector_store %arg5[%swap3A_284], %add3A_283 {strides = array<i32>} : memref<160xf32, #tpu.memory_space<vmem>>, vector<16xf32>,
    %get3A_286 = arith.constant 64 : index
    %get3A_287 = tpu.vector_load %arg9[%get3A_286] {strides = array<i32>} : memref<160xf32, #tpu.memory_space<vmem>>, vector<16xf32>,
    %get3A_288 = arith.constant 64 : index
    %get3A_289 = tpu.vector_load %arg10[%get3A_288] {strides = array<i32>} : memref<160xf32, #tpu.memory_space<vmem>>, vector<16xf32>,
    %get3A_290 = arith.constant 64 : index
    %get3A_291 = tpu.vector_load %arg11[%get3A_290] {strides = array<i32>} : memref<160xf32, #tpu.memory_space<vmem>>, vector<16xf32>,
    %add3A_292 = arith.addf %get3A_289, %get3A_291 : vector<16xf32>
    %get3A_293 = arith.constant 64 : index
    %get3A_294 = tpu.vector_load %arg12[%get3A_293] {strides = array<i32>} : memref<160xf32, #tpu.memory_space<vmem>>, vector<16xf32>,
    %add3A_295 = arith.addf %add3A_292, %get3A_294 : vector<16xf32>
    %add3A_296 = arith.addf %get3A_287, %add3A_295 : vector<16xf32>
    %swap3A_297 = arith.constant 64 : index
    %swap3A_298 = tpu.vector_load %arg9[%swap3A_297] {strides = array<i32>} : memref<160xf32, #tpu.memory_space<vmem>>, vector<16xf32>,
    tpu.vector_store %arg9[%swap3A_297], %add3A_296 {strides = array<i32>} : memref<160xf32, #tpu.memory_space<vmem>>, vector<16xf32>,
    %get3A_299 = arith.constant 80 : index
    %get3A_300 = tpu.vector_load %arg5[%get3A_299] {strides = array<i32>} : memref<160xf32, #tpu.memory_space<vmem>>, vector<16xf32>,
    %get3A_301 = arith.constant 80 : index
    %get3A_302 = tpu.vector_load %arg6[%get3A_301] {strides = array<i32>} : memref<160xf32, #tpu.memory_space<vmem>>, vector<16xf32>,
    %get3A_303 = arith.constant 80 : index
    %get3A_304 = tpu.vector_load %arg7[%get3A_303] {strides = array<i32>} : memref<160xf32, #tpu.memory_space<vmem>>, vector<16xf32>,
    %add3A_305 = arith.addf %get3A_302, %get3A_304 : vector<16xf32>
    %get3A_306 = arith.constant 80 : index
    %get3A_307 = tpu.vector_load %arg8[%get3A_306] {strides = array<i32>} : memref<160xf32, #tpu.memory_space<vmem>>, vector<16xf32>,
    %add3A_308 = arith.addf %add3A_305, %get3A_307 : vector<16xf32>
    %add3A_309 = arith.addf %get3A_300, %add3A_308 : vector<16xf32>
    %swap3A_310 = arith.constant 80 : index
    %swap3A_311 = tpu.vector_load %arg5[%swap3A_310] {strides = array<i32>} : memref<160xf32, #tpu.memory_space<vmem>>, vector<16xf32>,
    tpu.vector_store %arg5[%swap3A_310], %add3A_309 {strides = array<i32>} : memref<160xf32, #tpu.memory_space<vmem>>, vector<16xf32>,
    %get3A_312 = arith.constant 80 : index
    %get3A_313 = tpu.vector_load %arg9[%get3A_312] {strides = array<i32>} : memref<160xf32, #tpu.memory_space<vmem>>, vector<16xf32>,
    %get3A_314 = arith.constant 80 : index
    %get3A_315 = tpu.vector_load %arg10[%get3A_314] {strides = array<i32>} : memref<160xf32, #tpu.memory_space<vmem>>, vector<16xf32>,
    %get3A_316 = arith.constant 80 : index
    %get3A_317 = tpu.vector_load %arg11[%get3A_316] {strides = array<i32>} : memref<160xf32, #tpu.memory_space<vmem>>, vector<16xf32>,
    %add3A_318 = arith.addf %get3A_315, %get3A_317 : vector<16xf32>
    %get3A_319 = arith.constant 80 : index
    %get3A_320 = tpu.vector_load %arg12[%get3A_319] {strides = array<i32>} : memref<160xf32, #tpu.memory_space<vmem>>, vector<16xf32>,
    %add3A_321 = arith.addf %add3A_318, %get3A_320 : vector<16xf32>
    %add3A_322 = arith.addf %get3A_313, %add3A_321 : vector<16xf32>
    %swap3A_323 = arith.constant 80 : index
    %swap3A_324 = tpu.vector_load %arg9[%swap3A_323] {strides = array<i32>} : memref<160xf32, #tpu.memory_space<vmem>>, vector<16xf32>,
    tpu.vector_store %arg9[%swap3A_323], %add3A_322 {strides = array<i32>} : memref<160xf32, #tpu.memory_space<vmem>>, vector<16xf32>,
    %get3A_325 = arith.constant 96 : index
    %get3A_326 = tpu.vector_load %arg5[%get3A_325] {strides = array<i32>} : memref<160xf32, #tpu.memory_space<vmem>>, vector<16xf32>,
    %get3A_327 = arith.constant 96 : index
    %get3A_328 = tpu.vector_load %arg6[%get3A_327] {strides = array<i32>} : memref<160xf32, #tpu.memory_space<vmem>>, vector<16xf32>,
    %get3A_329 = arith.constant 96 : index
    %get3A_330 = tpu.vector_load %arg7[%get3A_329] {strides = array<i32>} : memref<160xf32, #tpu.memory_space<vmem>>, vector<16xf32>,
    %add3A_331 = arith.addf %get3A_328, %get3A_330 : vector<16xf32>
    %get3A_332 = arith.constant 96 : index
    %get3A_333 = tpu.vector_load %arg8[%get3A_332] {strides = array<i32>} : memref<160xf32, #tpu.memory_space<vmem>>, vector<16xf32>,
    %add3A_334 = arith.addf %add3A_331, %get3A_333 : vector<16xf32>
    %add3A_335 = arith.addf %get3A_326, %add3A_334 : vector<16xf32>
    %swap3A_336 = arith.constant 96 : index
    %swap3A_337 = tpu.vector_load %arg5[%swap3A_336] {strides = array<i32>} : memref<160xf32, #tpu.memory_space<vmem>>, vector<16xf32>,
    tpu.vector_store %arg5[%swap3A_336], %add3A_335 {strides = array<i32>} : memref<160xf32, #tpu.memory_space<vmem>>, vector<16xf32>,
    %get3A_338 = arith.constant 96 : index
    %get3A_339 = tpu.vector_load %arg9[%get3A_338] {strides = array<i32>} : memref<160xf32, #tpu.memory_space<vmem>>, vector<16xf32>,
    %get3A_340 = arith.constant 96 : index
    %get3A_341 = tpu.vector_load %arg10[%get3A_340] {strides = array<i32>} : memref<160xf32, #tpu.memory_space<vmem>>, vector<16xf32>,
    %get3A_342 = arith.constant 96 : index
    %get3A_343 = tpu.vector_load %arg11[%get3A_342] {strides = array<i32>} : memref<160xf32, #tpu.memory_space<vmem>>, vector<16xf32>,
    %add3A_344 = arith.addf %get3A_341, %get3A_343 : vector<16xf32>
    %get3A_345 = arith.constant 96 : index
    %get3A_346 = tpu.vector_load %arg12[%get3A_345] {strides = array<i32>} : memref<160xf32, #tpu.memory_space<vmem>>, vector<16xf32>,
    %add3A_347 = arith.addf %add3A_344, %get3A_346 : vector<16xf32>
    %add3A_348 = arith.addf %get3A_339, %add3A_347 : vector<16xf32>
    %swap3A_349 = arith.constant 96 : index
    %swap3A_350 = tpu.vector_load %arg9[%swap3A_349] {strides = array<i32>} : memref<160xf32, #tpu.memory_space<vmem>>, vector<16xf32>,
    tpu.vector_store %arg9[%swap3A_349], %add3A_348 {strides = array<i32>} : memref<160xf32, #tpu.memory_space<vmem>>, vector<16xf32>,
    %get3A_351 = arith.constant 112 : index
    %get3A_352 = tpu.vector_load %arg5[%get3A_351] {strides = array<i32>} : memref<160xf32, #tpu.memory_space<vmem>>, vector<16xf32>,
    %get3A_353 = arith.constant 112 : index
    %get3A_354 = tpu.vector_load %arg6[%get3A_353] {strides = array<i32>} : memref<160xf32, #tpu.memory_space<vmem>>, vector<16xf32>,
    %get3A_355 = arith.constant 112 : index
    %get3A_356 = tpu.vector_load %arg7[%get3A_355] {strides = array<i32>} : memref<160xf32, #tpu.memory_space<vmem>>, vector<16xf32>,
    %add3A_357 = arith.addf %get3A_354, %get3A_356 : vector<16xf32>
    %get3A_358 = arith.constant 112 : index
    %get3A_359 = tpu.vector_load %arg8[%get3A_358] {strides = array<i32>} : memref<160xf32, #tpu.memory_space<vmem>>, vector<16xf32>,
    %add3A_360 = arith.addf %add3A_357, %get3A_359 : vector<16xf32>
    %add3A_361 = arith.addf %get3A_352, %add3A_360 : vector<16xf32>
    %swap3A_362 = arith.constant 112 : index
    %swap3A_363 = tpu.vector_load %arg5[%swap3A_362] {strides = array<i32>} : memref<160xf32, #tpu.memory_space<vmem>>, vector<16xf32>,
    tpu.vector_store %arg5[%swap3A_362], %add3A_361 {strides = array<i32>} : memref<160xf32, #tpu.memory_space<vmem>>, vector<16xf32>,
    %get3A_364 = arith.constant 112 : index
    %get3A_365 = tpu.vector_load %arg9[%get3A_364] {strides = array<i32>} : memref<160xf32, #tpu.memory_space<vmem>>, vector<16xf32>,
    %get3A_366 = arith.constant 112 : index
    %get3A_367 = tpu.vector_load %arg10[%get3A_366] {strides = array<i32>} : memref<160xf32, #tpu.memory_space<vmem>>, vector<16xf32>,
    %get3A_368 = arith.constant 112 : index
    %get3A_369 = tpu.vector_load %arg11[%get3A_368] {strides = array<i32>} : memref<160xf32, #tpu.memory_space<vmem>>, vector<16xf32>,
    %add3A_370 = arith.addf %get3A_367, %get3A_369 : vector<16xf32>
    %get3A_371 = arith.constant 112 : index
    %get3A_372 = tpu.vector_load %arg12[%get3A_371] {strides = array<i32>} : memref<160xf32, #tpu.memory_space<vmem>>, vector<16xf32>,
    %add3A_373 = arith.addf %add3A_370, %get3A_372 : vector<16xf32>
    %add3A_374 = arith.addf %get3A_365, %add3A_373 : vector<16xf32>
    %swap3A_375 = arith.constant 112 : index
    %swap3A_376 = tpu.vector_load %arg9[%swap3A_375] {strides = array<i32>} : memref<160xf32, #tpu.memory_space<vmem>>, vector<16xf32>,
    tpu.vector_store %arg9[%swap3A_375], %add3A_374 {strides = array<i32>} : memref<160xf32, #tpu.memory_space<vmem>>, vector<16xf32>,
    %get3A_377 = arith.constant 128 : index
    %get3A_378 = tpu.vector_load %arg5[%get3A_377] {strides = array<i32>} : memref<160xf32, #tpu.memory_space<vmem>>, vector<16xf32>,
    %get3A_379 = arith.constant 128 : index
    %get3A_380 = tpu.vector_load %arg6[%get3A_379] {strides = array<i32>} : memref<160xf32, #tpu.memory_space<vmem>>, vector<16xf32>,
    %get3A_381 = arith.constant 128 : index
    %get3A_382 = tpu.vector_load %arg7[%get3A_381] {strides = array<i32>} : memref<160xf32, #tpu.memory_space<vmem>>, vector<16xf32>,
    %add3A_383 = arith.addf %get3A_380, %get3A_382 : vector<16xf32>
    %get3A_384 = arith.constant 128 : index
    %get3A_385 = tpu.vector_load %arg8[%get3A_384] {strides = array<i32>} : memref<160xf32, #tpu.memory_space<vmem>>, vector<16xf32>,
    %add3A_386 = arith.addf %add3A_383, %get3A_385 : vector<16xf32>
    %add3A_387 = arith.addf %get3A_378, %add3A_386 : vector<16xf32>
    %swap3A_388 = arith.constant 128 : index
    %swap3A_389 = tpu.vector_load %arg5[%swap3A_388] {strides = array<i32>} : memref<160xf32, #tpu.memory_space<vmem>>, vector<16xf32>,
    tpu.vector_store %arg5[%swap3A_388], %add3A_387 {strides = array<i32>} : memref<160xf32, #tpu.memory_space<vmem>>, vector<16xf32>,
    %get3A_390 = arith.constant 128 : index
    %get3A_391 = tpu.vector_load %arg9[%get3A_390] {strides = array<i32>} : memref<160xf32, #tpu.memory_space<vmem>>, vector<16xf32>,
    %get3A_392 = arith.constant 128 : index
    %get3A_393 = tpu.vector_load %arg10[%get3A_392] {strides = array<i32>} : memref<160xf32, #tpu.memory_space<vmem>>, vector<16xf32>,
    %get3A_394 = arith.constant 128 : index
    %get3A_395 = tpu.vector_load %arg11[%get3A_394] {strides = array<i32>} : memref<160xf32, #tpu.memory_space<vmem>>, vector<16xf32>,
    %add3A_396 = arith.addf %get3A_393, %get3A_395 : vector<16xf32>
    %get3A_397 = arith.constant 128 : index
    %get3A_398 = tpu.vector_load %arg12[%get3A_397] {strides = array<i32>} : memref<160xf32, #tpu.memory_space<vmem>>, vector<16xf32>,
    %add3A_399 = arith.addf %add3A_396, %get3A_398 : vector<16xf32>
    %add3A_400 = arith.addf %get3A_391, %add3A_399 : vector<16xf32>
    %swap3A_401 = arith.constant 128 : index
    %swap3A_402 = tpu.vector_load %arg9[%swap3A_401] {strides = array<i32>} : memref<160xf32, #tpu.memory_space<vmem>>, vector<16xf32>,
    tpu.vector_store %arg9[%swap3A_401], %add3A_400 {strides = array<i32>} : memref<160xf32, #tpu.memory_space<vmem>>, vector<16xf32>,
    %get3A_403 = arith.constant 144 : index
    %get3A_404 = tpu.vector_load %arg5[%get3A_403] {strides = array<i32>} : memref<160xf32, #tpu.memory_space<vmem>>, vector<16xf32>,
    %get3A_405 = arith.constant 144 : index
    %get3A_406 = tpu.vector_load %arg6[%get3A_405] {strides = array<i32>} : memref<160xf32, #tpu.memory_space<vmem>>, vector<16xf32>,
    %get3A_407 = arith.constant 144 : index
    %get3A_408 = tpu.vector_load %arg7[%get3A_407] {strides = array<i32>} : memref<160xf32, #tpu.memory_space<vmem>>, vector<16xf32>,
    %add3A_409 = arith.addf %get3A_406, %get3A_408 : vector<16xf32>
    %get3A_410 = arith.constant 144 : index
    %get3A_411 = tpu.vector_load %arg8[%get3A_410] {strides = array<i32>} : memref<160xf32, #tpu.memory_space<vmem>>, vector<16xf32>,
    %add3A_412 = arith.addf %add3A_409, %get3A_411 : vector<16xf32>
    %add3A_413 = arith.addf %get3A_404, %add3A_412 : vector<16xf32>
    %swap3A_414 = arith.constant 144 : index
    %swap3A_415 = tpu.vector_load %arg5[%swap3A_414] {strides = array<i32>} : memref<160xf32, #tpu.memory_space<vmem>>, vector<16xf32>,
    tpu.vector_store %arg5[%swap3A_414], %add3A_413 {strides = array<i32>} : memref<160xf32, #tpu.memory_space<vmem>>, vector<16xf32>,
    %get3A_416 = arith.constant 144 : index
    %get3A_417 = tpu.vector_load %arg9[%get3A_416] {strides = array<i32>} : memref<160xf32, #tpu.memory_space<vmem>>, vector<16xf32>,
    %get3A_418 = arith.constant 144 : index
    %get3A_419 = tpu.vector_load %arg10[%get3A_418] {strides = array<i32>} : memref<160xf32, #tpu.memory_space<vmem>>, vector<16xf32>,
    %get3A_420 = arith.constant 144 : index
    %get3A_421 = tpu.vector_load %arg11[%get3A_420] {strides = array<i32>} : memref<160xf32, #tpu.memory_space<vmem>>, vector<16xf32>,
    %add3A_422 = arith.addf %get3A_419, %get3A_421 : vector<16xf32>
    %get3A_423 = arith.constant 144 : index
    %get3A_424 = tpu.vector_load %arg12[%get3A_423] {strides = array<i32>} : memref<160xf32, #tpu.memory_space<vmem>>, vector<16xf32>,
    %add3A_425 = arith.addf %add3A_422, %get3A_424 : vector<16xf32>
    %add3A_426 = arith.addf %get3A_417, %add3A_425 : vector<16xf32>
    %swap3A_427 = arith.constant 144 : index
    %swap3A_428 = tpu.vector_load %arg9[%swap3A_427] {strides = array<i32>} : memref<160xf32, #tpu.memory_space<vmem>>, vector<16xf32>,
    tpu.vector_store %arg9[%swap3A_427], %add3A_426 {strides = array<i32>} : memref<160xf32, #tpu.memory_space<vmem>>, vector<16xf32>,
    %mul3A_429 = arith.constant 320 : i32
    %mul3A_430 = arith.muli %add3A, %mul3A_429 : i32
    "tpu.region"() ({
      %run_scoped3A = tpu.sem_alloc : memref<!tpu.dma_semaphore, #tpu.memory_space<semaphore_mem>>
      %dma_start3A = tpu.memref_slice %arg3[%mul3A_430] : memref<10240xf32, #tpu.memory_space<hbm>> -> memref<160xf32, #tpu.memory_space<hbm>>
      %dma_start3A_435 = tpu.memref_slice %arg3[%mul3A_430] : memref<10240xf32, #tpu.memory_space<hbm>> -> memref<160xf32, #tpu.memory_space<hbm>>
      tpu.enqueue_dma source(%arg5 : memref<160xf32, #tpu.memory_space<vmem>>) target(%dma_start3A_435 : memref<160xf32, #tpu.memory_space<hbm>>) target_semaphore(%run_scoped3A : memref<!tpu.dma_semaphore, #tpu.memory_space<semaphore_mem>>)
      %dma_wait3A = tpu.memref_slice %arg3[%mul3A_430] : memref<10240xf32, #tpu.memory_space<hbm>> -> memref<160xf32, #tpu.memory_space<hbm>>
      %dma_wait3A_436 = tpu.memref_slice %arg3[%mul3A_430] : memref<10240xf32, #tpu.memory_space<hbm>> -> memref<160xf32, #tpu.memory_space<hbm>>
      tpu.wait_dma2 semaphore(%run_scoped3A : memref<!tpu.dma_semaphore, #tpu.memory_space<semaphore_mem>>) src(%arg5 : memref<160xf32, #tpu.memory_space<vmem>>) dst(%dma_wait3A_436 : memref<160xf32, #tpu.memory_space<hbm>>)
      tpu.yield
    }) : () -> ()
    %mul3A_431 = arith.constant 320 : i32
    %mul3A_432 = arith.muli %add3A, %mul3A_431 : i32
    %add3A_433 = arith.constant 160 : i32
    %add3A_434 = arith.addi %mul3A_432, %add3A_433 : i32
    "tpu.region"() ({
      %run_scoped3A = tpu.sem_alloc : memref<!tpu.dma_semaphore, #tpu.memory_space<semaphore_mem>>
      %dma_start3A = tpu.memref_slice %arg3[%add3A_434] : memref<10240xf32, #tpu.memory_space<hbm>> -> memref<160xf32, #tpu.memory_space<hbm>>
      %dma_start3A_435 = tpu.memref_slice %arg3[%add3A_434] : memref<10240xf32, #tpu.memory_space<hbm>> -> memref<160xf32, #tpu.memory_space<hbm>>
      tpu.enqueue_dma source(%arg9 : memref<160xf32, #tpu.memory_space<vmem>>) target(%dma_start3A_435 : memref<160xf32, #tpu.memory_space<hbm>>) target_semaphore(%run_scoped3A : memref<!tpu.dma_semaphore, #tpu.memory_space<semaphore_mem>>)
      %dma_wait3A = tpu.memref_slice %arg3[%add3A_434] : memref<10240xf32, #tpu.memory_space<hbm>> -> memref<160xf32, #tpu.memory_space<hbm>>
      %dma_wait3A_436 = tpu.memref_slice %arg3[%add3A_434] : memref<10240xf32, #tpu.memory_space<hbm>> -> memref<160xf32, #tpu.memory_space<hbm>>
      tpu.wait_dma2 semaphore(%run_scoped3A : memref<!tpu.dma_semaphore, #tpu.memory_space<semaphore_mem>>) src(%arg9 : memref<160xf32, #tpu.memory_space<vmem>>) dst(%dma_wait3A_436 : memref<160xf32, #tpu.memory_space<hbm>>)
      tpu.yield
    }) : () -> ()
    return
  }
}

module attributes {stable_mosaic.version = 14 : i64} {
  func.func @_tc_body(%arg0: i32, %arg1: i32, %arg2: memref<1x21x128x512xf32, #tpu.memory_space<vmem>>, %arg3: memref<1x128x512xi32, #tpu.memory_space<vmem>>, %arg4: memref<1x128x512xi32, #tpu.memory_space<vmem>>) attributes {dimension_semantics = [#tpu.dimension_semantics<arbitrary>, #tpu.dimension_semantics<arbitrary>], iteration_bounds = array<i64: 4, 4>, scalar_prefetch = 0 : i64, scratch_operands = 0 : i64, tpu.core_type = #tpu.core_type<tc>, window_params = [{transform_indices = @transform_0, window_bounds = array<i64: 1, 21, 128, 512>}, {transform_indices = @transform_1, window_bounds = array<i64: 1, 128, 512>}, {transform_indices = @transform_2, window_bounds = array<i64: 1, 128, 512>}]} {
    %iota3A = tpu.iota {dimensions = array<i32: 1>} : vector<128x128xi32>
    %and3A = arith.constant 15 : i32
    %and3A_0 = vector.broadcast %and3A : i32 to vector<128x128xi32>
    %and3A_1 = arith.andi %iota3A, %and3A_0 : vector<128x128xi32>
    %get3A = arith.constant 0 : index
    %get3A_2 = arith.constant 0 : index
    %get3A_3 = arith.constant 0 : index
    %get3A_4 = vector.load %arg3[%get3A, %get3A_2, %get3A_3] : memref<1x128x512xi32, #tpu.memory_space<vmem>>, vector<1x128x128xi32>
    %get3A_5 = vector.shape_cast %get3A_4 : vector<1x128x128xi32> to vector<128x128xi32>
    %broadcast_in_dim3A = arith.constant 0.000000e+00 : f32
    %broadcast_in_dim3A_6 = vector.broadcast %broadcast_in_dim3A : f32 to vector<128x128xf32>
    %broadcast_in_dim3A_7 = arith.constant 0.000000e+00 : f32
    %broadcast_in_dim3A_8 = vector.broadcast %broadcast_in_dim3A_7 : f32 to vector<128x128xf32>
    %get3A_9 = arith.constant 0 : index
    %get3A_10 = arith.constant 0 : index
    %get3A_11 = arith.constant 0 : index
    %get3A_12 = arith.constant 0 : index
    %get3A_13 = vector.load %arg2[%get3A_9, %get3A_10, %get3A_11, %get3A_12] : memref<1x21x128x512xf32, #tpu.memory_space<vmem>>, vector<1x1x128x128xf32>
    %get3A_14 = vector.shape_cast %get3A_13 : vector<1x1x128x128xf32> to vector<128x128xf32>
    %exp3A = math.exp %get3A_14 : vector<128x128xf32>
    %add3A = arith.addf %broadcast_in_dim3A_6, %exp3A : vector<128x128xf32>
    %eq3A = arith.constant 0 : i32
    %eq3A_15 = vector.broadcast %eq3A : i32 to vector<128x128xi32>
    %eq3A_16 = arith.cmpi eq, %get3A_5, %eq3A_15 : vector<128x128xi32>
    %select_n3A = arith.select %eq3A_16, %get3A_14, %broadcast_in_dim3A_8 : vector<128x128xi1>, vector<128x128xf32>
    %get3A_17 = arith.constant 0 : index
    %get3A_18 = arith.constant 1 : index
    %get3A_19 = arith.constant 0 : index
    %get3A_20 = arith.constant 0 : index
    %get3A_21 = vector.load %arg2[%get3A_17, %get3A_18, %get3A_19, %get3A_20] : memref<1x21x128x512xf32, #tpu.memory_space<vmem>>, vector<1x1x128x128xf32>
    %get3A_22 = vector.shape_cast %get3A_21 : vector<1x1x128x128xf32> to vector<128x128xf32>
    %exp3A_23 = math.exp %get3A_22 : vector<128x128xf32>
    %add3A_24 = arith.addf %add3A, %exp3A_23 : vector<128x128xf32>
    %eq3A_25 = arith.constant 1 : i32
    %eq3A_26 = vector.broadcast %eq3A_25 : i32 to vector<128x128xi32>
    %eq3A_27 = arith.cmpi eq, %get3A_5, %eq3A_26 : vector<128x128xi32>
    %select_n3A_28 = arith.select %eq3A_27, %get3A_22, %select_n3A : vector<128x128xi1>, vector<128x128xf32>
    %get3A_29 = arith.constant 0 : index
    %get3A_30 = arith.constant 2 : index
    %get3A_31 = arith.constant 0 : index
    %get3A_32 = arith.constant 0 : index
    %get3A_33 = vector.load %arg2[%get3A_29, %get3A_30, %get3A_31, %get3A_32] : memref<1x21x128x512xf32, #tpu.memory_space<vmem>>, vector<1x1x128x128xf32>
    %get3A_34 = vector.shape_cast %get3A_33 : vector<1x1x128x128xf32> to vector<128x128xf32>
    %exp3A_35 = math.exp %get3A_34 : vector<128x128xf32>
    %add3A_36 = arith.addf %add3A_24, %exp3A_35 : vector<128x128xf32>
    %eq3A_37 = arith.constant 2 : i32
    %eq3A_38 = vector.broadcast %eq3A_37 : i32 to vector<128x128xi32>
    %eq3A_39 = arith.cmpi eq, %get3A_5, %eq3A_38 : vector<128x128xi32>
    %select_n3A_40 = arith.select %eq3A_39, %get3A_34, %select_n3A_28 : vector<128x128xi1>, vector<128x128xf32>
    %get3A_41 = arith.constant 0 : index
    %get3A_42 = arith.constant 3 : index
    %get3A_43 = arith.constant 0 : index
    %get3A_44 = arith.constant 0 : index
    %get3A_45 = vector.load %arg2[%get3A_41, %get3A_42, %get3A_43, %get3A_44] : memref<1x21x128x512xf32, #tpu.memory_space<vmem>>, vector<1x1x128x128xf32>
    %get3A_46 = vector.shape_cast %get3A_45 : vector<1x1x128x128xf32> to vector<128x128xf32>
    %exp3A_47 = math.exp %get3A_46 : vector<128x128xf32>
    %add3A_48 = arith.addf %add3A_36, %exp3A_47 : vector<128x128xf32>
    %eq3A_49 = arith.constant 3 : i32
    %eq3A_50 = vector.broadcast %eq3A_49 : i32 to vector<128x128xi32>
    %eq3A_51 = arith.cmpi eq, %get3A_5, %eq3A_50 : vector<128x128xi32>
    %select_n3A_52 = arith.select %eq3A_51, %get3A_46, %select_n3A_40 : vector<128x128xi1>, vector<128x128xf32>
    %get3A_53 = arith.constant 0 : index
    %get3A_54 = arith.constant 4 : index
    %get3A_55 = arith.constant 0 : index
    %get3A_56 = arith.constant 0 : index
    %get3A_57 = vector.load %arg2[%get3A_53, %get3A_54, %get3A_55, %get3A_56] : memref<1x21x128x512xf32, #tpu.memory_space<vmem>>, vector<1x1x128x128xf32>
    %get3A_58 = vector.shape_cast %get3A_57 : vector<1x1x128x128xf32> to vector<128x128xf32>
    %exp3A_59 = math.exp %get3A_58 : vector<128x128xf32>
    %add3A_60 = arith.addf %add3A_48, %exp3A_59 : vector<128x128xf32>
    %eq3A_61 = arith.constant 4 : i32
    %eq3A_62 = vector.broadcast %eq3A_61 : i32 to vector<128x128xi32>
    %eq3A_63 = arith.cmpi eq, %get3A_5, %eq3A_62 : vector<128x128xi32>
    %select_n3A_64 = arith.select %eq3A_63, %get3A_58, %select_n3A_52 : vector<128x128xi1>, vector<128x128xf32>
    %get3A_65 = arith.constant 0 : index
    %get3A_66 = arith.constant 5 : index
    %get3A_67 = arith.constant 0 : index
    %get3A_68 = arith.constant 0 : index
    %get3A_69 = vector.load %arg2[%get3A_65, %get3A_66, %get3A_67, %get3A_68] : memref<1x21x128x512xf32, #tpu.memory_space<vmem>>, vector<1x1x128x128xf32>
    %get3A_70 = vector.shape_cast %get3A_69 : vector<1x1x128x128xf32> to vector<128x128xf32>
    %exp3A_71 = math.exp %get3A_70 : vector<128x128xf32>
    %add3A_72 = arith.addf %add3A_60, %exp3A_71 : vector<128x128xf32>
    %eq3A_73 = arith.constant 5 : i32
    %eq3A_74 = vector.broadcast %eq3A_73 : i32 to vector<128x128xi32>
    %eq3A_75 = arith.cmpi eq, %get3A_5, %eq3A_74 : vector<128x128xi32>
    %select_n3A_76 = arith.select %eq3A_75, %get3A_70, %select_n3A_64 : vector<128x128xi1>, vector<128x128xf32>
    %get3A_77 = arith.constant 0 : index
    %get3A_78 = arith.constant 6 : index
    %get3A_79 = arith.constant 0 : index
    %get3A_80 = arith.constant 0 : index
    %get3A_81 = vector.load %arg2[%get3A_77, %get3A_78, %get3A_79, %get3A_80] : memref<1x21x128x512xf32, #tpu.memory_space<vmem>>, vector<1x1x128x128xf32>
    %get3A_82 = vector.shape_cast %get3A_81 : vector<1x1x128x128xf32> to vector<128x128xf32>
    %exp3A_83 = math.exp %get3A_82 : vector<128x128xf32>
    %add3A_84 = arith.addf %add3A_72, %exp3A_83 : vector<128x128xf32>
    %eq3A_85 = arith.constant 6 : i32
    %eq3A_86 = vector.broadcast %eq3A_85 : i32 to vector<128x128xi32>
    %eq3A_87 = arith.cmpi eq, %get3A_5, %eq3A_86 : vector<128x128xi32>
    %select_n3A_88 = arith.select %eq3A_87, %get3A_82, %select_n3A_76 : vector<128x128xi1>, vector<128x128xf32>
    %get3A_89 = arith.constant 0 : index
    %get3A_90 = arith.constant 7 : index
    %get3A_91 = arith.constant 0 : index
    %get3A_92 = arith.constant 0 : index
    %get3A_93 = vector.load %arg2[%get3A_89, %get3A_90, %get3A_91, %get3A_92] : memref<1x21x128x512xf32, #tpu.memory_space<vmem>>, vector<1x1x128x128xf32>
    %get3A_94 = vector.shape_cast %get3A_93 : vector<1x1x128x128xf32> to vector<128x128xf32>
    %exp3A_95 = math.exp %get3A_94 : vector<128x128xf32>
    %add3A_96 = arith.addf %add3A_84, %exp3A_95 : vector<128x128xf32>
    %eq3A_97 = arith.constant 7 : i32
    %eq3A_98 = vector.broadcast %eq3A_97 : i32 to vector<128x128xi32>
    %eq3A_99 = arith.cmpi eq, %get3A_5, %eq3A_98 : vector<128x128xi32>
    %select_n3A_100 = arith.select %eq3A_99, %get3A_94, %select_n3A_88 : vector<128x128xi1>, vector<128x128xf32>
    %get3A_101 = arith.constant 0 : index
    %get3A_102 = arith.constant 8 : index
    %get3A_103 = arith.constant 0 : index
    %get3A_104 = arith.constant 0 : index
    %get3A_105 = vector.load %arg2[%get3A_101, %get3A_102, %get3A_103, %get3A_104] : memref<1x21x128x512xf32, #tpu.memory_space<vmem>>, vector<1x1x128x128xf32>
    %get3A_106 = vector.shape_cast %get3A_105 : vector<1x1x128x128xf32> to vector<128x128xf32>
    %exp3A_107 = math.exp %get3A_106 : vector<128x128xf32>
    %add3A_108 = arith.addf %add3A_96, %exp3A_107 : vector<128x128xf32>
    %eq3A_109 = arith.constant 8 : i32
    %eq3A_110 = vector.broadcast %eq3A_109 : i32 to vector<128x128xi32>
    %eq3A_111 = arith.cmpi eq, %get3A_5, %eq3A_110 : vector<128x128xi32>
    %select_n3A_112 = arith.select %eq3A_111, %get3A_106, %select_n3A_100 : vector<128x128xi1>, vector<128x128xf32>
    %get3A_113 = arith.constant 0 : index
    %get3A_114 = arith.constant 9 : index
    %get3A_115 = arith.constant 0 : index
    %get3A_116 = arith.constant 0 : index
    %get3A_117 = vector.load %arg2[%get3A_113, %get3A_114, %get3A_115, %get3A_116] : memref<1x21x128x512xf32, #tpu.memory_space<vmem>>, vector<1x1x128x128xf32>
    %get3A_118 = vector.shape_cast %get3A_117 : vector<1x1x128x128xf32> to vector<128x128xf32>
    %exp3A_119 = math.exp %get3A_118 : vector<128x128xf32>
    %add3A_120 = arith.addf %add3A_108, %exp3A_119 : vector<128x128xf32>
    %eq3A_121 = arith.constant 9 : i32
    %eq3A_122 = vector.broadcast %eq3A_121 : i32 to vector<128x128xi32>
    %eq3A_123 = arith.cmpi eq, %get3A_5, %eq3A_122 : vector<128x128xi32>
    %select_n3A_124 = arith.select %eq3A_123, %get3A_118, %select_n3A_112 : vector<128x128xi1>, vector<128x128xf32>
    %get3A_125 = arith.constant 0 : index
    %get3A_126 = arith.constant 10 : index
    %get3A_127 = arith.constant 0 : index
    %get3A_128 = arith.constant 0 : index
    %get3A_129 = vector.load %arg2[%get3A_125, %get3A_126, %get3A_127, %get3A_128] : memref<1x21x128x512xf32, #tpu.memory_space<vmem>>, vector<1x1x128x128xf32>
    %get3A_130 = vector.shape_cast %get3A_129 : vector<1x1x128x128xf32> to vector<128x128xf32>
    %exp3A_131 = math.exp %get3A_130 : vector<128x128xf32>
    %add3A_132 = arith.addf %add3A_120, %exp3A_131 : vector<128x128xf32>
    %eq3A_133 = arith.constant 10 : i32
    %eq3A_134 = vector.broadcast %eq3A_133 : i32 to vector<128x128xi32>
    %eq3A_135 = arith.cmpi eq, %get3A_5, %eq3A_134 : vector<128x128xi32>
    %select_n3A_136 = arith.select %eq3A_135, %get3A_130, %select_n3A_124 : vector<128x128xi1>, vector<128x128xf32>
    %get3A_137 = arith.constant 0 : index
    %get3A_138 = arith.constant 11 : index
    %get3A_139 = arith.constant 0 : index
    %get3A_140 = arith.constant 0 : index
    %get3A_141 = vector.load %arg2[%get3A_137, %get3A_138, %get3A_139, %get3A_140] : memref<1x21x128x512xf32, #tpu.memory_space<vmem>>, vector<1x1x128x128xf32>
    %get3A_142 = vector.shape_cast %get3A_141 : vector<1x1x128x128xf32> to vector<128x128xf32>
    %exp3A_143 = math.exp %get3A_142 : vector<128x128xf32>
    %add3A_144 = arith.addf %add3A_132, %exp3A_143 : vector<128x128xf32>
    %eq3A_145 = arith.constant 11 : i32
    %eq3A_146 = vector.broadcast %eq3A_145 : i32 to vector<128x128xi32>
    %eq3A_147 = arith.cmpi eq, %get3A_5, %eq3A_146 : vector<128x128xi32>
    %select_n3A_148 = arith.select %eq3A_147, %get3A_142, %select_n3A_136 : vector<128x128xi1>, vector<128x128xf32>
    %get3A_149 = arith.constant 0 : index
    %get3A_150 = arith.constant 12 : index
    %get3A_151 = arith.constant 0 : index
    %get3A_152 = arith.constant 0 : index
    %get3A_153 = vector.load %arg2[%get3A_149, %get3A_150, %get3A_151, %get3A_152] : memref<1x21x128x512xf32, #tpu.memory_space<vmem>>, vector<1x1x128x128xf32>
    %get3A_154 = vector.shape_cast %get3A_153 : vector<1x1x128x128xf32> to vector<128x128xf32>
    %exp3A_155 = math.exp %get3A_154 : vector<128x128xf32>
    %add3A_156 = arith.addf %add3A_144, %exp3A_155 : vector<128x128xf32>
    %eq3A_157 = arith.constant 12 : i32
    %eq3A_158 = vector.broadcast %eq3A_157 : i32 to vector<128x128xi32>
    %eq3A_159 = arith.cmpi eq, %get3A_5, %eq3A_158 : vector<128x128xi32>
    %select_n3A_160 = arith.select %eq3A_159, %get3A_154, %select_n3A_148 : vector<128x128xi1>, vector<128x128xf32>
    %get3A_161 = arith.constant 0 : index
    %get3A_162 = arith.constant 13 : index
    %get3A_163 = arith.constant 0 : index
    %get3A_164 = arith.constant 0 : index
    %get3A_165 = vector.load %arg2[%get3A_161, %get3A_162, %get3A_163, %get3A_164] : memref<1x21x128x512xf32, #tpu.memory_space<vmem>>, vector<1x1x128x128xf32>
    %get3A_166 = vector.shape_cast %get3A_165 : vector<1x1x128x128xf32> to vector<128x128xf32>
    %exp3A_167 = math.exp %get3A_166 : vector<128x128xf32>
    %add3A_168 = arith.addf %add3A_156, %exp3A_167 : vector<128x128xf32>
    %eq3A_169 = arith.constant 13 : i32
    %eq3A_170 = vector.broadcast %eq3A_169 : i32 to vector<128x128xi32>
    %eq3A_171 = arith.cmpi eq, %get3A_5, %eq3A_170 : vector<128x128xi32>
    %select_n3A_172 = arith.select %eq3A_171, %get3A_166, %select_n3A_160 : vector<128x128xi1>, vector<128x128xf32>
    %get3A_173 = arith.constant 0 : index
    %get3A_174 = arith.constant 14 : index
    %get3A_175 = arith.constant 0 : index
    %get3A_176 = arith.constant 0 : index
    %get3A_177 = vector.load %arg2[%get3A_173, %get3A_174, %get3A_175, %get3A_176] : memref<1x21x128x512xf32, #tpu.memory_space<vmem>>, vector<1x1x128x128xf32>
    %get3A_178 = vector.shape_cast %get3A_177 : vector<1x1x128x128xf32> to vector<128x128xf32>
    %exp3A_179 = math.exp %get3A_178 : vector<128x128xf32>
    %add3A_180 = arith.addf %add3A_168, %exp3A_179 : vector<128x128xf32>
    %eq3A_181 = arith.constant 14 : i32
    %eq3A_182 = vector.broadcast %eq3A_181 : i32 to vector<128x128xi32>
    %eq3A_183 = arith.cmpi eq, %get3A_5, %eq3A_182 : vector<128x128xi32>
    %select_n3A_184 = arith.select %eq3A_183, %get3A_178, %select_n3A_172 : vector<128x128xi1>, vector<128x128xf32>
    %get3A_185 = arith.constant 0 : index
    %get3A_186 = arith.constant 15 : index
    %get3A_187 = arith.constant 0 : index
    %get3A_188 = arith.constant 0 : index
    %get3A_189 = vector.load %arg2[%get3A_185, %get3A_186, %get3A_187, %get3A_188] : memref<1x21x128x512xf32, #tpu.memory_space<vmem>>, vector<1x1x128x128xf32>
    %get3A_190 = vector.shape_cast %get3A_189 : vector<1x1x128x128xf32> to vector<128x128xf32>
    %exp3A_191 = math.exp %get3A_190 : vector<128x128xf32>
    %add3A_192 = arith.addf %add3A_180, %exp3A_191 : vector<128x128xf32>
    %eq3A_193 = arith.constant 15 : i32
    %eq3A_194 = vector.broadcast %eq3A_193 : i32 to vector<128x128xi32>
    %eq3A_195 = arith.cmpi eq, %get3A_5, %eq3A_194 : vector<128x128xi32>
    %select_n3A_196 = arith.select %eq3A_195, %get3A_190, %select_n3A_184 : vector<128x128xi1>, vector<128x128xf32>
    %get3A_197 = arith.constant 0 : index
    %get3A_198 = arith.constant 16 : index
    %get3A_199 = arith.constant 0 : index
    %get3A_200 = arith.constant 0 : index
    %get3A_201 = vector.load %arg2[%get3A_197, %get3A_198, %get3A_199, %get3A_200] : memref<1x21x128x512xf32, #tpu.memory_space<vmem>>, vector<1x1x128x128xf32>
    %get3A_202 = vector.shape_cast %get3A_201 : vector<1x1x128x128xf32> to vector<128x128xf32>
    %exp3A_203 = math.exp %get3A_202 : vector<128x128xf32>
    %add3A_204 = arith.addf %add3A_192, %exp3A_203 : vector<128x128xf32>
    %eq3A_205 = arith.constant 16 : i32
    %eq3A_206 = vector.broadcast %eq3A_205 : i32 to vector<128x128xi32>
    %eq3A_207 = arith.cmpi eq, %get3A_5, %eq3A_206 : vector<128x128xi32>
    %select_n3A_208 = arith.select %eq3A_207, %get3A_202, %select_n3A_196 : vector<128x128xi1>, vector<128x128xf32>
    %get3A_209 = arith.constant 0 : index
    %get3A_210 = arith.constant 17 : index
    %get3A_211 = arith.constant 0 : index
    %get3A_212 = arith.constant 0 : index
    %get3A_213 = vector.load %arg2[%get3A_209, %get3A_210, %get3A_211, %get3A_212] : memref<1x21x128x512xf32, #tpu.memory_space<vmem>>, vector<1x1x128x128xf32>
    %get3A_214 = vector.shape_cast %get3A_213 : vector<1x1x128x128xf32> to vector<128x128xf32>
    %exp3A_215 = math.exp %get3A_214 : vector<128x128xf32>
    %add3A_216 = arith.addf %add3A_204, %exp3A_215 : vector<128x128xf32>
    %eq3A_217 = arith.constant 17 : i32
    %eq3A_218 = vector.broadcast %eq3A_217 : i32 to vector<128x128xi32>
    %eq3A_219 = arith.cmpi eq, %get3A_5, %eq3A_218 : vector<128x128xi32>
    %select_n3A_220 = arith.select %eq3A_219, %get3A_214, %select_n3A_208 : vector<128x128xi1>, vector<128x128xf32>
    %get3A_221 = arith.constant 0 : index
    %get3A_222 = arith.constant 18 : index
    %get3A_223 = arith.constant 0 : index
    %get3A_224 = arith.constant 0 : index
    %get3A_225 = vector.load %arg2[%get3A_221, %get3A_222, %get3A_223, %get3A_224] : memref<1x21x128x512xf32, #tpu.memory_space<vmem>>, vector<1x1x128x128xf32>
    %get3A_226 = vector.shape_cast %get3A_225 : vector<1x1x128x128xf32> to vector<128x128xf32>
    %exp3A_227 = math.exp %get3A_226 : vector<128x128xf32>
    %add3A_228 = arith.addf %add3A_216, %exp3A_227 : vector<128x128xf32>
    %eq3A_229 = arith.constant 18 : i32
    %eq3A_230 = vector.broadcast %eq3A_229 : i32 to vector<128x128xi32>
    %eq3A_231 = arith.cmpi eq, %get3A_5, %eq3A_230 : vector<128x128xi32>
    %select_n3A_232 = arith.select %eq3A_231, %get3A_226, %select_n3A_220 : vector<128x128xi1>, vector<128x128xf32>
    %get3A_233 = arith.constant 0 : index
    %get3A_234 = arith.constant 19 : index
    %get3A_235 = arith.constant 0 : index
    %get3A_236 = arith.constant 0 : index
    %get3A_237 = vector.load %arg2[%get3A_233, %get3A_234, %get3A_235, %get3A_236] : memref<1x21x128x512xf32, #tpu.memory_space<vmem>>, vector<1x1x128x128xf32>
    %get3A_238 = vector.shape_cast %get3A_237 : vector<1x1x128x128xf32> to vector<128x128xf32>
    %exp3A_239 = math.exp %get3A_238 : vector<128x128xf32>
    %add3A_240 = arith.addf %add3A_228, %exp3A_239 : vector<128x128xf32>
    %eq3A_241 = arith.constant 19 : i32
    %eq3A_242 = vector.broadcast %eq3A_241 : i32 to vector<128x128xi32>
    %eq3A_243 = arith.cmpi eq, %get3A_5, %eq3A_242 : vector<128x128xi32>
    %select_n3A_244 = arith.select %eq3A_243, %get3A_238, %select_n3A_232 : vector<128x128xi1>, vector<128x128xf32>
    %get3A_245 = arith.constant 0 : index
    %get3A_246 = arith.constant 20 : index
    %get3A_247 = arith.constant 0 : index
    %get3A_248 = arith.constant 0 : index
    %get3A_249 = vector.load %arg2[%get3A_245, %get3A_246, %get3A_247, %get3A_248] : memref<1x21x128x512xf32, #tpu.memory_space<vmem>>, vector<1x1x128x128xf32>
    %get3A_250 = vector.shape_cast %get3A_249 : vector<1x1x128x128xf32> to vector<128x128xf32>
    %exp3A_251 = math.exp %get3A_250 : vector<128x128xf32>
    %add3A_252 = arith.addf %add3A_240, %exp3A_251 : vector<128x128xf32>
    %eq3A_253 = arith.constant 20 : i32
    %eq3A_254 = vector.broadcast %eq3A_253 : i32 to vector<128x128xi32>
    %eq3A_255 = arith.cmpi eq, %get3A_5, %eq3A_254 : vector<128x128xi32>
    %select_n3A_256 = arith.select %eq3A_255, %get3A_250, %select_n3A_244 : vector<128x128xi1>, vector<128x128xf32>
    %log3A = math.log %add3A_252 : vector<128x128xf32>
    %sub3A = arith.subf %log3A, %select_n3A_256 : vector<128x128xf32>
    %sub3A_257 = arith.constant 1.000000e+00 : f32
    %sub3A_258 = vector.broadcast %sub3A_257 : f32 to vector<128x128xf32>
    %sub3A_259 = arith.subf %select_n3A_256, %sub3A_258 : vector<128x128xf32>
    %abs3A = math.absf %sub3A_259 : vector<128x128xf32>
    %broadcast_in_dim3A_260 = arith.constant 0 : i32
    %broadcast_in_dim3A_261 = vector.broadcast %broadcast_in_dim3A_260 : i32 to vector<128x128xi32>
    %gt3A = arith.constant 1.000000e-01 : f32
    %gt3A_262 = vector.broadcast %gt3A : f32 to vector<128x128xf32>
    %gt3A_263 = arith.cmpf ogt, %abs3A, %gt3A_262 : vector<128x128xf32>
    %jit3A = arith.constant 1 : i32
    %jit3A_264 = arith.constant 0 : i32
    %broadcast_in_dim3A_265 = vector.broadcast %jit3A : i32 to vector<128x128xi32>
    %broadcast_in_dim3A_266 = vector.broadcast %jit3A_264 : i32 to vector<128x128xi32>
    %select_n3A_267 = arith.select %gt3A_263, %broadcast_in_dim3A_265, %broadcast_in_dim3A_266 : vector<128x128xi1>, vector<128x128xi32>
    %add3A_268 = arith.addi %broadcast_in_dim3A_261, %select_n3A_267 : vector<128x128xi32>
    %gt3A_269 = arith.constant 2.000000e-01 : f32
    %gt3A_270 = vector.broadcast %gt3A_269 : f32 to vector<128x128xf32>
    %gt3A_271 = arith.cmpf ogt, %abs3A, %gt3A_270 : vector<128x128xf32>
    %jit3A_272 = arith.constant 1 : i32
    %jit3A_273 = arith.constant 0 : i32
    %broadcast_in_dim3A_274 = vector.broadcast %jit3A_272 : i32 to vector<128x128xi32>
    %broadcast_in_dim3A_275 = vector.broadcast %jit3A_273 : i32 to vector<128x128xi32>
    %select_n3A_276 = arith.select %gt3A_271, %broadcast_in_dim3A_274, %broadcast_in_dim3A_275 : vector<128x128xi1>, vector<128x128xi32>
    %add3A_277 = arith.addi %add3A_268, %select_n3A_276 : vector<128x128xi32>
    %gt3A_278 = arith.constant 3.000000e-01 : f32
    %gt3A_279 = vector.broadcast %gt3A_278 : f32 to vector<128x128xf32>
    %gt3A_280 = arith.cmpf ogt, %abs3A, %gt3A_279 : vector<128x128xf32>
    %jit3A_281 = arith.constant 1 : i32
    %jit3A_282 = arith.constant 0 : i32
    %broadcast_in_dim3A_283 = vector.broadcast %jit3A_281 : i32 to vector<128x128xi32>
    %broadcast_in_dim3A_284 = vector.broadcast %jit3A_282 : i32 to vector<128x128xi32>
    %select_n3A_285 = arith.select %gt3A_280, %broadcast_in_dim3A_283, %broadcast_in_dim3A_284 : vector<128x128xi1>, vector<128x128xi32>
    %add3A_286 = arith.addi %add3A_277, %select_n3A_285 : vector<128x128xi32>
    %gt3A_287 = arith.constant 4.000000e-01 : f32
    %gt3A_288 = vector.broadcast %gt3A_287 : f32 to vector<128x128xf32>
    %gt3A_289 = arith.cmpf ogt, %abs3A, %gt3A_288 : vector<128x128xf32>
    %jit3A_290 = arith.constant 1 : i32
    %jit3A_291 = arith.constant 0 : i32
    %broadcast_in_dim3A_292 = vector.broadcast %jit3A_290 : i32 to vector<128x128xi32>
    %broadcast_in_dim3A_293 = vector.broadcast %jit3A_291 : i32 to vector<128x128xi32>
    %select_n3A_294 = arith.select %gt3A_289, %broadcast_in_dim3A_292, %broadcast_in_dim3A_293 : vector<128x128xi1>, vector<128x128xi32>
    %add3A_295 = arith.addi %add3A_286, %select_n3A_294 : vector<128x128xi32>
    %gt3A_296 = arith.constant 5.000000e-01 : f32
    %gt3A_297 = vector.broadcast %gt3A_296 : f32 to vector<128x128xf32>
    %gt3A_298 = arith.cmpf ogt, %abs3A, %gt3A_297 : vector<128x128xf32>
    %jit3A_299 = arith.constant 1 : i32
    %jit3A_300 = arith.constant 0 : i32
    %broadcast_in_dim3A_301 = vector.broadcast %jit3A_299 : i32 to vector<128x128xi32>
    %broadcast_in_dim3A_302 = vector.broadcast %jit3A_300 : i32 to vector<128x128xi32>
    %select_n3A_303 = arith.select %gt3A_298, %broadcast_in_dim3A_301, %broadcast_in_dim3A_302 : vector<128x128xi1>, vector<128x128xi32>
    %add3A_304 = arith.addi %add3A_295, %select_n3A_303 : vector<128x128xi32>
    %gt3A_305 = arith.constant 6.000000e-01 : f32
    %gt3A_306 = vector.broadcast %gt3A_305 : f32 to vector<128x128xf32>
    %gt3A_307 = arith.cmpf ogt, %abs3A, %gt3A_306 : vector<128x128xf32>
    %jit3A_308 = arith.constant 1 : i32
    %jit3A_309 = arith.constant 0 : i32
    %broadcast_in_dim3A_310 = vector.broadcast %jit3A_308 : i32 to vector<128x128xi32>
    %broadcast_in_dim3A_311 = vector.broadcast %jit3A_309 : i32 to vector<128x128xi32>
    %select_n3A_312 = arith.select %gt3A_307, %broadcast_in_dim3A_310, %broadcast_in_dim3A_311 : vector<128x128xi1>, vector<128x128xi32>
    %add3A_313 = arith.addi %add3A_304, %select_n3A_312 : vector<128x128xi32>
    %gt3A_314 = arith.constant 0.699999988 : f32
    %gt3A_315 = vector.broadcast %gt3A_314 : f32 to vector<128x128xf32>
    %gt3A_316 = arith.cmpf ogt, %abs3A, %gt3A_315 : vector<128x128xf32>
    %jit3A_317 = arith.constant 1 : i32
    %jit3A_318 = arith.constant 0 : i32
    %broadcast_in_dim3A_319 = vector.broadcast %jit3A_317 : i32 to vector<128x128xi32>
    %broadcast_in_dim3A_320 = vector.broadcast %jit3A_318 : i32 to vector<128x128xi32>
    %select_n3A_321 = arith.select %gt3A_316, %broadcast_in_dim3A_319, %broadcast_in_dim3A_320 : vector<128x128xi1>, vector<128x128xi32>
    %add3A_322 = arith.addi %add3A_313, %select_n3A_321 : vector<128x128xi32>
    %gt3A_323 = arith.constant 8.000000e-01 : f32
    %gt3A_324 = vector.broadcast %gt3A_323 : f32 to vector<128x128xf32>
    %gt3A_325 = arith.cmpf ogt, %abs3A, %gt3A_324 : vector<128x128xf32>
    %jit3A_326 = arith.constant 1 : i32
    %jit3A_327 = arith.constant 0 : i32
    %broadcast_in_dim3A_328 = vector.broadcast %jit3A_326 : i32 to vector<128x128xi32>
    %broadcast_in_dim3A_329 = vector.broadcast %jit3A_327 : i32 to vector<128x128xi32>
    %select_n3A_330 = arith.select %gt3A_325, %broadcast_in_dim3A_328, %broadcast_in_dim3A_329 : vector<128x128xi1>, vector<128x128xi32>
    %add3A_331 = arith.addi %add3A_322, %select_n3A_330 : vector<128x128xi32>
    %gt3A_332 = arith.constant 0.899999976 : f32
    %gt3A_333 = vector.broadcast %gt3A_332 : f32 to vector<128x128xf32>
    %gt3A_334 = arith.cmpf ogt, %abs3A, %gt3A_333 : vector<128x128xf32>
    %jit3A_335 = arith.constant 1 : i32
    %jit3A_336 = arith.constant 0 : i32
    %broadcast_in_dim3A_337 = vector.broadcast %jit3A_335 : i32 to vector<128x128xi32>
    %broadcast_in_dim3A_338 = vector.broadcast %jit3A_336 : i32 to vector<128x128xi32>
    %select_n3A_339 = arith.select %gt3A_334, %broadcast_in_dim3A_337, %broadcast_in_dim3A_338 : vector<128x128xi1>, vector<128x128xi32>
    %add3A_340 = arith.addi %add3A_331, %select_n3A_339 : vector<128x128xi32>
    %bitcast_convert_type3A = tpu.bitcast %sub3A : vector<128x128xf32> -> vector<128x128xi32>
    %add3A_341 = arith.constant 32768 : i32
    %add3A_342 = vector.broadcast %add3A_341 : i32 to vector<128x128xi32>
    %add3A_343 = arith.addi %bitcast_convert_type3A, %add3A_342 : vector<128x128xi32>
    %and3A_344 = arith.constant -65536 : i32
    %and3A_345 = vector.broadcast %and3A_344 : i32 to vector<128x128xi32>
    %and3A_346 = arith.andi %add3A_343, %and3A_345 : vector<128x128xi32>
    %shift_left3A = arith.constant 4 : i32
    %shift_left3A_347 = vector.broadcast %shift_left3A : i32 to vector<128x128xi32>
    %shift_left3A_348 = arith.shli %add3A_340, %shift_left3A_347 : vector<128x128xi32>
    %add3A_349 = arith.addi %shift_left3A_348, %and3A_1 : vector<128x128xi32>
    %or3A = arith.ori %and3A_346, %add3A_349 : vector<128x128xi32>
    %swap3A = arith.constant 0 : index
    %swap3A_350 = arith.constant 0 : index
    %swap3A_351 = arith.constant 0 : index
    %swap3A_352 = vector.load %arg4[%swap3A, %swap3A_350, %swap3A_351] : memref<1x128x512xi32, #tpu.memory_space<vmem>>, vector<1x128x128xi32>
    %swap3A_353 = vector.shape_cast %swap3A_352 : vector<1x128x128xi32> to vector<128x128xi32>
    %swap3A_354 = vector.shape_cast %or3A : vector<128x128xi32> to vector<1x128x128xi32>
    tpu.vector_store %arg4[%swap3A, %swap3A_350, %swap3A_351], %swap3A_354 {strides = array<i32>} : memref<1x128x512xi32, #tpu.memory_space<vmem>>, vector<1x128x128xi32>,
    %get3A_355 = arith.constant 0 : index
    %get3A_356 = arith.constant 0 : index
    %get3A_357 = arith.constant 128 : index
    %get3A_358 = vector.load %arg3[%get3A_355, %get3A_356, %get3A_357] : memref<1x128x512xi32, #tpu.memory_space<vmem>>, vector<1x128x128xi32>
    %get3A_359 = vector.shape_cast %get3A_358 : vector<1x128x128xi32> to vector<128x128xi32>
    %broadcast_in_dim3A_360 = arith.constant 0.000000e+00 : f32
    %broadcast_in_dim3A_361 = vector.broadcast %broadcast_in_dim3A_360 : f32 to vector<128x128xf32>
    %broadcast_in_dim3A_362 = arith.constant 0.000000e+00 : f32
    %broadcast_in_dim3A_363 = vector.broadcast %broadcast_in_dim3A_362 : f32 to vector<128x128xf32>
    %get3A_364 = arith.constant 0 : index
    %get3A_365 = arith.constant 0 : index
    %get3A_366 = arith.constant 0 : index
    %get3A_367 = arith.constant 128 : index
    %get3A_368 = vector.load %arg2[%get3A_364, %get3A_365, %get3A_366, %get3A_367] : memref<1x21x128x512xf32, #tpu.memory_space<vmem>>, vector<1x1x128x128xf32>
    %get3A_369 = vector.shape_cast %get3A_368 : vector<1x1x128x128xf32> to vector<128x128xf32>
    %exp3A_370 = math.exp %get3A_369 : vector<128x128xf32>
    %add3A_371 = arith.addf %broadcast_in_dim3A_361, %exp3A_370 : vector<128x128xf32>
    %eq3A_372 = arith.constant 0 : i32
    %eq3A_373 = vector.broadcast %eq3A_372 : i32 to vector<128x128xi32>
    %eq3A_374 = arith.cmpi eq, %get3A_359, %eq3A_373 : vector<128x128xi32>
    %select_n3A_375 = arith.select %eq3A_374, %get3A_369, %broadcast_in_dim3A_363 : vector<128x128xi1>, vector<128x128xf32>
    %get3A_376 = arith.constant 0 : index
    %get3A_377 = arith.constant 1 : index
    %get3A_378 = arith.constant 0 : index
    %get3A_379 = arith.constant 128 : index
    %get3A_380 = vector.load %arg2[%get3A_376, %get3A_377, %get3A_378, %get3A_379] : memref<1x21x128x512xf32, #tpu.memory_space<vmem>>, vector<1x1x128x128xf32>
    %get3A_381 = vector.shape_cast %get3A_380 : vector<1x1x128x128xf32> to vector<128x128xf32>
    %exp3A_382 = math.exp %get3A_381 : vector<128x128xf32>
    %add3A_383 = arith.addf %add3A_371, %exp3A_382 : vector<128x128xf32>
    %eq3A_384 = arith.constant 1 : i32
    %eq3A_385 = vector.broadcast %eq3A_384 : i32 to vector<128x128xi32>
    %eq3A_386 = arith.cmpi eq, %get3A_359, %eq3A_385 : vector<128x128xi32>
    %select_n3A_387 = arith.select %eq3A_386, %get3A_381, %select_n3A_375 : vector<128x128xi1>, vector<128x128xf32>
    %get3A_388 = arith.constant 0 : index
    %get3A_389 = arith.constant 2 : index
    %get3A_390 = arith.constant 0 : index
    %get3A_391 = arith.constant 128 : index
    %get3A_392 = vector.load %arg2[%get3A_388, %get3A_389, %get3A_390, %get3A_391] : memref<1x21x128x512xf32, #tpu.memory_space<vmem>>, vector<1x1x128x128xf32>
    %get3A_393 = vector.shape_cast %get3A_392 : vector<1x1x128x128xf32> to vector<128x128xf32>
    %exp3A_394 = math.exp %get3A_393 : vector<128x128xf32>
    %add3A_395 = arith.addf %add3A_383, %exp3A_394 : vector<128x128xf32>
    %eq3A_396 = arith.constant 2 : i32
    %eq3A_397 = vector.broadcast %eq3A_396 : i32 to vector<128x128xi32>
    %eq3A_398 = arith.cmpi eq, %get3A_359, %eq3A_397 : vector<128x128xi32>
    %select_n3A_399 = arith.select %eq3A_398, %get3A_393, %select_n3A_387 : vector<128x128xi1>, vector<128x128xf32>
    %get3A_400 = arith.constant 0 : index
    %get3A_401 = arith.constant 3 : index
    %get3A_402 = arith.constant 0 : index
    %get3A_403 = arith.constant 128 : index
    %get3A_404 = vector.load %arg2[%get3A_400, %get3A_401, %get3A_402, %get3A_403] : memref<1x21x128x512xf32, #tpu.memory_space<vmem>>, vector<1x1x128x128xf32>
    %get3A_405 = vector.shape_cast %get3A_404 : vector<1x1x128x128xf32> to vector<128x128xf32>
    %exp3A_406 = math.exp %get3A_405 : vector<128x128xf32>
    %add3A_407 = arith.addf %add3A_395, %exp3A_406 : vector<128x128xf32>
    %eq3A_408 = arith.constant 3 : i32
    %eq3A_409 = vector.broadcast %eq3A_408 : i32 to vector<128x128xi32>
    %eq3A_410 = arith.cmpi eq, %get3A_359, %eq3A_409 : vector<128x128xi32>
    %select_n3A_411 = arith.select %eq3A_410, %get3A_405, %select_n3A_399 : vector<128x128xi1>, vector<128x128xf32>
    %get3A_412 = arith.constant 0 : index
    %get3A_413 = arith.constant 4 : index
    %get3A_414 = arith.constant 0 : index
    %get3A_415 = arith.constant 128 : index
    %get3A_416 = vector.load %arg2[%get3A_412, %get3A_413, %get3A_414, %get3A_415] : memref<1x21x128x512xf32, #tpu.memory_space<vmem>>, vector<1x1x128x128xf32>
    %get3A_417 = vector.shape_cast %get3A_416 : vector<1x1x128x128xf32> to vector<128x128xf32>
    %exp3A_418 = math.exp %get3A_417 : vector<128x128xf32>
    %add3A_419 = arith.addf %add3A_407, %exp3A_418 : vector<128x128xf32>
    %eq3A_420 = arith.constant 4 : i32
    %eq3A_421 = vector.broadcast %eq3A_420 : i32 to vector<128x128xi32>
    %eq3A_422 = arith.cmpi eq, %get3A_359, %eq3A_421 : vector<128x128xi32>
    %select_n3A_423 = arith.select %eq3A_422, %get3A_417, %select_n3A_411 : vector<128x128xi1>, vector<128x128xf32>
    %get3A_424 = arith.constant 0 : index
    %get3A_425 = arith.constant 5 : index
    %get3A_426 = arith.constant 0 : index
    %get3A_427 = arith.constant 128 : index
    %get3A_428 = vector.load %arg2[%get3A_424, %get3A_425, %get3A_426, %get3A_427] : memref<1x21x128x512xf32, #tpu.memory_space<vmem>>, vector<1x1x128x128xf32>
    %get3A_429 = vector.shape_cast %get3A_428 : vector<1x1x128x128xf32> to vector<128x128xf32>
    %exp3A_430 = math.exp %get3A_429 : vector<128x128xf32>
    %add3A_431 = arith.addf %add3A_419, %exp3A_430 : vector<128x128xf32>
    %eq3A_432 = arith.constant 5 : i32
    %eq3A_433 = vector.broadcast %eq3A_432 : i32 to vector<128x128xi32>
    %eq3A_434 = arith.cmpi eq, %get3A_359, %eq3A_433 : vector<128x128xi32>
    %select_n3A_435 = arith.select %eq3A_434, %get3A_429, %select_n3A_423 : vector<128x128xi1>, vector<128x128xf32>
    %get3A_436 = arith.constant 0 : index
    %get3A_437 = arith.constant 6 : index
    %get3A_438 = arith.constant 0 : index
    %get3A_439 = arith.constant 128 : index
    %get3A_440 = vector.load %arg2[%get3A_436, %get3A_437, %get3A_438, %get3A_439] : memref<1x21x128x512xf32, #tpu.memory_space<vmem>>, vector<1x1x128x128xf32>
    %get3A_441 = vector.shape_cast %get3A_440 : vector<1x1x128x128xf32> to vector<128x128xf32>
    %exp3A_442 = math.exp %get3A_441 : vector<128x128xf32>
    %add3A_443 = arith.addf %add3A_431, %exp3A_442 : vector<128x128xf32>
    %eq3A_444 = arith.constant 6 : i32
    %eq3A_445 = vector.broadcast %eq3A_444 : i32 to vector<128x128xi32>
    %eq3A_446 = arith.cmpi eq, %get3A_359, %eq3A_445 : vector<128x128xi32>
    %select_n3A_447 = arith.select %eq3A_446, %get3A_441, %select_n3A_435 : vector<128x128xi1>, vector<128x128xf32>
    %get3A_448 = arith.constant 0 : index
    %get3A_449 = arith.constant 7 : index
    %get3A_450 = arith.constant 0 : index
    %get3A_451 = arith.constant 128 : index
    %get3A_452 = vector.load %arg2[%get3A_448, %get3A_449, %get3A_450, %get3A_451] : memref<1x21x128x512xf32, #tpu.memory_space<vmem>>, vector<1x1x128x128xf32>
    %get3A_453 = vector.shape_cast %get3A_452 : vector<1x1x128x128xf32> to vector<128x128xf32>
    %exp3A_454 = math.exp %get3A_453 : vector<128x128xf32>
    %add3A_455 = arith.addf %add3A_443, %exp3A_454 : vector<128x128xf32>
    %eq3A_456 = arith.constant 7 : i32
    %eq3A_457 = vector.broadcast %eq3A_456 : i32 to vector<128x128xi32>
    %eq3A_458 = arith.cmpi eq, %get3A_359, %eq3A_457 : vector<128x128xi32>
    %select_n3A_459 = arith.select %eq3A_458, %get3A_453, %select_n3A_447 : vector<128x128xi1>, vector<128x128xf32>
    %get3A_460 = arith.constant 0 : index
    %get3A_461 = arith.constant 8 : index
    %get3A_462 = arith.constant 0 : index
    %get3A_463 = arith.constant 128 : index
    %get3A_464 = vector.load %arg2[%get3A_460, %get3A_461, %get3A_462, %get3A_463] : memref<1x21x128x512xf32, #tpu.memory_space<vmem>>, vector<1x1x128x128xf32>
    %get3A_465 = vector.shape_cast %get3A_464 : vector<1x1x128x128xf32> to vector<128x128xf32>
    %exp3A_466 = math.exp %get3A_465 : vector<128x128xf32>
    %add3A_467 = arith.addf %add3A_455, %exp3A_466 : vector<128x128xf32>
    %eq3A_468 = arith.constant 8 : i32
    %eq3A_469 = vector.broadcast %eq3A_468 : i32 to vector<128x128xi32>
    %eq3A_470 = arith.cmpi eq, %get3A_359, %eq3A_469 : vector<128x128xi32>
    %select_n3A_471 = arith.select %eq3A_470, %get3A_465, %select_n3A_459 : vector<128x128xi1>, vector<128x128xf32>
    %get3A_472 = arith.constant 0 : index
    %get3A_473 = arith.constant 9 : index
    %get3A_474 = arith.constant 0 : index
    %get3A_475 = arith.constant 128 : index
    %get3A_476 = vector.load %arg2[%get3A_472, %get3A_473, %get3A_474, %get3A_475] : memref<1x21x128x512xf32, #tpu.memory_space<vmem>>, vector<1x1x128x128xf32>
    %get3A_477 = vector.shape_cast %get3A_476 : vector<1x1x128x128xf32> to vector<128x128xf32>
    %exp3A_478 = math.exp %get3A_477 : vector<128x128xf32>
    %add3A_479 = arith.addf %add3A_467, %exp3A_478 : vector<128x128xf32>
    %eq3A_480 = arith.constant 9 : i32
    %eq3A_481 = vector.broadcast %eq3A_480 : i32 to vector<128x128xi32>
    %eq3A_482 = arith.cmpi eq, %get3A_359, %eq3A_481 : vector<128x128xi32>
    %select_n3A_483 = arith.select %eq3A_482, %get3A_477, %select_n3A_471 : vector<128x128xi1>, vector<128x128xf32>
    %get3A_484 = arith.constant 0 : index
    %get3A_485 = arith.constant 10 : index
    %get3A_486 = arith.constant 0 : index
    %get3A_487 = arith.constant 128 : index
    %get3A_488 = vector.load %arg2[%get3A_484, %get3A_485, %get3A_486, %get3A_487] : memref<1x21x128x512xf32, #tpu.memory_space<vmem>>, vector<1x1x128x128xf32>
    %get3A_489 = vector.shape_cast %get3A_488 : vector<1x1x128x128xf32> to vector<128x128xf32>
    %exp3A_490 = math.exp %get3A_489 : vector<128x128xf32>
    %add3A_491 = arith.addf %add3A_479, %exp3A_490 : vector<128x128xf32>
    %eq3A_492 = arith.constant 10 : i32
    %eq3A_493 = vector.broadcast %eq3A_492 : i32 to vector<128x128xi32>
    %eq3A_494 = arith.cmpi eq, %get3A_359, %eq3A_493 : vector<128x128xi32>
    %select_n3A_495 = arith.select %eq3A_494, %get3A_489, %select_n3A_483 : vector<128x128xi1>, vector<128x128xf32>
    %get3A_496 = arith.constant 0 : index
    %get3A_497 = arith.constant 11 : index
    %get3A_498 = arith.constant 0 : index
    %get3A_499 = arith.constant 128 : index
    %get3A_500 = vector.load %arg2[%get3A_496, %get3A_497, %get3A_498, %get3A_499] : memref<1x21x128x512xf32, #tpu.memory_space<vmem>>, vector<1x1x128x128xf32>
    %get3A_501 = vector.shape_cast %get3A_500 : vector<1x1x128x128xf32> to vector<128x128xf32>
    %exp3A_502 = math.exp %get3A_501 : vector<128x128xf32>
    %add3A_503 = arith.addf %add3A_491, %exp3A_502 : vector<128x128xf32>
    %eq3A_504 = arith.constant 11 : i32
    %eq3A_505 = vector.broadcast %eq3A_504 : i32 to vector<128x128xi32>
    %eq3A_506 = arith.cmpi eq, %get3A_359, %eq3A_505 : vector<128x128xi32>
    %select_n3A_507 = arith.select %eq3A_506, %get3A_501, %select_n3A_495 : vector<128x128xi1>, vector<128x128xf32>
    %get3A_508 = arith.constant 0 : index
    %get3A_509 = arith.constant 12 : index
    %get3A_510 = arith.constant 0 : index
    %get3A_511 = arith.constant 128 : index
    %get3A_512 = vector.load %arg2[%get3A_508, %get3A_509, %get3A_510, %get3A_511] : memref<1x21x128x512xf32, #tpu.memory_space<vmem>>, vector<1x1x128x128xf32>
    %get3A_513 = vector.shape_cast %get3A_512 : vector<1x1x128x128xf32> to vector<128x128xf32>
    %exp3A_514 = math.exp %get3A_513 : vector<128x128xf32>
    %add3A_515 = arith.addf %add3A_503, %exp3A_514 : vector<128x128xf32>
    %eq3A_516 = arith.constant 12 : i32
    %eq3A_517 = vector.broadcast %eq3A_516 : i32 to vector<128x128xi32>
    %eq3A_518 = arith.cmpi eq, %get3A_359, %eq3A_517 : vector<128x128xi32>
    %select_n3A_519 = arith.select %eq3A_518, %get3A_513, %select_n3A_507 : vector<128x128xi1>, vector<128x128xf32>
    %get3A_520 = arith.constant 0 : index
    %get3A_521 = arith.constant 13 : index
    %get3A_522 = arith.constant 0 : index
    %get3A_523 = arith.constant 128 : index
    %get3A_524 = vector.load %arg2[%get3A_520, %get3A_521, %get3A_522, %get3A_523] : memref<1x21x128x512xf32, #tpu.memory_space<vmem>>, vector<1x1x128x128xf32>
    %get3A_525 = vector.shape_cast %get3A_524 : vector<1x1x128x128xf32> to vector<128x128xf32>
    %exp3A_526 = math.exp %get3A_525 : vector<128x128xf32>
    %add3A_527 = arith.addf %add3A_515, %exp3A_526 : vector<128x128xf32>
    %eq3A_528 = arith.constant 13 : i32
    %eq3A_529 = vector.broadcast %eq3A_528 : i32 to vector<128x128xi32>
    %eq3A_530 = arith.cmpi eq, %get3A_359, %eq3A_529 : vector<128x128xi32>
    %select_n3A_531 = arith.select %eq3A_530, %get3A_525, %select_n3A_519 : vector<128x128xi1>, vector<128x128xf32>
    %get3A_532 = arith.constant 0 : index
    %get3A_533 = arith.constant 14 : index
    %get3A_534 = arith.constant 0 : index
    %get3A_535 = arith.constant 128 : index
    %get3A_536 = vector.load %arg2[%get3A_532, %get3A_533, %get3A_534, %get3A_535] : memref<1x21x128x512xf32, #tpu.memory_space<vmem>>, vector<1x1x128x128xf32>
    %get3A_537 = vector.shape_cast %get3A_536 : vector<1x1x128x128xf32> to vector<128x128xf32>
    %exp3A_538 = math.exp %get3A_537 : vector<128x128xf32>
    %add3A_539 = arith.addf %add3A_527, %exp3A_538 : vector<128x128xf32>
    %eq3A_540 = arith.constant 14 : i32
    %eq3A_541 = vector.broadcast %eq3A_540 : i32 to vector<128x128xi32>
    %eq3A_542 = arith.cmpi eq, %get3A_359, %eq3A_541 : vector<128x128xi32>
    %select_n3A_543 = arith.select %eq3A_542, %get3A_537, %select_n3A_531 : vector<128x128xi1>, vector<128x128xf32>
    %get3A_544 = arith.constant 0 : index
    %get3A_545 = arith.constant 15 : index
    %get3A_546 = arith.constant 0 : index
    %get3A_547 = arith.constant 128 : index
    %get3A_548 = vector.load %arg2[%get3A_544, %get3A_545, %get3A_546, %get3A_547] : memref<1x21x128x512xf32, #tpu.memory_space<vmem>>, vector<1x1x128x128xf32>
    %get3A_549 = vector.shape_cast %get3A_548 : vector<1x1x128x128xf32> to vector<128x128xf32>
    %exp3A_550 = math.exp %get3A_549 : vector<128x128xf32>
    %add3A_551 = arith.addf %add3A_539, %exp3A_550 : vector<128x128xf32>
    %eq3A_552 = arith.constant 15 : i32
    %eq3A_553 = vector.broadcast %eq3A_552 : i32 to vector<128x128xi32>
    %eq3A_554 = arith.cmpi eq, %get3A_359, %eq3A_553 : vector<128x128xi32>
    %select_n3A_555 = arith.select %eq3A_554, %get3A_549, %select_n3A_543 : vector<128x128xi1>, vector<128x128xf32>
    %get3A_556 = arith.constant 0 : index
    %get3A_557 = arith.constant 16 : index
    %get3A_558 = arith.constant 0 : index
    %get3A_559 = arith.constant 128 : index
    %get3A_560 = vector.load %arg2[%get3A_556, %get3A_557, %get3A_558, %get3A_559] : memref<1x21x128x512xf32, #tpu.memory_space<vmem>>, vector<1x1x128x128xf32>
    %get3A_561 = vector.shape_cast %get3A_560 : vector<1x1x128x128xf32> to vector<128x128xf32>
    %exp3A_562 = math.exp %get3A_561 : vector<128x128xf32>
    %add3A_563 = arith.addf %add3A_551, %exp3A_562 : vector<128x128xf32>
    %eq3A_564 = arith.constant 16 : i32
    %eq3A_565 = vector.broadcast %eq3A_564 : i32 to vector<128x128xi32>
    %eq3A_566 = arith.cmpi eq, %get3A_359, %eq3A_565 : vector<128x128xi32>
    %select_n3A_567 = arith.select %eq3A_566, %get3A_561, %select_n3A_555 : vector<128x128xi1>, vector<128x128xf32>
    %get3A_568 = arith.constant 0 : index
    %get3A_569 = arith.constant 17 : index
    %get3A_570 = arith.constant 0 : index
    %get3A_571 = arith.constant 128 : index
    %get3A_572 = vector.load %arg2[%get3A_568, %get3A_569, %get3A_570, %get3A_571] : memref<1x21x128x512xf32, #tpu.memory_space<vmem>>, vector<1x1x128x128xf32>
    %get3A_573 = vector.shape_cast %get3A_572 : vector<1x1x128x128xf32> to vector<128x128xf32>
    %exp3A_574 = math.exp %get3A_573 : vector<128x128xf32>
    %add3A_575 = arith.addf %add3A_563, %exp3A_574 : vector<128x128xf32>
    %eq3A_576 = arith.constant 17 : i32
    %eq3A_577 = vector.broadcast %eq3A_576 : i32 to vector<128x128xi32>
    %eq3A_578 = arith.cmpi eq, %get3A_359, %eq3A_577 : vector<128x128xi32>
    %select_n3A_579 = arith.select %eq3A_578, %get3A_573, %select_n3A_567 : vector<128x128xi1>, vector<128x128xf32>
    %get3A_580 = arith.constant 0 : index
    %get3A_581 = arith.constant 18 : index
    %get3A_582 = arith.constant 0 : index
    %get3A_583 = arith.constant 128 : index
    %get3A_584 = vector.load %arg2[%get3A_580, %get3A_581, %get3A_582, %get3A_583] : memref<1x21x128x512xf32, #tpu.memory_space<vmem>>, vector<1x1x128x128xf32>
    %get3A_585 = vector.shape_cast %get3A_584 : vector<1x1x128x128xf32> to vector<128x128xf32>
    %exp3A_586 = math.exp %get3A_585 : vector<128x128xf32>
    %add3A_587 = arith.addf %add3A_575, %exp3A_586 : vector<128x128xf32>
    %eq3A_588 = arith.constant 18 : i32
    %eq3A_589 = vector.broadcast %eq3A_588 : i32 to vector<128x128xi32>
    %eq3A_590 = arith.cmpi eq, %get3A_359, %eq3A_589 : vector<128x128xi32>
    %select_n3A_591 = arith.select %eq3A_590, %get3A_585, %select_n3A_579 : vector<128x128xi1>, vector<128x128xf32>
    %get3A_592 = arith.constant 0 : index
    %get3A_593 = arith.constant 19 : index
    %get3A_594 = arith.constant 0 : index
    %get3A_595 = arith.constant 128 : index
    %get3A_596 = vector.load %arg2[%get3A_592, %get3A_593, %get3A_594, %get3A_595] : memref<1x21x128x512xf32, #tpu.memory_space<vmem>>, vector<1x1x128x128xf32>
    %get3A_597 = vector.shape_cast %get3A_596 : vector<1x1x128x128xf32> to vector<128x128xf32>
    %exp3A_598 = math.exp %get3A_597 : vector<128x128xf32>
    %add3A_599 = arith.addf %add3A_587, %exp3A_598 : vector<128x128xf32>
    %eq3A_600 = arith.constant 19 : i32
    %eq3A_601 = vector.broadcast %eq3A_600 : i32 to vector<128x128xi32>
    %eq3A_602 = arith.cmpi eq, %get3A_359, %eq3A_601 : vector<128x128xi32>
    %select_n3A_603 = arith.select %eq3A_602, %get3A_597, %select_n3A_591 : vector<128x128xi1>, vector<128x128xf32>
    %get3A_604 = arith.constant 0 : index
    %get3A_605 = arith.constant 20 : index
    %get3A_606 = arith.constant 0 : index
    %get3A_607 = arith.constant 128 : index
    %get3A_608 = vector.load %arg2[%get3A_604, %get3A_605, %get3A_606, %get3A_607] : memref<1x21x128x512xf32, #tpu.memory_space<vmem>>, vector<1x1x128x128xf32>
    %get3A_609 = vector.shape_cast %get3A_608 : vector<1x1x128x128xf32> to vector<128x128xf32>
    %exp3A_610 = math.exp %get3A_609 : vector<128x128xf32>
    %add3A_611 = arith.addf %add3A_599, %exp3A_610 : vector<128x128xf32>
    %eq3A_612 = arith.constant 20 : i32
    %eq3A_613 = vector.broadcast %eq3A_612 : i32 to vector<128x128xi32>
    %eq3A_614 = arith.cmpi eq, %get3A_359, %eq3A_613 : vector<128x128xi32>
    %select_n3A_615 = arith.select %eq3A_614, %get3A_609, %select_n3A_603 : vector<128x128xi1>, vector<128x128xf32>
    %log3A_616 = math.log %add3A_611 : vector<128x128xf32>
    %sub3A_617 = arith.subf %log3A_616, %select_n3A_615 : vector<128x128xf32>
    %sub3A_618 = arith.constant 1.000000e+00 : f32
    %sub3A_619 = vector.broadcast %sub3A_618 : f32 to vector<128x128xf32>
    %sub3A_620 = arith.subf %select_n3A_615, %sub3A_619 : vector<128x128xf32>
    %abs3A_621 = math.absf %sub3A_620 : vector<128x128xf32>
    %broadcast_in_dim3A_622 = arith.constant 0 : i32
    %broadcast_in_dim3A_623 = vector.broadcast %broadcast_in_dim3A_622 : i32 to vector<128x128xi32>
    %gt3A_624 = arith.constant 1.000000e-01 : f32
    %gt3A_625 = vector.broadcast %gt3A_624 : f32 to vector<128x128xf32>
    %gt3A_626 = arith.cmpf ogt, %abs3A_621, %gt3A_625 : vector<128x128xf32>
    %jit3A_627 = arith.constant 1 : i32
    %jit3A_628 = arith.constant 0 : i32
    %broadcast_in_dim3A_629 = vector.broadcast %jit3A_627 : i32 to vector<128x128xi32>
    %broadcast_in_dim3A_630 = vector.broadcast %jit3A_628 : i32 to vector<128x128xi32>
    %select_n3A_631 = arith.select %gt3A_626, %broadcast_in_dim3A_629, %broadcast_in_dim3A_630 : vector<128x128xi1>, vector<128x128xi32>
    %add3A_632 = arith.addi %broadcast_in_dim3A_623, %select_n3A_631 : vector<128x128xi32>
    %gt3A_633 = arith.constant 2.000000e-01 : f32
    %gt3A_634 = vector.broadcast %gt3A_633 : f32 to vector<128x128xf32>
    %gt3A_635 = arith.cmpf ogt, %abs3A_621, %gt3A_634 : vector<128x128xf32>
    %jit3A_636 = arith.constant 1 : i32
    %jit3A_637 = arith.constant 0 : i32
    %broadcast_in_dim3A_638 = vector.broadcast %jit3A_636 : i32 to vector<128x128xi32>
    %broadcast_in_dim3A_639 = vector.broadcast %jit3A_637 : i32 to vector<128x128xi32>
    %select_n3A_640 = arith.select %gt3A_635, %broadcast_in_dim3A_638, %broadcast_in_dim3A_639 : vector<128x128xi1>, vector<128x128xi32>
    %add3A_641 = arith.addi %add3A_632, %select_n3A_640 : vector<128x128xi32>
    %gt3A_642 = arith.constant 3.000000e-01 : f32
    %gt3A_643 = vector.broadcast %gt3A_642 : f32 to vector<128x128xf32>
    %gt3A_644 = arith.cmpf ogt, %abs3A_621, %gt3A_643 : vector<128x128xf32>
    %jit3A_645 = arith.constant 1 : i32
    %jit3A_646 = arith.constant 0 : i32
    %broadcast_in_dim3A_647 = vector.broadcast %jit3A_645 : i32 to vector<128x128xi32>
    %broadcast_in_dim3A_648 = vector.broadcast %jit3A_646 : i32 to vector<128x128xi32>
    %select_n3A_649 = arith.select %gt3A_644, %broadcast_in_dim3A_647, %broadcast_in_dim3A_648 : vector<128x128xi1>, vector<128x128xi32>
    %add3A_650 = arith.addi %add3A_641, %select_n3A_649 : vector<128x128xi32>
    %gt3A_651 = arith.constant 4.000000e-01 : f32
    %gt3A_652 = vector.broadcast %gt3A_651 : f32 to vector<128x128xf32>
    %gt3A_653 = arith.cmpf ogt, %abs3A_621, %gt3A_652 : vector<128x128xf32>
    %jit3A_654 = arith.constant 1 : i32
    %jit3A_655 = arith.constant 0 : i32
    %broadcast_in_dim3A_656 = vector.broadcast %jit3A_654 : i32 to vector<128x128xi32>
    %broadcast_in_dim3A_657 = vector.broadcast %jit3A_655 : i32 to vector<128x128xi32>
    %select_n3A_658 = arith.select %gt3A_653, %broadcast_in_dim3A_656, %broadcast_in_dim3A_657 : vector<128x128xi1>, vector<128x128xi32>
    %add3A_659 = arith.addi %add3A_650, %select_n3A_658 : vector<128x128xi32>
    %gt3A_660 = arith.constant 5.000000e-01 : f32
    %gt3A_661 = vector.broadcast %gt3A_660 : f32 to vector<128x128xf32>
    %gt3A_662 = arith.cmpf ogt, %abs3A_621, %gt3A_661 : vector<128x128xf32>
    %jit3A_663 = arith.constant 1 : i32
    %jit3A_664 = arith.constant 0 : i32
    %broadcast_in_dim3A_665 = vector.broadcast %jit3A_663 : i32 to vector<128x128xi32>
    %broadcast_in_dim3A_666 = vector.broadcast %jit3A_664 : i32 to vector<128x128xi32>
    %select_n3A_667 = arith.select %gt3A_662, %broadcast_in_dim3A_665, %broadcast_in_dim3A_666 : vector<128x128xi1>, vector<128x128xi32>
    %add3A_668 = arith.addi %add3A_659, %select_n3A_667 : vector<128x128xi32>
    %gt3A_669 = arith.constant 6.000000e-01 : f32
    %gt3A_670 = vector.broadcast %gt3A_669 : f32 to vector<128x128xf32>
    %gt3A_671 = arith.cmpf ogt, %abs3A_621, %gt3A_670 : vector<128x128xf32>
    %jit3A_672 = arith.constant 1 : i32
    %jit3A_673 = arith.constant 0 : i32
    %broadcast_in_dim3A_674 = vector.broadcast %jit3A_672 : i32 to vector<128x128xi32>
    %broadcast_in_dim3A_675 = vector.broadcast %jit3A_673 : i32 to vector<128x128xi32>
    %select_n3A_676 = arith.select %gt3A_671, %broadcast_in_dim3A_674, %broadcast_in_dim3A_675 : vector<128x128xi1>, vector<128x128xi32>
    %add3A_677 = arith.addi %add3A_668, %select_n3A_676 : vector<128x128xi32>
    %gt3A_678 = arith.constant 0.699999988 : f32
    %gt3A_679 = vector.broadcast %gt3A_678 : f32 to vector<128x128xf32>
    %gt3A_680 = arith.cmpf ogt, %abs3A_621, %gt3A_679 : vector<128x128xf32>
    %jit3A_681 = arith.constant 1 : i32
    %jit3A_682 = arith.constant 0 : i32
    %broadcast_in_dim3A_683 = vector.broadcast %jit3A_681 : i32 to vector<128x128xi32>
    %broadcast_in_dim3A_684 = vector.broadcast %jit3A_682 : i32 to vector<128x128xi32>
    %select_n3A_685 = arith.select %gt3A_680, %broadcast_in_dim3A_683, %broadcast_in_dim3A_684 : vector<128x128xi1>, vector<128x128xi32>
    %add3A_686 = arith.addi %add3A_677, %select_n3A_685 : vector<128x128xi32>
    %gt3A_687 = arith.constant 8.000000e-01 : f32
    %gt3A_688 = vector.broadcast %gt3A_687 : f32 to vector<128x128xf32>
    %gt3A_689 = arith.cmpf ogt, %abs3A_621, %gt3A_688 : vector<128x128xf32>
    %jit3A_690 = arith.constant 1 : i32
    %jit3A_691 = arith.constant 0 : i32
    %broadcast_in_dim3A_692 = vector.broadcast %jit3A_690 : i32 to vector<128x128xi32>
    %broadcast_in_dim3A_693 = vector.broadcast %jit3A_691 : i32 to vector<128x128xi32>
    %select_n3A_694 = arith.select %gt3A_689, %broadcast_in_dim3A_692, %broadcast_in_dim3A_693 : vector<128x128xi1>, vector<128x128xi32>
    %add3A_695 = arith.addi %add3A_686, %select_n3A_694 : vector<128x128xi32>
    %gt3A_696 = arith.constant 0.899999976 : f32
    %gt3A_697 = vector.broadcast %gt3A_696 : f32 to vector<128x128xf32>
    %gt3A_698 = arith.cmpf ogt, %abs3A_621, %gt3A_697 : vector<128x128xf32>
    %jit3A_699 = arith.constant 1 : i32
    %jit3A_700 = arith.constant 0 : i32
    %broadcast_in_dim3A_701 = vector.broadcast %jit3A_699 : i32 to vector<128x128xi32>
    %broadcast_in_dim3A_702 = vector.broadcast %jit3A_700 : i32 to vector<128x128xi32>
    %select_n3A_703 = arith.select %gt3A_698, %broadcast_in_dim3A_701, %broadcast_in_dim3A_702 : vector<128x128xi1>, vector<128x128xi32>
    %add3A_704 = arith.addi %add3A_695, %select_n3A_703 : vector<128x128xi32>
    %bitcast_convert_type3A_705 = tpu.bitcast %sub3A_617 : vector<128x128xf32> -> vector<128x128xi32>
    %add3A_706 = arith.constant 32768 : i32
    %add3A_707 = vector.broadcast %add3A_706 : i32 to vector<128x128xi32>
    %add3A_708 = arith.addi %bitcast_convert_type3A_705, %add3A_707 : vector<128x128xi32>
    %and3A_709 = arith.constant -65536 : i32
    %and3A_710 = vector.broadcast %and3A_709 : i32 to vector<128x128xi32>
    %and3A_711 = arith.andi %add3A_708, %and3A_710 : vector<128x128xi32>
    %shift_left3A_712 = arith.constant 4 : i32
    %shift_left3A_713 = vector.broadcast %shift_left3A_712 : i32 to vector<128x128xi32>
    %shift_left3A_714 = arith.shli %add3A_704, %shift_left3A_713 : vector<128x128xi32>
    %add3A_715 = arith.addi %shift_left3A_714, %and3A_1 : vector<128x128xi32>
    %or3A_716 = arith.ori %and3A_711, %add3A_715 : vector<128x128xi32>
    %swap3A_717 = arith.constant 0 : index
    %swap3A_718 = arith.constant 0 : index
    %swap3A_719 = arith.constant 128 : index
    %swap3A_720 = vector.load %arg4[%swap3A_717, %swap3A_718, %swap3A_719] : memref<1x128x512xi32, #tpu.memory_space<vmem>>, vector<1x128x128xi32>
    %swap3A_721 = vector.shape_cast %swap3A_720 : vector<1x128x128xi32> to vector<128x128xi32>
    %swap3A_722 = vector.shape_cast %or3A_716 : vector<128x128xi32> to vector<1x128x128xi32>
    tpu.vector_store %arg4[%swap3A_717, %swap3A_718, %swap3A_719], %swap3A_722 {strides = array<i32>} : memref<1x128x512xi32, #tpu.memory_space<vmem>>, vector<1x128x128xi32>,
    %get3A_723 = arith.constant 0 : index
    %get3A_724 = arith.constant 0 : index
    %get3A_725 = arith.constant 256 : index
    %get3A_726 = vector.load %arg3[%get3A_723, %get3A_724, %get3A_725] : memref<1x128x512xi32, #tpu.memory_space<vmem>>, vector<1x128x128xi32>
    %get3A_727 = vector.shape_cast %get3A_726 : vector<1x128x128xi32> to vector<128x128xi32>
    %broadcast_in_dim3A_728 = arith.constant 0.000000e+00 : f32
    %broadcast_in_dim3A_729 = vector.broadcast %broadcast_in_dim3A_728 : f32 to vector<128x128xf32>
    %broadcast_in_dim3A_730 = arith.constant 0.000000e+00 : f32
    %broadcast_in_dim3A_731 = vector.broadcast %broadcast_in_dim3A_730 : f32 to vector<128x128xf32>
    %get3A_732 = arith.constant 0 : index
    %get3A_733 = arith.constant 0 : index
    %get3A_734 = arith.constant 0 : index
    %get3A_735 = arith.constant 256 : index
    %get3A_736 = vector.load %arg2[%get3A_732, %get3A_733, %get3A_734, %get3A_735] : memref<1x21x128x512xf32, #tpu.memory_space<vmem>>, vector<1x1x128x128xf32>
    %get3A_737 = vector.shape_cast %get3A_736 : vector<1x1x128x128xf32> to vector<128x128xf32>
    %exp3A_738 = math.exp %get3A_737 : vector<128x128xf32>
    %add3A_739 = arith.addf %broadcast_in_dim3A_729, %exp3A_738 : vector<128x128xf32>
    %eq3A_740 = arith.constant 0 : i32
    %eq3A_741 = vector.broadcast %eq3A_740 : i32 to vector<128x128xi32>
    %eq3A_742 = arith.cmpi eq, %get3A_727, %eq3A_741 : vector<128x128xi32>
    %select_n3A_743 = arith.select %eq3A_742, %get3A_737, %broadcast_in_dim3A_731 : vector<128x128xi1>, vector<128x128xf32>
    %get3A_744 = arith.constant 0 : index
    %get3A_745 = arith.constant 1 : index
    %get3A_746 = arith.constant 0 : index
    %get3A_747 = arith.constant 256 : index
    %get3A_748 = vector.load %arg2[%get3A_744, %get3A_745, %get3A_746, %get3A_747] : memref<1x21x128x512xf32, #tpu.memory_space<vmem>>, vector<1x1x128x128xf32>
    %get3A_749 = vector.shape_cast %get3A_748 : vector<1x1x128x128xf32> to vector<128x128xf32>
    %exp3A_750 = math.exp %get3A_749 : vector<128x128xf32>
    %add3A_751 = arith.addf %add3A_739, %exp3A_750 : vector<128x128xf32>
    %eq3A_752 = arith.constant 1 : i32
    %eq3A_753 = vector.broadcast %eq3A_752 : i32 to vector<128x128xi32>
    %eq3A_754 = arith.cmpi eq, %get3A_727, %eq3A_753 : vector<128x128xi32>
    %select_n3A_755 = arith.select %eq3A_754, %get3A_749, %select_n3A_743 : vector<128x128xi1>, vector<128x128xf32>
    %get3A_756 = arith.constant 0 : index
    %get3A_757 = arith.constant 2 : index
    %get3A_758 = arith.constant 0 : index
    %get3A_759 = arith.constant 256 : index
    %get3A_760 = vector.load %arg2[%get3A_756, %get3A_757, %get3A_758, %get3A_759] : memref<1x21x128x512xf32, #tpu.memory_space<vmem>>, vector<1x1x128x128xf32>
    %get3A_761 = vector.shape_cast %get3A_760 : vector<1x1x128x128xf32> to vector<128x128xf32>
    %exp3A_762 = math.exp %get3A_761 : vector<128x128xf32>
    %add3A_763 = arith.addf %add3A_751, %exp3A_762 : vector<128x128xf32>
    %eq3A_764 = arith.constant 2 : i32
    %eq3A_765 = vector.broadcast %eq3A_764 : i32 to vector<128x128xi32>
    %eq3A_766 = arith.cmpi eq, %get3A_727, %eq3A_765 : vector<128x128xi32>
    %select_n3A_767 = arith.select %eq3A_766, %get3A_761, %select_n3A_755 : vector<128x128xi1>, vector<128x128xf32>
    %get3A_768 = arith.constant 0 : index
    %get3A_769 = arith.constant 3 : index
    %get3A_770 = arith.constant 0 : index
    %get3A_771 = arith.constant 256 : index
    %get3A_772 = vector.load %arg2[%get3A_768, %get3A_769, %get3A_770, %get3A_771] : memref<1x21x128x512xf32, #tpu.memory_space<vmem>>, vector<1x1x128x128xf32>
    %get3A_773 = vector.shape_cast %get3A_772 : vector<1x1x128x128xf32> to vector<128x128xf32>
    %exp3A_774 = math.exp %get3A_773 : vector<128x128xf32>
    %add3A_775 = arith.addf %add3A_763, %exp3A_774 : vector<128x128xf32>
    %eq3A_776 = arith.constant 3 : i32
    %eq3A_777 = vector.broadcast %eq3A_776 : i32 to vector<128x128xi32>
    %eq3A_778 = arith.cmpi eq, %get3A_727, %eq3A_777 : vector<128x128xi32>
    %select_n3A_779 = arith.select %eq3A_778, %get3A_773, %select_n3A_767 : vector<128x128xi1>, vector<128x128xf32>
    %get3A_780 = arith.constant 0 : index
    %get3A_781 = arith.constant 4 : index
    %get3A_782 = arith.constant 0 : index
    %get3A_783 = arith.constant 256 : index
    %get3A_784 = vector.load %arg2[%get3A_780, %get3A_781, %get3A_782, %get3A_783] : memref<1x21x128x512xf32, #tpu.memory_space<vmem>>, vector<1x1x128x128xf32>
    %get3A_785 = vector.shape_cast %get3A_784 : vector<1x1x128x128xf32> to vector<128x128xf32>
    %exp3A_786 = math.exp %get3A_785 : vector<128x128xf32>
    %add3A_787 = arith.addf %add3A_775, %exp3A_786 : vector<128x128xf32>
    %eq3A_788 = arith.constant 4 : i32
    %eq3A_789 = vector.broadcast %eq3A_788 : i32 to vector<128x128xi32>
    %eq3A_790 = arith.cmpi eq, %get3A_727, %eq3A_789 : vector<128x128xi32>
    %select_n3A_791 = arith.select %eq3A_790, %get3A_785, %select_n3A_779 : vector<128x128xi1>, vector<128x128xf32>
    %get3A_792 = arith.constant 0 : index
    %get3A_793 = arith.constant 5 : index
    %get3A_794 = arith.constant 0 : index
    %get3A_795 = arith.constant 256 : index
    %get3A_796 = vector.load %arg2[%get3A_792, %get3A_793, %get3A_794, %get3A_795] : memref<1x21x128x512xf32, #tpu.memory_space<vmem>>, vector<1x1x128x128xf32>
    %get3A_797 = vector.shape_cast %get3A_796 : vector<1x1x128x128xf32> to vector<128x128xf32>
    %exp3A_798 = math.exp %get3A_797 : vector<128x128xf32>
    %add3A_799 = arith.addf %add3A_787, %exp3A_798 : vector<128x128xf32>
    %eq3A_800 = arith.constant 5 : i32
    %eq3A_801 = vector.broadcast %eq3A_800 : i32 to vector<128x128xi32>
    %eq3A_802 = arith.cmpi eq, %get3A_727, %eq3A_801 : vector<128x128xi32>
    %select_n3A_803 = arith.select %eq3A_802, %get3A_797, %select_n3A_791 : vector<128x128xi1>, vector<128x128xf32>
    %get3A_804 = arith.constant 0 : index
    %get3A_805 = arith.constant 6 : index
    %get3A_806 = arith.constant 0 : index
    %get3A_807 = arith.constant 256 : index
    %get3A_808 = vector.load %arg2[%get3A_804, %get3A_805, %get3A_806, %get3A_807] : memref<1x21x128x512xf32, #tpu.memory_space<vmem>>, vector<1x1x128x128xf32>
    %get3A_809 = vector.shape_cast %get3A_808 : vector<1x1x128x128xf32> to vector<128x128xf32>
    %exp3A_810 = math.exp %get3A_809 : vector<128x128xf32>
    %add3A_811 = arith.addf %add3A_799, %exp3A_810 : vector<128x128xf32>
    %eq3A_812 = arith.constant 6 : i32
    %eq3A_813 = vector.broadcast %eq3A_812 : i32 to vector<128x128xi32>
    %eq3A_814 = arith.cmpi eq, %get3A_727, %eq3A_813 : vector<128x128xi32>
    %select_n3A_815 = arith.select %eq3A_814, %get3A_809, %select_n3A_803 : vector<128x128xi1>, vector<128x128xf32>
    %get3A_816 = arith.constant 0 : index
    %get3A_817 = arith.constant 7 : index
    %get3A_818 = arith.constant 0 : index
    %get3A_819 = arith.constant 256 : index
    %get3A_820 = vector.load %arg2[%get3A_816, %get3A_817, %get3A_818, %get3A_819] : memref<1x21x128x512xf32, #tpu.memory_space<vmem>>, vector<1x1x128x128xf32>
    %get3A_821 = vector.shape_cast %get3A_820 : vector<1x1x128x128xf32> to vector<128x128xf32>
    %exp3A_822 = math.exp %get3A_821 : vector<128x128xf32>
    %add3A_823 = arith.addf %add3A_811, %exp3A_822 : vector<128x128xf32>
    %eq3A_824 = arith.constant 7 : i32
    %eq3A_825 = vector.broadcast %eq3A_824 : i32 to vector<128x128xi32>
    %eq3A_826 = arith.cmpi eq, %get3A_727, %eq3A_825 : vector<128x128xi32>
    %select_n3A_827 = arith.select %eq3A_826, %get3A_821, %select_n3A_815 : vector<128x128xi1>, vector<128x128xf32>
    %get3A_828 = arith.constant 0 : index
    %get3A_829 = arith.constant 8 : index
    %get3A_830 = arith.constant 0 : index
    %get3A_831 = arith.constant 256 : index
    %get3A_832 = vector.load %arg2[%get3A_828, %get3A_829, %get3A_830, %get3A_831] : memref<1x21x128x512xf32, #tpu.memory_space<vmem>>, vector<1x1x128x128xf32>
    %get3A_833 = vector.shape_cast %get3A_832 : vector<1x1x128x128xf32> to vector<128x128xf32>
    %exp3A_834 = math.exp %get3A_833 : vector<128x128xf32>
    %add3A_835 = arith.addf %add3A_823, %exp3A_834 : vector<128x128xf32>
    %eq3A_836 = arith.constant 8 : i32
    %eq3A_837 = vector.broadcast %eq3A_836 : i32 to vector<128x128xi32>
    %eq3A_838 = arith.cmpi eq, %get3A_727, %eq3A_837 : vector<128x128xi32>
    %select_n3A_839 = arith.select %eq3A_838, %get3A_833, %select_n3A_827 : vector<128x128xi1>, vector<128x128xf32>
    %get3A_840 = arith.constant 0 : index
    %get3A_841 = arith.constant 9 : index
    %get3A_842 = arith.constant 0 : index
    %get3A_843 = arith.constant 256 : index
    %get3A_844 = vector.load %arg2[%get3A_840, %get3A_841, %get3A_842, %get3A_843] : memref<1x21x128x512xf32, #tpu.memory_space<vmem>>, vector<1x1x128x128xf32>
    %get3A_845 = vector.shape_cast %get3A_844 : vector<1x1x128x128xf32> to vector<128x128xf32>
    %exp3A_846 = math.exp %get3A_845 : vector<128x128xf32>
    %add3A_847 = arith.addf %add3A_835, %exp3A_846 : vector<128x128xf32>
    %eq3A_848 = arith.constant 9 : i32
    %eq3A_849 = vector.broadcast %eq3A_848 : i32 to vector<128x128xi32>
    %eq3A_850 = arith.cmpi eq, %get3A_727, %eq3A_849 : vector<128x128xi32>
    %select_n3A_851 = arith.select %eq3A_850, %get3A_845, %select_n3A_839 : vector<128x128xi1>, vector<128x128xf32>
    %get3A_852 = arith.constant 0 : index
    %get3A_853 = arith.constant 10 : index
    %get3A_854 = arith.constant 0 : index
    %get3A_855 = arith.constant 256 : index
    %get3A_856 = vector.load %arg2[%get3A_852, %get3A_853, %get3A_854, %get3A_855] : memref<1x21x128x512xf32, #tpu.memory_space<vmem>>, vector<1x1x128x128xf32>
    %get3A_857 = vector.shape_cast %get3A_856 : vector<1x1x128x128xf32> to vector<128x128xf32>
    %exp3A_858 = math.exp %get3A_857 : vector<128x128xf32>
    %add3A_859 = arith.addf %add3A_847, %exp3A_858 : vector<128x128xf32>
    %eq3A_860 = arith.constant 10 : i32
    %eq3A_861 = vector.broadcast %eq3A_860 : i32 to vector<128x128xi32>
    %eq3A_862 = arith.cmpi eq, %get3A_727, %eq3A_861 : vector<128x128xi32>
    %select_n3A_863 = arith.select %eq3A_862, %get3A_857, %select_n3A_851 : vector<128x128xi1>, vector<128x128xf32>
    %get3A_864 = arith.constant 0 : index
    %get3A_865 = arith.constant 11 : index
    %get3A_866 = arith.constant 0 : index
    %get3A_867 = arith.constant 256 : index
    %get3A_868 = vector.load %arg2[%get3A_864, %get3A_865, %get3A_866, %get3A_867] : memref<1x21x128x512xf32, #tpu.memory_space<vmem>>, vector<1x1x128x128xf32>
    %get3A_869 = vector.shape_cast %get3A_868 : vector<1x1x128x128xf32> to vector<128x128xf32>
    %exp3A_870 = math.exp %get3A_869 : vector<128x128xf32>
    %add3A_871 = arith.addf %add3A_859, %exp3A_870 : vector<128x128xf32>
    %eq3A_872 = arith.constant 11 : i32
    %eq3A_873 = vector.broadcast %eq3A_872 : i32 to vector<128x128xi32>
    %eq3A_874 = arith.cmpi eq, %get3A_727, %eq3A_873 : vector<128x128xi32>
    %select_n3A_875 = arith.select %eq3A_874, %get3A_869, %select_n3A_863 : vector<128x128xi1>, vector<128x128xf32>
    %get3A_876 = arith.constant 0 : index
    %get3A_877 = arith.constant 12 : index
    %get3A_878 = arith.constant 0 : index
    %get3A_879 = arith.constant 256 : index
    %get3A_880 = vector.load %arg2[%get3A_876, %get3A_877, %get3A_878, %get3A_879] : memref<1x21x128x512xf32, #tpu.memory_space<vmem>>, vector<1x1x128x128xf32>
    %get3A_881 = vector.shape_cast %get3A_880 : vector<1x1x128x128xf32> to vector<128x128xf32>
    %exp3A_882 = math.exp %get3A_881 : vector<128x128xf32>
    %add3A_883 = arith.addf %add3A_871, %exp3A_882 : vector<128x128xf32>
    %eq3A_884 = arith.constant 12 : i32
    %eq3A_885 = vector.broadcast %eq3A_884 : i32 to vector<128x128xi32>
    %eq3A_886 = arith.cmpi eq, %get3A_727, %eq3A_885 : vector<128x128xi32>
    %select_n3A_887 = arith.select %eq3A_886, %get3A_881, %select_n3A_875 : vector<128x128xi1>, vector<128x128xf32>
    %get3A_888 = arith.constant 0 : index
    %get3A_889 = arith.constant 13 : index
    %get3A_890 = arith.constant 0 : index
    %get3A_891 = arith.constant 256 : index
    %get3A_892 = vector.load %arg2[%get3A_888, %get3A_889, %get3A_890, %get3A_891] : memref<1x21x128x512xf32, #tpu.memory_space<vmem>>, vector<1x1x128x128xf32>
    %get3A_893 = vector.shape_cast %get3A_892 : vector<1x1x128x128xf32> to vector<128x128xf32>
    %exp3A_894 = math.exp %get3A_893 : vector<128x128xf32>
    %add3A_895 = arith.addf %add3A_883, %exp3A_894 : vector<128x128xf32>
    %eq3A_896 = arith.constant 13 : i32
    %eq3A_897 = vector.broadcast %eq3A_896 : i32 to vector<128x128xi32>
    %eq3A_898 = arith.cmpi eq, %get3A_727, %eq3A_897 : vector<128x128xi32>
    %select_n3A_899 = arith.select %eq3A_898, %get3A_893, %select_n3A_887 : vector<128x128xi1>, vector<128x128xf32>
    %get3A_900 = arith.constant 0 : index
    %get3A_901 = arith.constant 14 : index
    %get3A_902 = arith.constant 0 : index
    %get3A_903 = arith.constant 256 : index
    %get3A_904 = vector.load %arg2[%get3A_900, %get3A_901, %get3A_902, %get3A_903] : memref<1x21x128x512xf32, #tpu.memory_space<vmem>>, vector<1x1x128x128xf32>
    %get3A_905 = vector.shape_cast %get3A_904 : vector<1x1x128x128xf32> to vector<128x128xf32>
    %exp3A_906 = math.exp %get3A_905 : vector<128x128xf32>
    %add3A_907 = arith.addf %add3A_895, %exp3A_906 : vector<128x128xf32>
    %eq3A_908 = arith.constant 14 : i32
    %eq3A_909 = vector.broadcast %eq3A_908 : i32 to vector<128x128xi32>
    %eq3A_910 = arith.cmpi eq, %get3A_727, %eq3A_909 : vector<128x128xi32>
    %select_n3A_911 = arith.select %eq3A_910, %get3A_905, %select_n3A_899 : vector<128x128xi1>, vector<128x128xf32>
    %get3A_912 = arith.constant 0 : index
    %get3A_913 = arith.constant 15 : index
    %get3A_914 = arith.constant 0 : index
    %get3A_915 = arith.constant 256 : index
    %get3A_916 = vector.load %arg2[%get3A_912, %get3A_913, %get3A_914, %get3A_915] : memref<1x21x128x512xf32, #tpu.memory_space<vmem>>, vector<1x1x128x128xf32>
    %get3A_917 = vector.shape_cast %get3A_916 : vector<1x1x128x128xf32> to vector<128x128xf32>
    %exp3A_918 = math.exp %get3A_917 : vector<128x128xf32>
    %add3A_919 = arith.addf %add3A_907, %exp3A_918 : vector<128x128xf32>
    %eq3A_920 = arith.constant 15 : i32
    %eq3A_921 = vector.broadcast %eq3A_920 : i32 to vector<128x128xi32>
    %eq3A_922 = arith.cmpi eq, %get3A_727, %eq3A_921 : vector<128x128xi32>
    %select_n3A_923 = arith.select %eq3A_922, %get3A_917, %select_n3A_911 : vector<128x128xi1>, vector<128x128xf32>
    %get3A_924 = arith.constant 0 : index
    %get3A_925 = arith.constant 16 : index
    %get3A_926 = arith.constant 0 : index
    %get3A_927 = arith.constant 256 : index
    %get3A_928 = vector.load %arg2[%get3A_924, %get3A_925, %get3A_926, %get3A_927] : memref<1x21x128x512xf32, #tpu.memory_space<vmem>>, vector<1x1x128x128xf32>
    %get3A_929 = vector.shape_cast %get3A_928 : vector<1x1x128x128xf32> to vector<128x128xf32>
    %exp3A_930 = math.exp %get3A_929 : vector<128x128xf32>
    %add3A_931 = arith.addf %add3A_919, %exp3A_930 : vector<128x128xf32>
    %eq3A_932 = arith.constant 16 : i32
    %eq3A_933 = vector.broadcast %eq3A_932 : i32 to vector<128x128xi32>
    %eq3A_934 = arith.cmpi eq, %get3A_727, %eq3A_933 : vector<128x128xi32>
    %select_n3A_935 = arith.select %eq3A_934, %get3A_929, %select_n3A_923 : vector<128x128xi1>, vector<128x128xf32>
    %get3A_936 = arith.constant 0 : index
    %get3A_937 = arith.constant 17 : index
    %get3A_938 = arith.constant 0 : index
    %get3A_939 = arith.constant 256 : index
    %get3A_940 = vector.load %arg2[%get3A_936, %get3A_937, %get3A_938, %get3A_939] : memref<1x21x128x512xf32, #tpu.memory_space<vmem>>, vector<1x1x128x128xf32>
    %get3A_941 = vector.shape_cast %get3A_940 : vector<1x1x128x128xf32> to vector<128x128xf32>
    %exp3A_942 = math.exp %get3A_941 : vector<128x128xf32>
    %add3A_943 = arith.addf %add3A_931, %exp3A_942 : vector<128x128xf32>
    %eq3A_944 = arith.constant 17 : i32
    %eq3A_945 = vector.broadcast %eq3A_944 : i32 to vector<128x128xi32>
    %eq3A_946 = arith.cmpi eq, %get3A_727, %eq3A_945 : vector<128x128xi32>
    %select_n3A_947 = arith.select %eq3A_946, %get3A_941, %select_n3A_935 : vector<128x128xi1>, vector<128x128xf32>
    %get3A_948 = arith.constant 0 : index
    %get3A_949 = arith.constant 18 : index
    %get3A_950 = arith.constant 0 : index
    %get3A_951 = arith.constant 256 : index
    %get3A_952 = vector.load %arg2[%get3A_948, %get3A_949, %get3A_950, %get3A_951] : memref<1x21x128x512xf32, #tpu.memory_space<vmem>>, vector<1x1x128x128xf32>
    %get3A_953 = vector.shape_cast %get3A_952 : vector<1x1x128x128xf32> to vector<128x128xf32>
    %exp3A_954 = math.exp %get3A_953 : vector<128x128xf32>
    %add3A_955 = arith.addf %add3A_943, %exp3A_954 : vector<128x128xf32>
    %eq3A_956 = arith.constant 18 : i32
    %eq3A_957 = vector.broadcast %eq3A_956 : i32 to vector<128x128xi32>
    %eq3A_958 = arith.cmpi eq, %get3A_727, %eq3A_957 : vector<128x128xi32>
    %select_n3A_959 = arith.select %eq3A_958, %get3A_953, %select_n3A_947 : vector<128x128xi1>, vector<128x128xf32>
    %get3A_960 = arith.constant 0 : index
    %get3A_961 = arith.constant 19 : index
    %get3A_962 = arith.constant 0 : index
    %get3A_963 = arith.constant 256 : index
    %get3A_964 = vector.load %arg2[%get3A_960, %get3A_961, %get3A_962, %get3A_963] : memref<1x21x128x512xf32, #tpu.memory_space<vmem>>, vector<1x1x128x128xf32>
    %get3A_965 = vector.shape_cast %get3A_964 : vector<1x1x128x128xf32> to vector<128x128xf32>
    %exp3A_966 = math.exp %get3A_965 : vector<128x128xf32>
    %add3A_967 = arith.addf %add3A_955, %exp3A_966 : vector<128x128xf32>
    %eq3A_968 = arith.constant 19 : i32
    %eq3A_969 = vector.broadcast %eq3A_968 : i32 to vector<128x128xi32>
    %eq3A_970 = arith.cmpi eq, %get3A_727, %eq3A_969 : vector<128x128xi32>
    %select_n3A_971 = arith.select %eq3A_970, %get3A_965, %select_n3A_959 : vector<128x128xi1>, vector<128x128xf32>
    %get3A_972 = arith.constant 0 : index
    %get3A_973 = arith.constant 20 : index
    %get3A_974 = arith.constant 0 : index
    %get3A_975 = arith.constant 256 : index
    %get3A_976 = vector.load %arg2[%get3A_972, %get3A_973, %get3A_974, %get3A_975] : memref<1x21x128x512xf32, #tpu.memory_space<vmem>>, vector<1x1x128x128xf32>
    %get3A_977 = vector.shape_cast %get3A_976 : vector<1x1x128x128xf32> to vector<128x128xf32>
    %exp3A_978 = math.exp %get3A_977 : vector<128x128xf32>
    %add3A_979 = arith.addf %add3A_967, %exp3A_978 : vector<128x128xf32>
    %eq3A_980 = arith.constant 20 : i32
    %eq3A_981 = vector.broadcast %eq3A_980 : i32 to vector<128x128xi32>
    %eq3A_982 = arith.cmpi eq, %get3A_727, %eq3A_981 : vector<128x128xi32>
    %select_n3A_983 = arith.select %eq3A_982, %get3A_977, %select_n3A_971 : vector<128x128xi1>, vector<128x128xf32>
    %log3A_984 = math.log %add3A_979 : vector<128x128xf32>
    %sub3A_985 = arith.subf %log3A_984, %select_n3A_983 : vector<128x128xf32>
    %sub3A_986 = arith.constant 1.000000e+00 : f32
    %sub3A_987 = vector.broadcast %sub3A_986 : f32 to vector<128x128xf32>
    %sub3A_988 = arith.subf %select_n3A_983, %sub3A_987 : vector<128x128xf32>
    %abs3A_989 = math.absf %sub3A_988 : vector<128x128xf32>
    %broadcast_in_dim3A_990 = arith.constant 0 : i32
    %broadcast_in_dim3A_991 = vector.broadcast %broadcast_in_dim3A_990 : i32 to vector<128x128xi32>
    %gt3A_992 = arith.constant 1.000000e-01 : f32
    %gt3A_993 = vector.broadcast %gt3A_992 : f32 to vector<128x128xf32>
    %gt3A_994 = arith.cmpf ogt, %abs3A_989, %gt3A_993 : vector<128x128xf32>
    %jit3A_995 = arith.constant 1 : i32
    %jit3A_996 = arith.constant 0 : i32
    %broadcast_in_dim3A_997 = vector.broadcast %jit3A_995 : i32 to vector<128x128xi32>
    %broadcast_in_dim3A_998 = vector.broadcast %jit3A_996 : i32 to vector<128x128xi32>
    %select_n3A_999 = arith.select %gt3A_994, %broadcast_in_dim3A_997, %broadcast_in_dim3A_998 : vector<128x128xi1>, vector<128x128xi32>
    %add3A_1000 = arith.addi %broadcast_in_dim3A_991, %select_n3A_999 : vector<128x128xi32>
    %gt3A_1001 = arith.constant 2.000000e-01 : f32
    %gt3A_1002 = vector.broadcast %gt3A_1001 : f32 to vector<128x128xf32>
    %gt3A_1003 = arith.cmpf ogt, %abs3A_989, %gt3A_1002 : vector<128x128xf32>
    %jit3A_1004 = arith.constant 1 : i32
    %jit3A_1005 = arith.constant 0 : i32
    %broadcast_in_dim3A_1006 = vector.broadcast %jit3A_1004 : i32 to vector<128x128xi32>
    %broadcast_in_dim3A_1007 = vector.broadcast %jit3A_1005 : i32 to vector<128x128xi32>
    %select_n3A_1008 = arith.select %gt3A_1003, %broadcast_in_dim3A_1006, %broadcast_in_dim3A_1007 : vector<128x128xi1>, vector<128x128xi32>
    %add3A_1009 = arith.addi %add3A_1000, %select_n3A_1008 : vector<128x128xi32>
    %gt3A_1010 = arith.constant 3.000000e-01 : f32
    %gt3A_1011 = vector.broadcast %gt3A_1010 : f32 to vector<128x128xf32>
    %gt3A_1012 = arith.cmpf ogt, %abs3A_989, %gt3A_1011 : vector<128x128xf32>
    %jit3A_1013 = arith.constant 1 : i32
    %jit3A_1014 = arith.constant 0 : i32
    %broadcast_in_dim3A_1015 = vector.broadcast %jit3A_1013 : i32 to vector<128x128xi32>
    %broadcast_in_dim3A_1016 = vector.broadcast %jit3A_1014 : i32 to vector<128x128xi32>
    %select_n3A_1017 = arith.select %gt3A_1012, %broadcast_in_dim3A_1015, %broadcast_in_dim3A_1016 : vector<128x128xi1>, vector<128x128xi32>
    %add3A_1018 = arith.addi %add3A_1009, %select_n3A_1017 : vector<128x128xi32>
    %gt3A_1019 = arith.constant 4.000000e-01 : f32
    %gt3A_1020 = vector.broadcast %gt3A_1019 : f32 to vector<128x128xf32>
    %gt3A_1021 = arith.cmpf ogt, %abs3A_989, %gt3A_1020 : vector<128x128xf32>
    %jit3A_1022 = arith.constant 1 : i32
    %jit3A_1023 = arith.constant 0 : i32
    %broadcast_in_dim3A_1024 = vector.broadcast %jit3A_1022 : i32 to vector<128x128xi32>
    %broadcast_in_dim3A_1025 = vector.broadcast %jit3A_1023 : i32 to vector<128x128xi32>
    %select_n3A_1026 = arith.select %gt3A_1021, %broadcast_in_dim3A_1024, %broadcast_in_dim3A_1025 : vector<128x128xi1>, vector<128x128xi32>
    %add3A_1027 = arith.addi %add3A_1018, %select_n3A_1026 : vector<128x128xi32>
    %gt3A_1028 = arith.constant 5.000000e-01 : f32
    %gt3A_1029 = vector.broadcast %gt3A_1028 : f32 to vector<128x128xf32>
    %gt3A_1030 = arith.cmpf ogt, %abs3A_989, %gt3A_1029 : vector<128x128xf32>
    %jit3A_1031 = arith.constant 1 : i32
    %jit3A_1032 = arith.constant 0 : i32
    %broadcast_in_dim3A_1033 = vector.broadcast %jit3A_1031 : i32 to vector<128x128xi32>
    %broadcast_in_dim3A_1034 = vector.broadcast %jit3A_1032 : i32 to vector<128x128xi32>
    %select_n3A_1035 = arith.select %gt3A_1030, %broadcast_in_dim3A_1033, %broadcast_in_dim3A_1034 : vector<128x128xi1>, vector<128x128xi32>
    %add3A_1036 = arith.addi %add3A_1027, %select_n3A_1035 : vector<128x128xi32>
    %gt3A_1037 = arith.constant 6.000000e-01 : f32
    %gt3A_1038 = vector.broadcast %gt3A_1037 : f32 to vector<128x128xf32>
    %gt3A_1039 = arith.cmpf ogt, %abs3A_989, %gt3A_1038 : vector<128x128xf32>
    %jit3A_1040 = arith.constant 1 : i32
    %jit3A_1041 = arith.constant 0 : i32
    %broadcast_in_dim3A_1042 = vector.broadcast %jit3A_1040 : i32 to vector<128x128xi32>
    %broadcast_in_dim3A_1043 = vector.broadcast %jit3A_1041 : i32 to vector<128x128xi32>
    %select_n3A_1044 = arith.select %gt3A_1039, %broadcast_in_dim3A_1042, %broadcast_in_dim3A_1043 : vector<128x128xi1>, vector<128x128xi32>
    %add3A_1045 = arith.addi %add3A_1036, %select_n3A_1044 : vector<128x128xi32>
    %gt3A_1046 = arith.constant 0.699999988 : f32
    %gt3A_1047 = vector.broadcast %gt3A_1046 : f32 to vector<128x128xf32>
    %gt3A_1048 = arith.cmpf ogt, %abs3A_989, %gt3A_1047 : vector<128x128xf32>
    %jit3A_1049 = arith.constant 1 : i32
    %jit3A_1050 = arith.constant 0 : i32
    %broadcast_in_dim3A_1051 = vector.broadcast %jit3A_1049 : i32 to vector<128x128xi32>
    %broadcast_in_dim3A_1052 = vector.broadcast %jit3A_1050 : i32 to vector<128x128xi32>
    %select_n3A_1053 = arith.select %gt3A_1048, %broadcast_in_dim3A_1051, %broadcast_in_dim3A_1052 : vector<128x128xi1>, vector<128x128xi32>
    %add3A_1054 = arith.addi %add3A_1045, %select_n3A_1053 : vector<128x128xi32>
    %gt3A_1055 = arith.constant 8.000000e-01 : f32
    %gt3A_1056 = vector.broadcast %gt3A_1055 : f32 to vector<128x128xf32>
    %gt3A_1057 = arith.cmpf ogt, %abs3A_989, %gt3A_1056 : vector<128x128xf32>
    %jit3A_1058 = arith.constant 1 : i32
    %jit3A_1059 = arith.constant 0 : i32
    %broadcast_in_dim3A_1060 = vector.broadcast %jit3A_1058 : i32 to vector<128x128xi32>
    %broadcast_in_dim3A_1061 = vector.broadcast %jit3A_1059 : i32 to vector<128x128xi32>
    %select_n3A_1062 = arith.select %gt3A_1057, %broadcast_in_dim3A_1060, %broadcast_in_dim3A_1061 : vector<128x128xi1>, vector<128x128xi32>
    %add3A_1063 = arith.addi %add3A_1054, %select_n3A_1062 : vector<128x128xi32>
    %gt3A_1064 = arith.constant 0.899999976 : f32
    %gt3A_1065 = vector.broadcast %gt3A_1064 : f32 to vector<128x128xf32>
    %gt3A_1066 = arith.cmpf ogt, %abs3A_989, %gt3A_1065 : vector<128x128xf32>
    %jit3A_1067 = arith.constant 1 : i32
    %jit3A_1068 = arith.constant 0 : i32
    %broadcast_in_dim3A_1069 = vector.broadcast %jit3A_1067 : i32 to vector<128x128xi32>
    %broadcast_in_dim3A_1070 = vector.broadcast %jit3A_1068 : i32 to vector<128x128xi32>
    %select_n3A_1071 = arith.select %gt3A_1066, %broadcast_in_dim3A_1069, %broadcast_in_dim3A_1070 : vector<128x128xi1>, vector<128x128xi32>
    %add3A_1072 = arith.addi %add3A_1063, %select_n3A_1071 : vector<128x128xi32>
    %bitcast_convert_type3A_1073 = tpu.bitcast %sub3A_985 : vector<128x128xf32> -> vector<128x128xi32>
    %add3A_1074 = arith.constant 32768 : i32
    %add3A_1075 = vector.broadcast %add3A_1074 : i32 to vector<128x128xi32>
    %add3A_1076 = arith.addi %bitcast_convert_type3A_1073, %add3A_1075 : vector<128x128xi32>
    %and3A_1077 = arith.constant -65536 : i32
    %and3A_1078 = vector.broadcast %and3A_1077 : i32 to vector<128x128xi32>
    %and3A_1079 = arith.andi %add3A_1076, %and3A_1078 : vector<128x128xi32>
    %shift_left3A_1080 = arith.constant 4 : i32
    %shift_left3A_1081 = vector.broadcast %shift_left3A_1080 : i32 to vector<128x128xi32>
    %shift_left3A_1082 = arith.shli %add3A_1072, %shift_left3A_1081 : vector<128x128xi32>
    %add3A_1083 = arith.addi %shift_left3A_1082, %and3A_1 : vector<128x128xi32>
    %or3A_1084 = arith.ori %and3A_1079, %add3A_1083 : vector<128x128xi32>
    %swap3A_1085 = arith.constant 0 : index
    %swap3A_1086 = arith.constant 0 : index
    %swap3A_1087 = arith.constant 256 : index
    %swap3A_1088 = vector.load %arg4[%swap3A_1085, %swap3A_1086, %swap3A_1087] : memref<1x128x512xi32, #tpu.memory_space<vmem>>, vector<1x128x128xi32>
    %swap3A_1089 = vector.shape_cast %swap3A_1088 : vector<1x128x128xi32> to vector<128x128xi32>
    %swap3A_1090 = vector.shape_cast %or3A_1084 : vector<128x128xi32> to vector<1x128x128xi32>
    tpu.vector_store %arg4[%swap3A_1085, %swap3A_1086, %swap3A_1087], %swap3A_1090 {strides = array<i32>} : memref<1x128x512xi32, #tpu.memory_space<vmem>>, vector<1x128x128xi32>,
    %get3A_1091 = arith.constant 0 : index
    %get3A_1092 = arith.constant 0 : index
    %get3A_1093 = arith.constant 384 : index
    %get3A_1094 = vector.load %arg3[%get3A_1091, %get3A_1092, %get3A_1093] : memref<1x128x512xi32, #tpu.memory_space<vmem>>, vector<1x128x128xi32>
    %get3A_1095 = vector.shape_cast %get3A_1094 : vector<1x128x128xi32> to vector<128x128xi32>
    %broadcast_in_dim3A_1096 = arith.constant 0.000000e+00 : f32
    %broadcast_in_dim3A_1097 = vector.broadcast %broadcast_in_dim3A_1096 : f32 to vector<128x128xf32>
    %broadcast_in_dim3A_1098 = arith.constant 0.000000e+00 : f32
    %broadcast_in_dim3A_1099 = vector.broadcast %broadcast_in_dim3A_1098 : f32 to vector<128x128xf32>
    %get3A_1100 = arith.constant 0 : index
    %get3A_1101 = arith.constant 0 : index
    %get3A_1102 = arith.constant 0 : index
    %get3A_1103 = arith.constant 384 : index
    %get3A_1104 = vector.load %arg2[%get3A_1100, %get3A_1101, %get3A_1102, %get3A_1103] : memref<1x21x128x512xf32, #tpu.memory_space<vmem>>, vector<1x1x128x128xf32>
    %get3A_1105 = vector.shape_cast %get3A_1104 : vector<1x1x128x128xf32> to vector<128x128xf32>
    %exp3A_1106 = math.exp %get3A_1105 : vector<128x128xf32>
    %add3A_1107 = arith.addf %broadcast_in_dim3A_1097, %exp3A_1106 : vector<128x128xf32>
    %eq3A_1108 = arith.constant 0 : i32
    %eq3A_1109 = vector.broadcast %eq3A_1108 : i32 to vector<128x128xi32>
    %eq3A_1110 = arith.cmpi eq, %get3A_1095, %eq3A_1109 : vector<128x128xi32>
    %select_n3A_1111 = arith.select %eq3A_1110, %get3A_1105, %broadcast_in_dim3A_1099 : vector<128x128xi1>, vector<128x128xf32>
    %get3A_1112 = arith.constant 0 : index
    %get3A_1113 = arith.constant 1 : index
    %get3A_1114 = arith.constant 0 : index
    %get3A_1115 = arith.constant 384 : index
    %get3A_1116 = vector.load %arg2[%get3A_1112, %get3A_1113, %get3A_1114, %get3A_1115] : memref<1x21x128x512xf32, #tpu.memory_space<vmem>>, vector<1x1x128x128xf32>
    %get3A_1117 = vector.shape_cast %get3A_1116 : vector<1x1x128x128xf32> to vector<128x128xf32>
    %exp3A_1118 = math.exp %get3A_1117 : vector<128x128xf32>
    %add3A_1119 = arith.addf %add3A_1107, %exp3A_1118 : vector<128x128xf32>
    %eq3A_1120 = arith.constant 1 : i32
    %eq3A_1121 = vector.broadcast %eq3A_1120 : i32 to vector<128x128xi32>
    %eq3A_1122 = arith.cmpi eq, %get3A_1095, %eq3A_1121 : vector<128x128xi32>
    %select_n3A_1123 = arith.select %eq3A_1122, %get3A_1117, %select_n3A_1111 : vector<128x128xi1>, vector<128x128xf32>
    %get3A_1124 = arith.constant 0 : index
    %get3A_1125 = arith.constant 2 : index
    %get3A_1126 = arith.constant 0 : index
    %get3A_1127 = arith.constant 384 : index
    %get3A_1128 = vector.load %arg2[%get3A_1124, %get3A_1125, %get3A_1126, %get3A_1127] : memref<1x21x128x512xf32, #tpu.memory_space<vmem>>, vector<1x1x128x128xf32>
    %get3A_1129 = vector.shape_cast %get3A_1128 : vector<1x1x128x128xf32> to vector<128x128xf32>
    %exp3A_1130 = math.exp %get3A_1129 : vector<128x128xf32>
    %add3A_1131 = arith.addf %add3A_1119, %exp3A_1130 : vector<128x128xf32>
    %eq3A_1132 = arith.constant 2 : i32
    %eq3A_1133 = vector.broadcast %eq3A_1132 : i32 to vector<128x128xi32>
    %eq3A_1134 = arith.cmpi eq, %get3A_1095, %eq3A_1133 : vector<128x128xi32>
    %select_n3A_1135 = arith.select %eq3A_1134, %get3A_1129, %select_n3A_1123 : vector<128x128xi1>, vector<128x128xf32>
    %get3A_1136 = arith.constant 0 : index
    %get3A_1137 = arith.constant 3 : index
    %get3A_1138 = arith.constant 0 : index
    %get3A_1139 = arith.constant 384 : index
    %get3A_1140 = vector.load %arg2[%get3A_1136, %get3A_1137, %get3A_1138, %get3A_1139] : memref<1x21x128x512xf32, #tpu.memory_space<vmem>>, vector<1x1x128x128xf32>
    %get3A_1141 = vector.shape_cast %get3A_1140 : vector<1x1x128x128xf32> to vector<128x128xf32>
    %exp3A_1142 = math.exp %get3A_1141 : vector<128x128xf32>
    %add3A_1143 = arith.addf %add3A_1131, %exp3A_1142 : vector<128x128xf32>
    %eq3A_1144 = arith.constant 3 : i32
    %eq3A_1145 = vector.broadcast %eq3A_1144 : i32 to vector<128x128xi32>
    %eq3A_1146 = arith.cmpi eq, %get3A_1095, %eq3A_1145 : vector<128x128xi32>
    %select_n3A_1147 = arith.select %eq3A_1146, %get3A_1141, %select_n3A_1135 : vector<128x128xi1>, vector<128x128xf32>
    %get3A_1148 = arith.constant 0 : index
    %get3A_1149 = arith.constant 4 : index
    %get3A_1150 = arith.constant 0 : index
    %get3A_1151 = arith.constant 384 : index
    %get3A_1152 = vector.load %arg2[%get3A_1148, %get3A_1149, %get3A_1150, %get3A_1151] : memref<1x21x128x512xf32, #tpu.memory_space<vmem>>, vector<1x1x128x128xf32>
    %get3A_1153 = vector.shape_cast %get3A_1152 : vector<1x1x128x128xf32> to vector<128x128xf32>
    %exp3A_1154 = math.exp %get3A_1153 : vector<128x128xf32>
    %add3A_1155 = arith.addf %add3A_1143, %exp3A_1154 : vector<128x128xf32>
    %eq3A_1156 = arith.constant 4 : i32
    %eq3A_1157 = vector.broadcast %eq3A_1156 : i32 to vector<128x128xi32>
    %eq3A_1158 = arith.cmpi eq, %get3A_1095, %eq3A_1157 : vector<128x128xi32>
    %select_n3A_1159 = arith.select %eq3A_1158, %get3A_1153, %select_n3A_1147 : vector<128x128xi1>, vector<128x128xf32>
    %get3A_1160 = arith.constant 0 : index
    %get3A_1161 = arith.constant 5 : index
    %get3A_1162 = arith.constant 0 : index
    %get3A_1163 = arith.constant 384 : index
    %get3A_1164 = vector.load %arg2[%get3A_1160, %get3A_1161, %get3A_1162, %get3A_1163] : memref<1x21x128x512xf32, #tpu.memory_space<vmem>>, vector<1x1x128x128xf32>
    %get3A_1165 = vector.shape_cast %get3A_1164 : vector<1x1x128x128xf32> to vector<128x128xf32>
    %exp3A_1166 = math.exp %get3A_1165 : vector<128x128xf32>
    %add3A_1167 = arith.addf %add3A_1155, %exp3A_1166 : vector<128x128xf32>
    %eq3A_1168 = arith.constant 5 : i32
    %eq3A_1169 = vector.broadcast %eq3A_1168 : i32 to vector<128x128xi32>
    %eq3A_1170 = arith.cmpi eq, %get3A_1095, %eq3A_1169 : vector<128x128xi32>
    %select_n3A_1171 = arith.select %eq3A_1170, %get3A_1165, %select_n3A_1159 : vector<128x128xi1>, vector<128x128xf32>
    %get3A_1172 = arith.constant 0 : index
    %get3A_1173 = arith.constant 6 : index
    %get3A_1174 = arith.constant 0 : index
    %get3A_1175 = arith.constant 384 : index
    %get3A_1176 = vector.load %arg2[%get3A_1172, %get3A_1173, %get3A_1174, %get3A_1175] : memref<1x21x128x512xf32, #tpu.memory_space<vmem>>, vector<1x1x128x128xf32>
    %get3A_1177 = vector.shape_cast %get3A_1176 : vector<1x1x128x128xf32> to vector<128x128xf32>
    %exp3A_1178 = math.exp %get3A_1177 : vector<128x128xf32>
    %add3A_1179 = arith.addf %add3A_1167, %exp3A_1178 : vector<128x128xf32>
    %eq3A_1180 = arith.constant 6 : i32
    %eq3A_1181 = vector.broadcast %eq3A_1180 : i32 to vector<128x128xi32>
    %eq3A_1182 = arith.cmpi eq, %get3A_1095, %eq3A_1181 : vector<128x128xi32>
    %select_n3A_1183 = arith.select %eq3A_1182, %get3A_1177, %select_n3A_1171 : vector<128x128xi1>, vector<128x128xf32>
    %get3A_1184 = arith.constant 0 : index
    %get3A_1185 = arith.constant 7 : index
    %get3A_1186 = arith.constant 0 : index
    %get3A_1187 = arith.constant 384 : index
    %get3A_1188 = vector.load %arg2[%get3A_1184, %get3A_1185, %get3A_1186, %get3A_1187] : memref<1x21x128x512xf32, #tpu.memory_space<vmem>>, vector<1x1x128x128xf32>
    %get3A_1189 = vector.shape_cast %get3A_1188 : vector<1x1x128x128xf32> to vector<128x128xf32>
    %exp3A_1190 = math.exp %get3A_1189 : vector<128x128xf32>
    %add3A_1191 = arith.addf %add3A_1179, %exp3A_1190 : vector<128x128xf32>
    %eq3A_1192 = arith.constant 7 : i32
    %eq3A_1193 = vector.broadcast %eq3A_1192 : i32 to vector<128x128xi32>
    %eq3A_1194 = arith.cmpi eq, %get3A_1095, %eq3A_1193 : vector<128x128xi32>
    %select_n3A_1195 = arith.select %eq3A_1194, %get3A_1189, %select_n3A_1183 : vector<128x128xi1>, vector<128x128xf32>
    %get3A_1196 = arith.constant 0 : index
    %get3A_1197 = arith.constant 8 : index
    %get3A_1198 = arith.constant 0 : index
    %get3A_1199 = arith.constant 384 : index
    %get3A_1200 = vector.load %arg2[%get3A_1196, %get3A_1197, %get3A_1198, %get3A_1199] : memref<1x21x128x512xf32, #tpu.memory_space<vmem>>, vector<1x1x128x128xf32>
    %get3A_1201 = vector.shape_cast %get3A_1200 : vector<1x1x128x128xf32> to vector<128x128xf32>
    %exp3A_1202 = math.exp %get3A_1201 : vector<128x128xf32>
    %add3A_1203 = arith.addf %add3A_1191, %exp3A_1202 : vector<128x128xf32>
    %eq3A_1204 = arith.constant 8 : i32
    %eq3A_1205 = vector.broadcast %eq3A_1204 : i32 to vector<128x128xi32>
    %eq3A_1206 = arith.cmpi eq, %get3A_1095, %eq3A_1205 : vector<128x128xi32>
    %select_n3A_1207 = arith.select %eq3A_1206, %get3A_1201, %select_n3A_1195 : vector<128x128xi1>, vector<128x128xf32>
    %get3A_1208 = arith.constant 0 : index
    %get3A_1209 = arith.constant 9 : index
    %get3A_1210 = arith.constant 0 : index
    %get3A_1211 = arith.constant 384 : index
    %get3A_1212 = vector.load %arg2[%get3A_1208, %get3A_1209, %get3A_1210, %get3A_1211] : memref<1x21x128x512xf32, #tpu.memory_space<vmem>>, vector<1x1x128x128xf32>
    %get3A_1213 = vector.shape_cast %get3A_1212 : vector<1x1x128x128xf32> to vector<128x128xf32>
    %exp3A_1214 = math.exp %get3A_1213 : vector<128x128xf32>
    %add3A_1215 = arith.addf %add3A_1203, %exp3A_1214 : vector<128x128xf32>
    %eq3A_1216 = arith.constant 9 : i32
    %eq3A_1217 = vector.broadcast %eq3A_1216 : i32 to vector<128x128xi32>
    %eq3A_1218 = arith.cmpi eq, %get3A_1095, %eq3A_1217 : vector<128x128xi32>
    %select_n3A_1219 = arith.select %eq3A_1218, %get3A_1213, %select_n3A_1207 : vector<128x128xi1>, vector<128x128xf32>
    %get3A_1220 = arith.constant 0 : index
    %get3A_1221 = arith.constant 10 : index
    %get3A_1222 = arith.constant 0 : index
    %get3A_1223 = arith.constant 384 : index
    %get3A_1224 = vector.load %arg2[%get3A_1220, %get3A_1221, %get3A_1222, %get3A_1223] : memref<1x21x128x512xf32, #tpu.memory_space<vmem>>, vector<1x1x128x128xf32>
    %get3A_1225 = vector.shape_cast %get3A_1224 : vector<1x1x128x128xf32> to vector<128x128xf32>
    %exp3A_1226 = math.exp %get3A_1225 : vector<128x128xf32>
    %add3A_1227 = arith.addf %add3A_1215, %exp3A_1226 : vector<128x128xf32>
    %eq3A_1228 = arith.constant 10 : i32
    %eq3A_1229 = vector.broadcast %eq3A_1228 : i32 to vector<128x128xi32>
    %eq3A_1230 = arith.cmpi eq, %get3A_1095, %eq3A_1229 : vector<128x128xi32>
    %select_n3A_1231 = arith.select %eq3A_1230, %get3A_1225, %select_n3A_1219 : vector<128x128xi1>, vector<128x128xf32>
    %get3A_1232 = arith.constant 0 : index
    %get3A_1233 = arith.constant 11 : index
    %get3A_1234 = arith.constant 0 : index
    %get3A_1235 = arith.constant 384 : index
    %get3A_1236 = vector.load %arg2[%get3A_1232, %get3A_1233, %get3A_1234, %get3A_1235] : memref<1x21x128x512xf32, #tpu.memory_space<vmem>>, vector<1x1x128x128xf32>
    %get3A_1237 = vector.shape_cast %get3A_1236 : vector<1x1x128x128xf32> to vector<128x128xf32>
    %exp3A_1238 = math.exp %get3A_1237 : vector<128x128xf32>
    %add3A_1239 = arith.addf %add3A_1227, %exp3A_1238 : vector<128x128xf32>
    %eq3A_1240 = arith.constant 11 : i32
    %eq3A_1241 = vector.broadcast %eq3A_1240 : i32 to vector<128x128xi32>
    %eq3A_1242 = arith.cmpi eq, %get3A_1095, %eq3A_1241 : vector<128x128xi32>
    %select_n3A_1243 = arith.select %eq3A_1242, %get3A_1237, %select_n3A_1231 : vector<128x128xi1>, vector<128x128xf32>
    %get3A_1244 = arith.constant 0 : index
    %get3A_1245 = arith.constant 12 : index
    %get3A_1246 = arith.constant 0 : index
    %get3A_1247 = arith.constant 384 : index
    %get3A_1248 = vector.load %arg2[%get3A_1244, %get3A_1245, %get3A_1246, %get3A_1247] : memref<1x21x128x512xf32, #tpu.memory_space<vmem>>, vector<1x1x128x128xf32>
    %get3A_1249 = vector.shape_cast %get3A_1248 : vector<1x1x128x128xf32> to vector<128x128xf32>
    %exp3A_1250 = math.exp %get3A_1249 : vector<128x128xf32>
    %add3A_1251 = arith.addf %add3A_1239, %exp3A_1250 : vector<128x128xf32>
    %eq3A_1252 = arith.constant 12 : i32
    %eq3A_1253 = vector.broadcast %eq3A_1252 : i32 to vector<128x128xi32>
    %eq3A_1254 = arith.cmpi eq, %get3A_1095, %eq3A_1253 : vector<128x128xi32>
    %select_n3A_1255 = arith.select %eq3A_1254, %get3A_1249, %select_n3A_1243 : vector<128x128xi1>, vector<128x128xf32>
    %get3A_1256 = arith.constant 0 : index
    %get3A_1257 = arith.constant 13 : index
    %get3A_1258 = arith.constant 0 : index
    %get3A_1259 = arith.constant 384 : index
    %get3A_1260 = vector.load %arg2[%get3A_1256, %get3A_1257, %get3A_1258, %get3A_1259] : memref<1x21x128x512xf32, #tpu.memory_space<vmem>>, vector<1x1x128x128xf32>
    %get3A_1261 = vector.shape_cast %get3A_1260 : vector<1x1x128x128xf32> to vector<128x128xf32>
    %exp3A_1262 = math.exp %get3A_1261 : vector<128x128xf32>
    %add3A_1263 = arith.addf %add3A_1251, %exp3A_1262 : vector<128x128xf32>
    %eq3A_1264 = arith.constant 13 : i32
    %eq3A_1265 = vector.broadcast %eq3A_1264 : i32 to vector<128x128xi32>
    %eq3A_1266 = arith.cmpi eq, %get3A_1095, %eq3A_1265 : vector<128x128xi32>
    %select_n3A_1267 = arith.select %eq3A_1266, %get3A_1261, %select_n3A_1255 : vector<128x128xi1>, vector<128x128xf32>
    %get3A_1268 = arith.constant 0 : index
    %get3A_1269 = arith.constant 14 : index
    %get3A_1270 = arith.constant 0 : index
    %get3A_1271 = arith.constant 384 : index
    %get3A_1272 = vector.load %arg2[%get3A_1268, %get3A_1269, %get3A_1270, %get3A_1271] : memref<1x21x128x512xf32, #tpu.memory_space<vmem>>, vector<1x1x128x128xf32>
    %get3A_1273 = vector.shape_cast %get3A_1272 : vector<1x1x128x128xf32> to vector<128x128xf32>
    %exp3A_1274 = math.exp %get3A_1273 : vector<128x128xf32>
    %add3A_1275 = arith.addf %add3A_1263, %exp3A_1274 : vector<128x128xf32>
    %eq3A_1276 = arith.constant 14 : i32
    %eq3A_1277 = vector.broadcast %eq3A_1276 : i32 to vector<128x128xi32>
    %eq3A_1278 = arith.cmpi eq, %get3A_1095, %eq3A_1277 : vector<128x128xi32>
    %select_n3A_1279 = arith.select %eq3A_1278, %get3A_1273, %select_n3A_1267 : vector<128x128xi1>, vector<128x128xf32>
    %get3A_1280 = arith.constant 0 : index
    %get3A_1281 = arith.constant 15 : index
    %get3A_1282 = arith.constant 0 : index
    %get3A_1283 = arith.constant 384 : index
    %get3A_1284 = vector.load %arg2[%get3A_1280, %get3A_1281, %get3A_1282, %get3A_1283] : memref<1x21x128x512xf32, #tpu.memory_space<vmem>>, vector<1x1x128x128xf32>
    %get3A_1285 = vector.shape_cast %get3A_1284 : vector<1x1x128x128xf32> to vector<128x128xf32>
    %exp3A_1286 = math.exp %get3A_1285 : vector<128x128xf32>
    %add3A_1287 = arith.addf %add3A_1275, %exp3A_1286 : vector<128x128xf32>
    %eq3A_1288 = arith.constant 15 : i32
    %eq3A_1289 = vector.broadcast %eq3A_1288 : i32 to vector<128x128xi32>
    %eq3A_1290 = arith.cmpi eq, %get3A_1095, %eq3A_1289 : vector<128x128xi32>
    %select_n3A_1291 = arith.select %eq3A_1290, %get3A_1285, %select_n3A_1279 : vector<128x128xi1>, vector<128x128xf32>
    %get3A_1292 = arith.constant 0 : index
    %get3A_1293 = arith.constant 16 : index
    %get3A_1294 = arith.constant 0 : index
    %get3A_1295 = arith.constant 384 : index
    %get3A_1296 = vector.load %arg2[%get3A_1292, %get3A_1293, %get3A_1294, %get3A_1295] : memref<1x21x128x512xf32, #tpu.memory_space<vmem>>, vector<1x1x128x128xf32>
    %get3A_1297 = vector.shape_cast %get3A_1296 : vector<1x1x128x128xf32> to vector<128x128xf32>
    %exp3A_1298 = math.exp %get3A_1297 : vector<128x128xf32>
    %add3A_1299 = arith.addf %add3A_1287, %exp3A_1298 : vector<128x128xf32>
    %eq3A_1300 = arith.constant 16 : i32
    %eq3A_1301 = vector.broadcast %eq3A_1300 : i32 to vector<128x128xi32>
    %eq3A_1302 = arith.cmpi eq, %get3A_1095, %eq3A_1301 : vector<128x128xi32>
    %select_n3A_1303 = arith.select %eq3A_1302, %get3A_1297, %select_n3A_1291 : vector<128x128xi1>, vector<128x128xf32>
    %get3A_1304 = arith.constant 0 : index
    %get3A_1305 = arith.constant 17 : index
    %get3A_1306 = arith.constant 0 : index
    %get3A_1307 = arith.constant 384 : index
    %get3A_1308 = vector.load %arg2[%get3A_1304, %get3A_1305, %get3A_1306, %get3A_1307] : memref<1x21x128x512xf32, #tpu.memory_space<vmem>>, vector<1x1x128x128xf32>
    %get3A_1309 = vector.shape_cast %get3A_1308 : vector<1x1x128x128xf32> to vector<128x128xf32>
    %exp3A_1310 = math.exp %get3A_1309 : vector<128x128xf32>
    %add3A_1311 = arith.addf %add3A_1299, %exp3A_1310 : vector<128x128xf32>
    %eq3A_1312 = arith.constant 17 : i32
    %eq3A_1313 = vector.broadcast %eq3A_1312 : i32 to vector<128x128xi32>
    %eq3A_1314 = arith.cmpi eq, %get3A_1095, %eq3A_1313 : vector<128x128xi32>
    %select_n3A_1315 = arith.select %eq3A_1314, %get3A_1309, %select_n3A_1303 : vector<128x128xi1>, vector<128x128xf32>
    %get3A_1316 = arith.constant 0 : index
    %get3A_1317 = arith.constant 18 : index
    %get3A_1318 = arith.constant 0 : index
    %get3A_1319 = arith.constant 384 : index
    %get3A_1320 = vector.load %arg2[%get3A_1316, %get3A_1317, %get3A_1318, %get3A_1319] : memref<1x21x128x512xf32, #tpu.memory_space<vmem>>, vector<1x1x128x128xf32>
    %get3A_1321 = vector.shape_cast %get3A_1320 : vector<1x1x128x128xf32> to vector<128x128xf32>
    %exp3A_1322 = math.exp %get3A_1321 : vector<128x128xf32>
    %add3A_1323 = arith.addf %add3A_1311, %exp3A_1322 : vector<128x128xf32>
    %eq3A_1324 = arith.constant 18 : i32
    %eq3A_1325 = vector.broadcast %eq3A_1324 : i32 to vector<128x128xi32>
    %eq3A_1326 = arith.cmpi eq, %get3A_1095, %eq3A_1325 : vector<128x128xi32>
    %select_n3A_1327 = arith.select %eq3A_1326, %get3A_1321, %select_n3A_1315 : vector<128x128xi1>, vector<128x128xf32>
    %get3A_1328 = arith.constant 0 : index
    %get3A_1329 = arith.constant 19 : index
    %get3A_1330 = arith.constant 0 : index
    %get3A_1331 = arith.constant 384 : index
    %get3A_1332 = vector.load %arg2[%get3A_1328, %get3A_1329, %get3A_1330, %get3A_1331] : memref<1x21x128x512xf32, #tpu.memory_space<vmem>>, vector<1x1x128x128xf32>
    %get3A_1333 = vector.shape_cast %get3A_1332 : vector<1x1x128x128xf32> to vector<128x128xf32>
    %exp3A_1334 = math.exp %get3A_1333 : vector<128x128xf32>
    %add3A_1335 = arith.addf %add3A_1323, %exp3A_1334 : vector<128x128xf32>
    %eq3A_1336 = arith.constant 19 : i32
    %eq3A_1337 = vector.broadcast %eq3A_1336 : i32 to vector<128x128xi32>
    %eq3A_1338 = arith.cmpi eq, %get3A_1095, %eq3A_1337 : vector<128x128xi32>
    %select_n3A_1339 = arith.select %eq3A_1338, %get3A_1333, %select_n3A_1327 : vector<128x128xi1>, vector<128x128xf32>
    %get3A_1340 = arith.constant 0 : index
    %get3A_1341 = arith.constant 20 : index
    %get3A_1342 = arith.constant 0 : index
    %get3A_1343 = arith.constant 384 : index
    %get3A_1344 = vector.load %arg2[%get3A_1340, %get3A_1341, %get3A_1342, %get3A_1343] : memref<1x21x128x512xf32, #tpu.memory_space<vmem>>, vector<1x1x128x128xf32>
    %get3A_1345 = vector.shape_cast %get3A_1344 : vector<1x1x128x128xf32> to vector<128x128xf32>
    %exp3A_1346 = math.exp %get3A_1345 : vector<128x128xf32>
    %add3A_1347 = arith.addf %add3A_1335, %exp3A_1346 : vector<128x128xf32>
    %eq3A_1348 = arith.constant 20 : i32
    %eq3A_1349 = vector.broadcast %eq3A_1348 : i32 to vector<128x128xi32>
    %eq3A_1350 = arith.cmpi eq, %get3A_1095, %eq3A_1349 : vector<128x128xi32>
    %select_n3A_1351 = arith.select %eq3A_1350, %get3A_1345, %select_n3A_1339 : vector<128x128xi1>, vector<128x128xf32>
    %log3A_1352 = math.log %add3A_1347 : vector<128x128xf32>
    %sub3A_1353 = arith.subf %log3A_1352, %select_n3A_1351 : vector<128x128xf32>
    %sub3A_1354 = arith.constant 1.000000e+00 : f32
    %sub3A_1355 = vector.broadcast %sub3A_1354 : f32 to vector<128x128xf32>
    %sub3A_1356 = arith.subf %select_n3A_1351, %sub3A_1355 : vector<128x128xf32>
    %abs3A_1357 = math.absf %sub3A_1356 : vector<128x128xf32>
    %broadcast_in_dim3A_1358 = arith.constant 0 : i32
    %broadcast_in_dim3A_1359 = vector.broadcast %broadcast_in_dim3A_1358 : i32 to vector<128x128xi32>
    %gt3A_1360 = arith.constant 1.000000e-01 : f32
    %gt3A_1361 = vector.broadcast %gt3A_1360 : f32 to vector<128x128xf32>
    %gt3A_1362 = arith.cmpf ogt, %abs3A_1357, %gt3A_1361 : vector<128x128xf32>
    %jit3A_1363 = arith.constant 1 : i32
    %jit3A_1364 = arith.constant 0 : i32
    %broadcast_in_dim3A_1365 = vector.broadcast %jit3A_1363 : i32 to vector<128x128xi32>
    %broadcast_in_dim3A_1366 = vector.broadcast %jit3A_1364 : i32 to vector<128x128xi32>
    %select_n3A_1367 = arith.select %gt3A_1362, %broadcast_in_dim3A_1365, %broadcast_in_dim3A_1366 : vector<128x128xi1>, vector<128x128xi32>
    %add3A_1368 = arith.addi %broadcast_in_dim3A_1359, %select_n3A_1367 : vector<128x128xi32>
    %gt3A_1369 = arith.constant 2.000000e-01 : f32
    %gt3A_1370 = vector.broadcast %gt3A_1369 : f32 to vector<128x128xf32>
    %gt3A_1371 = arith.cmpf ogt, %abs3A_1357, %gt3A_1370 : vector<128x128xf32>
    %jit3A_1372 = arith.constant 1 : i32
    %jit3A_1373 = arith.constant 0 : i32
    %broadcast_in_dim3A_1374 = vector.broadcast %jit3A_1372 : i32 to vector<128x128xi32>
    %broadcast_in_dim3A_1375 = vector.broadcast %jit3A_1373 : i32 to vector<128x128xi32>
    %select_n3A_1376 = arith.select %gt3A_1371, %broadcast_in_dim3A_1374, %broadcast_in_dim3A_1375 : vector<128x128xi1>, vector<128x128xi32>
    %add3A_1377 = arith.addi %add3A_1368, %select_n3A_1376 : vector<128x128xi32>
    %gt3A_1378 = arith.constant 3.000000e-01 : f32
    %gt3A_1379 = vector.broadcast %gt3A_1378 : f32 to vector<128x128xf32>
    %gt3A_1380 = arith.cmpf ogt, %abs3A_1357, %gt3A_1379 : vector<128x128xf32>
    %jit3A_1381 = arith.constant 1 : i32
    %jit3A_1382 = arith.constant 0 : i32
    %broadcast_in_dim3A_1383 = vector.broadcast %jit3A_1381 : i32 to vector<128x128xi32>
    %broadcast_in_dim3A_1384 = vector.broadcast %jit3A_1382 : i32 to vector<128x128xi32>
    %select_n3A_1385 = arith.select %gt3A_1380, %broadcast_in_dim3A_1383, %broadcast_in_dim3A_1384 : vector<128x128xi1>, vector<128x128xi32>
    %add3A_1386 = arith.addi %add3A_1377, %select_n3A_1385 : vector<128x128xi32>
    %gt3A_1387 = arith.constant 4.000000e-01 : f32
    %gt3A_1388 = vector.broadcast %gt3A_1387 : f32 to vector<128x128xf32>
    %gt3A_1389 = arith.cmpf ogt, %abs3A_1357, %gt3A_1388 : vector<128x128xf32>
    %jit3A_1390 = arith.constant 1 : i32
    %jit3A_1391 = arith.constant 0 : i32
    %broadcast_in_dim3A_1392 = vector.broadcast %jit3A_1390 : i32 to vector<128x128xi32>
    %broadcast_in_dim3A_1393 = vector.broadcast %jit3A_1391 : i32 to vector<128x128xi32>
    %select_n3A_1394 = arith.select %gt3A_1389, %broadcast_in_dim3A_1392, %broadcast_in_dim3A_1393 : vector<128x128xi1>, vector<128x128xi32>
    %add3A_1395 = arith.addi %add3A_1386, %select_n3A_1394 : vector<128x128xi32>
    %gt3A_1396 = arith.constant 5.000000e-01 : f32
    %gt3A_1397 = vector.broadcast %gt3A_1396 : f32 to vector<128x128xf32>
    %gt3A_1398 = arith.cmpf ogt, %abs3A_1357, %gt3A_1397 : vector<128x128xf32>
    %jit3A_1399 = arith.constant 1 : i32
    %jit3A_1400 = arith.constant 0 : i32
    %broadcast_in_dim3A_1401 = vector.broadcast %jit3A_1399 : i32 to vector<128x128xi32>
    %broadcast_in_dim3A_1402 = vector.broadcast %jit3A_1400 : i32 to vector<128x128xi32>
    %select_n3A_1403 = arith.select %gt3A_1398, %broadcast_in_dim3A_1401, %broadcast_in_dim3A_1402 : vector<128x128xi1>, vector<128x128xi32>
    %add3A_1404 = arith.addi %add3A_1395, %select_n3A_1403 : vector<128x128xi32>
    %gt3A_1405 = arith.constant 6.000000e-01 : f32
    %gt3A_1406 = vector.broadcast %gt3A_1405 : f32 to vector<128x128xf32>
    %gt3A_1407 = arith.cmpf ogt, %abs3A_1357, %gt3A_1406 : vector<128x128xf32>
    %jit3A_1408 = arith.constant 1 : i32
    %jit3A_1409 = arith.constant 0 : i32
    %broadcast_in_dim3A_1410 = vector.broadcast %jit3A_1408 : i32 to vector<128x128xi32>
    %broadcast_in_dim3A_1411 = vector.broadcast %jit3A_1409 : i32 to vector<128x128xi32>
    %select_n3A_1412 = arith.select %gt3A_1407, %broadcast_in_dim3A_1410, %broadcast_in_dim3A_1411 : vector<128x128xi1>, vector<128x128xi32>
    %add3A_1413 = arith.addi %add3A_1404, %select_n3A_1412 : vector<128x128xi32>
    %gt3A_1414 = arith.constant 0.699999988 : f32
    %gt3A_1415 = vector.broadcast %gt3A_1414 : f32 to vector<128x128xf32>
    %gt3A_1416 = arith.cmpf ogt, %abs3A_1357, %gt3A_1415 : vector<128x128xf32>
    %jit3A_1417 = arith.constant 1 : i32
    %jit3A_1418 = arith.constant 0 : i32
    %broadcast_in_dim3A_1419 = vector.broadcast %jit3A_1417 : i32 to vector<128x128xi32>
    %broadcast_in_dim3A_1420 = vector.broadcast %jit3A_1418 : i32 to vector<128x128xi32>
    %select_n3A_1421 = arith.select %gt3A_1416, %broadcast_in_dim3A_1419, %broadcast_in_dim3A_1420 : vector<128x128xi1>, vector<128x128xi32>
    %add3A_1422 = arith.addi %add3A_1413, %select_n3A_1421 : vector<128x128xi32>
    %gt3A_1423 = arith.constant 8.000000e-01 : f32
    %gt3A_1424 = vector.broadcast %gt3A_1423 : f32 to vector<128x128xf32>
    %gt3A_1425 = arith.cmpf ogt, %abs3A_1357, %gt3A_1424 : vector<128x128xf32>
    %jit3A_1426 = arith.constant 1 : i32
    %jit3A_1427 = arith.constant 0 : i32
    %broadcast_in_dim3A_1428 = vector.broadcast %jit3A_1426 : i32 to vector<128x128xi32>
    %broadcast_in_dim3A_1429 = vector.broadcast %jit3A_1427 : i32 to vector<128x128xi32>
    %select_n3A_1430 = arith.select %gt3A_1425, %broadcast_in_dim3A_1428, %broadcast_in_dim3A_1429 : vector<128x128xi1>, vector<128x128xi32>
    %add3A_1431 = arith.addi %add3A_1422, %select_n3A_1430 : vector<128x128xi32>
    %gt3A_1432 = arith.constant 0.899999976 : f32
    %gt3A_1433 = vector.broadcast %gt3A_1432 : f32 to vector<128x128xf32>
    %gt3A_1434 = arith.cmpf ogt, %abs3A_1357, %gt3A_1433 : vector<128x128xf32>
    %jit3A_1435 = arith.constant 1 : i32
    %jit3A_1436 = arith.constant 0 : i32
    %broadcast_in_dim3A_1437 = vector.broadcast %jit3A_1435 : i32 to vector<128x128xi32>
    %broadcast_in_dim3A_1438 = vector.broadcast %jit3A_1436 : i32 to vector<128x128xi32>
    %select_n3A_1439 = arith.select %gt3A_1434, %broadcast_in_dim3A_1437, %broadcast_in_dim3A_1438 : vector<128x128xi1>, vector<128x128xi32>
    %add3A_1440 = arith.addi %add3A_1431, %select_n3A_1439 : vector<128x128xi32>
    %bitcast_convert_type3A_1441 = tpu.bitcast %sub3A_1353 : vector<128x128xf32> -> vector<128x128xi32>
    %add3A_1442 = arith.constant 32768 : i32
    %add3A_1443 = vector.broadcast %add3A_1442 : i32 to vector<128x128xi32>
    %add3A_1444 = arith.addi %bitcast_convert_type3A_1441, %add3A_1443 : vector<128x128xi32>
    %and3A_1445 = arith.constant -65536 : i32
    %and3A_1446 = vector.broadcast %and3A_1445 : i32 to vector<128x128xi32>
    %and3A_1447 = arith.andi %add3A_1444, %and3A_1446 : vector<128x128xi32>
    %shift_left3A_1448 = arith.constant 4 : i32
    %shift_left3A_1449 = vector.broadcast %shift_left3A_1448 : i32 to vector<128x128xi32>
    %shift_left3A_1450 = arith.shli %add3A_1440, %shift_left3A_1449 : vector<128x128xi32>
    %add3A_1451 = arith.addi %shift_left3A_1450, %and3A_1 : vector<128x128xi32>
    %or3A_1452 = arith.ori %and3A_1447, %add3A_1451 : vector<128x128xi32>
    %swap3A_1453 = arith.constant 0 : index
    %swap3A_1454 = arith.constant 0 : index
    %swap3A_1455 = arith.constant 384 : index
    %swap3A_1456 = vector.load %arg4[%swap3A_1453, %swap3A_1454, %swap3A_1455] : memref<1x128x512xi32, #tpu.memory_space<vmem>>, vector<1x128x128xi32>
    %swap3A_1457 = vector.shape_cast %swap3A_1456 : vector<1x128x128xi32> to vector<128x128xi32>
    %swap3A_1458 = vector.shape_cast %or3A_1452 : vector<128x128xi32> to vector<1x128x128xi32>
    tpu.vector_store %arg4[%swap3A_1453, %swap3A_1454, %swap3A_1455], %swap3A_1458 {strides = array<i32>} : memref<1x128x512xi32, #tpu.memory_space<vmem>>, vector<1x128x128xi32>,
    return
  }
  func.func @transform_0(%arg0: i32, %arg1: i32) -> (i32, i32, i32, i32) {
    %c0_i32 = arith.constant 0 : i32
    %c0_i32_0 = arith.constant 0 : i32
    %c0_i32_1 = arith.constant 0 : i32
    return %arg0, %c0_i32, %arg1, %c0_i32_0 : i32, i32, i32, i32
  }
  func.func @transform_1(%arg0: i32, %arg1: i32) -> (i32, i32, i32) {
    %c0_i32 = arith.constant 0 : i32
    %c0_i32_0 = arith.constant 0 : i32
    return %arg0, %arg1, %c0_i32 : i32, i32, i32
  }
  func.func @transform_2(%arg0: i32, %arg1: i32) -> (i32, i32, i32) {
    %c0_i32 = arith.constant 0 : i32
    %c0_i32_0 = arith.constant 0 : i32
    return %arg0, %arg1, %c0_i32 : i32, i32, i32
  }
}

</mosaic_0001>

<sc_bundles>
// kernel: kernel.5.cloned.1.call-start
scs
__scs_entry_jumppad:
0x0: {  	(pc) =	sbr.rel $0x88, $3  }
0x1: {  	(tag) =	ssettag $0x0;
	lr =	simm.s32 $0x1  }
0x2: {  	[smem:$0x3F9F] =	sst lr;
	_ =	strace $0xD0000000  }
0x3: {  	_ = 	snop  }
0x4: {  	_ = 	snop  }
0x5: {  	_ = 	snop  }
0x6: {  	_ = 	snop  }
0x7: {  	_ = 	snop  }
__scs_overlays_trampoline_lowered:
0x8: {  	[smem:$0x3FAE] =	sst s0  }
0x9: {  	[smem:$0x3FAF] =	sst s1  }
0xa: {  	[smem:$0x3FB0] =	sst s2  }
0xb: {  	[smem:$0x3FB1] =	sst s3  }
0xc: {  	[smem:$0x3FB2] =	sst s4  }
0xd: {  	[smem:$0x3FB3] =	sst s5  }
0xe: {  	[smem:$0x3FB4] =	sst s6  }
0xf: {  	[smem:$0x3FB5] =	sst s7  }
0x10: {  	[smem:$0x3FB6] =	sst s8  }
0x11: {  	[smem:$0x3FB7] =	sst s9;
	s0 =	simm.s32 @!p0 $0x0  }
0x12: {  	s1 =	sld [smem:$0x3F9D];
	s0 =	simm.s32 @p0 $0x1  }
0x13: {  	[smem:$0x3FB8] =	sst s0;
	s0 =	simm.s32 @!p1 $0x0  }
0x14: {  	s2 =	sld [smem:$0x3F9C];
	s0 =	simm.s32 @p1 $0x1  }
0x15: {  	[smem:$0x3FB9] =	sst s0;
	s0 =	simm.s32 @!p2 $0x0  }
0x16: {  	s3 =	sld [smem:$0x3FDB];
	s0 =	simm.s32 @p2 $0x1  }
0x17: {  	s4 =	simm.s32 $0x1BF5;
	[smem:$0x3FBB] =	sst s0  }
0x18: {  	s0 =	sld [smem:$0x3F9E];
	_ =	swait.ge [sflag:s4], $0x0  }
0x19: {  	s7 =	sld [smem:$0x3F9F]  }
0x1a: {  	s8 =	sadd.s32 $0xFFFFE003, lr  }
0x1b: {  	s9 =	sadd.s32 $0xFFFFFEF7, lr;
	s5 =	simm.s32 $0xFFFFFFFF;
	p2 =	slt.u32 s8, $0xFFFFF086  }
0x1c: {  	p1 =	slt.u32 s9, $0xF7A;
	s5 =	simm.s32 @!p2 $0x0  }
0x1d: {  	s5 =	simm.s32 @p1 $0x1;
	p0 =	seq.s32 s7, s2  }
0x1e: {  	s7 =	smul.u32 @!p0 $0xF7A, s2;
	p2 =	seq.s32 @!p0 s5, $0x0  }
0x1f: {  	s9 =	smul.u32 $0xF7A, s1;
	s8 =	simm.s32 @!p0 $0x1BF5;
	p2 =	por !p2, p0  }
0x20: {  	[sflag:s8] =	ssyncset.s32 @!p0 $0xFFFFF086;
	s6 =	sadd.s32 @!p0 s3, s7;
	s7 =	simm.s32 @!p0 $0x108  }
0x21: {  	s3 =	sadd.s32 s3, s9;
	s6 =	sadd.s32 @!p0 $0x88, s6;
	s7 =	simm.s32 @p2 $0x1082  }
0x22: {  	[simem:s7], [sflag:s8] =	dma.local @!p0 [hbm:s6], $0xF7A  }
0x23: {  	s9 =	sor.u32 $0xD0000000, s2;
	s6 =	simm.s32 $0x108;
	_ =	swait.ge @!p0 [sflag:s8], $0x0  }
0x24: {  	s3 =	sadd.s32 $0x88, s3;
	s6 =	simm.s32 @!p1 $0x1082;
	[sflag:s4] =	ssyncset.s32 $0xFFFFF086  }
0x25: {  	[simem:s6], [sflag:s4] =	dma.local [hbm:s3], $0xF7A  }
0x26: {  	[smem:$0x3F9F] =	sst s1;
	(tag) =	ssettag s2;
	_ =	strace s9  }
0x27: {  	s1 =	sld [smem:$0x3FAF]  }
0x28: {  	s2 =	sld [smem:$0x3FB0]  }
0x29: {  	s4 =	sld [smem:$0x3FB2]  }
0x2a: {  	p0 =	seq.s32 s5, $0x0;
	s5 =	sld [smem:$0x3FB3]  }
0x2b: {  	s6 =	sld [smem:$0x3FB4]  }
0x2c: {  	s7 =	sld [smem:$0x3FB5]  }
0x2d: {  	s3 =	simm.s32 $0x108;
	s8 =	sld [smem:$0x3FB6]  }
0x2e: {  	s3 =	simm.s32 @!p0 $0x1082;
	s9 =	sld [smem:$0x3FB7]  }
0x2f: {  	lr =	sadd.s32 s0, s3;
	s0 =	sld [smem:$0x3FAE]  }
0x30: {  	s3 =	sld [smem:$0x3FB1]  }
0x31: {  	[smem:$0x3FBA] =	sst s10  }
0x32: {  	s10 =	sld [smem:$0x3FB8];
	_ =	sdelay $0x3  }
0x33: {  	p0 =	seq.s32 s10, $0x1;
	s10 =	sld [smem:$0x3FBA];
	_ =	sdelay $0x3  }
0x34: {  	[smem:$0x3FBA] =	sst s10  }
0x35: {  	s10 =	sld [smem:$0x3FB9];
	_ =	sdelay $0x3  }
0x36: {  	p1 =	seq.s32 s10, $0x1;
	s10 =	sld [smem:$0x3FBA];
	_ =	sdelay $0x3  }
0x37: {  	[smem:$0x3FBA] =	sst s10  }
0x38: {  	s10 =	sld [smem:$0x3FBB]  }
0x39: {  	_ = 	snop;
	(pc) =	sbr.ind lr, $3  }
0x3a: {  	_ = 	snop  }
0x3b: {  	_ = 	snop  }
0x3c: {  	p2 =	seq.s32 s10, $0x1;
	s10 =	sld [smem:$0x3FBA]  }
0x3d: {  	_ =	shalt  }
0x3e: {  	_ =	shalt  }
0x3f: {  	_ =	shalt  }
0x40: {  	_ =	shalt  }
0x41: {  	_ =	shalt  }
0x42: {  	_ =	shalt  }
0x43: {  	_ =	shalt  }
0x44: {  	_ =	shalt  }
0x45: {  	_ =	shalt  }
0x46: {  	_ =	shalt  }
0x47: {  	_ =	shalt  }
0x48: {  	_ =	shalt  }
0x49: {  	_ =	shalt  }
0x4a: {  	_ =	shalt  }
0x4b: {  	_ =	shalt  }
0x4c: {  	_ =	shalt  }
0x4d: {  	_ =	shalt  }
0x4e: {  	_ =	shalt  }
0x4f: {  	_ =	shalt  }
0x50: {  	_ =	shalt  }
0x51: {  	_ =	shalt  }
0x52: {  	_ =	shalt  }
0x53: {  	_ =	shalt  }
0x54: {  	_ =	shalt  }
0x55: {  	_ =	shalt  }
0x56: {  	_ =	shalt  }
0x57: {  	_ =	shalt  }
0x58: {  	_ =	shalt  }
0x59: {  	_ =	shalt  }
0x5a: {  	_ =	shalt  }
0x5b: {  	_ =	shalt  }
0x5c: {  	_ =	shalt  }
0x5d: {  	_ =	shalt  }
0x5e: {  	_ =	shalt  }
0x5f: {  	_ =	shalt  }
0x60: {  	_ =	shalt  }
0x61: {  	_ =	shalt  }
0x62: {  	_ =	shalt  }
0x63: {  	_ =	shalt  }
0x64: {  	_ =	shalt  }
0x65: {  	_ =	shalt  }
0x66: {  	_ =	shalt  }
0x67: {  	_ =	shalt  }
0x68: {  	_ =	shalt  }
0x69: {  	_ =	shalt  }
0x6a: {  	_ =	shalt  }
0x6b: {  	_ =	shalt  }
0x6c: {  	_ =	shalt  }
0x6d: {  	_ =	shalt  }
0x6e: {  	_ =	shalt  }
0x6f: {  	_ =	shalt  }
0x70: {  	_ =	shalt  }
0x71: {  	_ =	shalt  }
0x72: {  	_ =	shalt  }
0x73: {  	_ =	shalt  }
0x74: {  	_ =	shalt  }
0x75: {  	_ =	shalt  }
0x76: {  	_ =	shalt  }
0x77: {  	_ =	shalt  }
0x78: {  	_ =	shalt  }
0x79: {  	_ =	shalt  }
0x7a: {  	_ =	shalt  }
0x7b: {  	_ =	shalt  }
0x7c: {  	_ =	shalt  }
0x7d: {  	_ =	shalt  }
0x7e: {  	_ =	shalt  }
0x7f: {  	_ =	shalt  }
0x80: {  	_ =	shalt  }
0x81: {  	_ =	shalt  }
0x82: {  	_ =	shalt  }
0x83: {  	_ =	shalt  }
0x84: {  	_ =	shalt  }
0x85: {  	_ =	shalt  }
0x86: {  	_ =	shalt  }
0x87: {  	_ =	shalt  }
.Lfunc_end0:
.L_simem_size_0:
called_computation_lowered:
.L_overlay_start_0:
0x88: {  	s2 =	sld [smem:$0x3FD9]  }
0x89: {  	s3 =	sld [smem:$0x3FFE];
	_ =	sdelay $0x1  }
0x8a: {  	s1 =	srdreg.scid  }
0x8b: {  	s0 =	sand.u32 $0x1, s1  }
0x8c: {  	s16 =	sshll.u32 s0, $0xA;
	s2 =	sadd.s32 s3, s2  }
0x8d: {  	s2 =	sadd.s32 s2, s16  }
0x8e: {  	[smem:$0x3FC6] =	sst s2  }
0x8f: {  	_ = 	snop  }
0x90: {  	(tm) =	ssettm $0x1  }
0x91: {  	s17 =	sld [smem:$0x3FFB];
	_ =	sdelay $0x3  }
0x92: {  	_ =	strace s17  }
0x93: {  	s2 =	sld [smem:$0x3FFC];
	_ =	sdelay $0x3  }
0x94: {  	_ =	strace s2  }
0x95: {  	s2 =	sld [smem:$0x3FFD];
	_ =	sdelay $0x3  }
0x96: {  	_ =	strace s2  }
0x97: {  	_ =	strace $0x8FFFFFFF  }
0x98: {  	s18 =	sld [smem:$0x3FDB];
	_ =	sdelay $0x1  }
0x99: {  	s19 =	simm.s32 $_scs_section_size  }
0x9a: {  	s4 =	simm.s32 $_size__tile_overlayer_lowered;
	s5 =	simm.s32 $_tile_overlayer_lowered  }
0x9b: {  	s22 =	simm.s32 $0x1BFF;
	s21 =	sshll.u32 s5, $0x1;
	s2 =	sadd.s32 s19, s18  }
0x9c: {  	s6 =	simm.s32 $0x0;
	s20 =	sshll.u32 s4, $0x1;
	s4 =	sadd.s32 s21, s2  }
0x9d: {  	[timem:s6], [sflag:s22] =	dma.local [hbm:s4], s20  }
0x9e: {  	_ =	swait.ge [sflag:s22], s20  }
0x9f: {  	s3 =	ssub.s32 $0x0, s20;
	[sflag:s22] =	ssyncset.done $0x0  }
0xa0: {  	[sflag:s22] =	ssyncadd.s32 s3;
	_ =	sdelay $0x1  }
0xa1: {  	s23 =	simm.s32 $0x1B8B  }
0xa2: {  	_ =	swait.ge [sflag:s23], $0x1  }
0xa3: {  	[sflag:s23] =	ssyncset.done $0x0  }
0xa4: {  	s25 =	simm.s32 $0x1B8E;
	s24 =	sld [smem:$0x3FFE];
	[sflag:s23] =	ssyncadd.s32 $0xFFFFFFFF  }
0xa5: {  	s26 =	simm.s32 $execute0_lowered;
	[smem:$0x3FD2] =	sst s25  }
0xa6: {  	s4 =	sshll.u32 s26, $0x1;
	_ =	strace $0x80000046;
	[dreg:$0x1] =	wrdreg $0xFFFFFFFF  }
0xa7: {  	s28 =	simm.s32 $_size_execute0_lowered;
	s2 =	sadd.s32 s2, s4;
	[dreg:$0x0] =	wrdreg $0x0  }
0xa8: {  	s4 =	sshll.u32 s28, $0x1;
	[dreg:$0x2] =	wrdreg s2  }
0xa9: {  	[dreg:$0x3] =	wrdreg s4  }
0xaa: {  	[dreg:$0x4] =	wrdreg $0xC0  }
0xab: {  	_ =	task [dreg:s6], $0x5FFFF  }
0xac: {  	[dreg:$0x1] =	wrdreg $0xFFFFFFFF  }
0xad: {  	[dreg:$0x0] =	wrdreg $0x60  }
0xae: {  	[dreg:$0x2] =	wrdreg s24  }
0xaf: {  	[dreg:$0x3] =	wrdreg $0x9  }
0xb0: {  	_ =	task.clear_ibuf [dreg:s6], $0x4FFFF;
	_ =	strace $0x90000046  }
0xb1: {  	s29 =	simm.s32 $0x9;
	_ =	strace $0x80000048  }
0xb2: {  	_ =	swait.ge [sflag:s29], $0x1  }
0xb3: {  	[sflag:s29] =	ssyncadd.s32 $0xFFFFFFFF  }
0xb4: {  	_ =	strace $0x90000048  }
0xb5: {  	_ =	sfence  }
0xb6: {  	s30 =	sld [smem:$0x0];
	_ =	sdelay $0x2  }
0xb7: {  	s31 =	sshll.u32 s1, $0xD;
	s1 =	sshrl.u32 s1, $0x2  }
0xb8: {  	s3 =	sand.u32 $0x4000, s31;
	s1 =	sadd.s32 s1, s30  }
0xb9: {  	s0 =	sor.u32 s3, s0;
	s1 =	sshll.u32 s1, $0x11  }
0xba: {  	s0 =	sor.u32 s1, s0  }
0xbb: {  	s0 =	sadd.s32 $0x8F2B, s0  }
0xbc: {  	[sflag:s0] =	ssyncadd.remote.s32 $0x1  }
0xbd: {  	_ =	sfence.sel $0xFFFF  }
0xbe: {  	[dreg:$0x0] =	wrdreg $0xFFFFFFFF;
	(pc) =	sbr.abs _section_cstart, $3  }
0xbf: {  	[dreg:$0x1] =	wrdreg $0xFFFFFFFF  }
0xc0: {  	_ =	task.clear_ibuf [dreg:s6], $0x2FFFF;
	_ =	strace $0x9FFFFFFF  }
0xc1: {  	(tm) =	ssettm $0x7FFFFFFF  }
tec
execute0_lowered:
.L_overlay_start_1:
0x0: {  	(tag) =	ssettag $0x1  }
0x1: {  	s1 =	srdreg.scid;
	s0 =	stileid.u32  }
0x2: {  	s3 =	rddreg [dreg:$0x0];
	s2 =	simm.s32 $0x0;
	s8 =	simm.s32 $0x8000  }
0x3: {  	s9 =	simm.s32 $0x8400;
	s10 =	simm.s32 $0x8100;
	s11 =	simm.s32 $0x8500  }
0x4: {  	s12 =	simm.s32 $0x8200;
	s4 =	sand.u32 $0x1, s1;
	s5 =	sshll.u32 s0, $0x1  }
0x5: {  	s13 =	simm.s32 $0x8600;
	s14 =	simm.s32 $0x8300;
	s5 =	sor.u32 s4, s5  }
0x6: {  	s15 =	simm.s32 $0x8700;
	[smem:$0x7FF] =	sst s2;
	s6 =	smul.u32 $0x140, s5  }
0x7: {  	s16 =	simm.s32 $0x0;
	s1 =	rddreg [dreg:$0x1];
	_ =	strace $0x80000047  }
0x8: {  	s4 =	ssub.s32 $0x2, s4;
	s5 =	sshll.u32 s5, $0xC;
	s6 =	sshrl.u32 s6, $0x3  }
0x9: {  	s31 =	sshrl.u32 s4, $0x1;
	s5 =	sadd.s32 s5, s3;
	s6 =	sadd.s32 s6, s3  }
0xa: {  	s7 =	ssub.s32 s4, s31;
	s3 =	sadd.s32 $0xA00, s5;
	s4 =	sadd.s32 $0x20A00, s6  }
0xb: {  	v0 =	vimm.f32 $0.0e+00;
	v1 =	vimm.f32 $1.000000000e+00;
	s5 =	sadd.s32 $0x20A14, s6;
	s6 =	smax.u32 s7, $0x1;
	s7 =	simm.s32 $0x1  }
.LBB2_1:
0xc: {  	[tilespmem:$0x8000] =	vst v0  }
0xd: {  	[tilespmem:$0x8010] =	vst v0  }
0xe: {  	[tilespmem:$0x8020] =	vst v0  }
0xf: {  	[tilespmem:$0x8030] =	vst v0  }
0x10: {  	[tilespmem:$0x8040] =	vst v0  }
0x11: {  	[tilespmem:$0x8050] =	vst v0  }
0x12: {  	[tilespmem:$0x8060] =	vst v0  }
0x13: {  	[tilespmem:$0x8070] =	vst v0  }
0x14: {  	[tilespmem:$0x8080] =	vst v0  }
0x15: {  	[tilespmem:$0x8090] =	vst v0  }
0x16: {  	[tilespmem:$0x8100] =	vst v0  }
0x17: {  	[tilespmem:$0x8110] =	vst v0  }
0x18: {  	[tilespmem:$0x8120] =	vst v0  }
0x19: {  	[tilespmem:$0x8130] =	vst v0  }
0x1a: {  	[tilespmem:$0x8140] =	vst v0  }
0x1b: {  	[tilespmem:$0x8150] =	vst v0  }
0x1c: {  	[tilespmem:$0x8160] =	vst v0  }
0x1d: {  	[tilespmem:$0x8170] =	vst v0  }
0x1e: {  	[tilespmem:$0x8180] =	vst v0  }
0x1f: {  	[tilespmem:$0x8190] =	vst v0  }
0x20: {  	[tilespmem:$0x8200] =	vst v0  }
0x21: {  	[tilespmem:$0x8210] =	vst v0  }
0x22: {  	[tilespmem:$0x8220] =	vst v0  }
0x23: {  	[tilespmem:$0x8230] =	vst v0  }
0x24: {  	[tilespmem:$0x8240] =	vst v0  }
0x25: {  	[tilespmem:$0x8250] =	vst v0  }
0x26: {  	[tilespmem:$0x8260] =	vst v0  }
0x27: {  	[tilespmem:$0x8270] =	vst v0  }
0x28: {  	[tilespmem:$0x8280] =	vst v0  }
0x29: {  	[tilespmem:$0x8290] =	vst v0  }
0x2a: {  	[tilespmem:$0x8300] =	vst v0  }
0x2b: {  	[tilespmem:$0x8310] =	vst v0  }
0x2c: {  	[tilespmem:$0x8320] =	vst v0  }
0x2d: {  	[tilespmem:$0x8330] =	vst v0  }
0x2e: {  	[tilespmem:$0x8340] =	vst v0  }
0x2f: {  	[tilespmem:$0x8350] =	vst v0  }
0x30: {  	[tilespmem:$0x8360] =	vst v0  }
0x31: {  	[tilespmem:$0x8370] =	vst v0  }
0x32: {  	[tilespmem:$0x8380] =	vst v0  }
0x33: {  	[tilespmem:$0x8390] =	vst v0  }
0x34: {  	[tilespmem:$0x8400] =	vst v0  }
0x35: {  	[tilespmem:$0x8410] =	vst v0  }
0x36: {  	[tilespmem:$0x8420] =	vst v0  }
0x37: {  	[tilespmem:$0x8430] =	vst v0  }
0x38: {  	[tilespmem:$0x8440] =	vst v0  }
0x39: {  	[tilespmem:$0x8450] =	vst v0  }
0x3a: {  	[tilespmem:$0x8460] =	vst v0  }
0x3b: {  	[tilespmem:$0x8470] =	vst v0  }
0x3c: {  	[tilespmem:$0x8480] =	vst v0  }
0x3d: {  	[tilespmem:$0x8490] =	vst v0  }
0x3e: {  	[tilespmem:$0x8500] =	vst v0  }
0x3f: {  	[tilespmem:$0x8510] =	vst v0  }
0x40: {  	[tilespmem:$0x8520] =	vst v0  }
0x41: {  	[tilespmem:$0x8530] =	vst v0  }
0x42: {  	[tilespmem:$0x8540] =	vst v0  }
0x43: {  	[tilespmem:$0x8550] =	vst v0  }
0x44: {  	[tilespmem:$0x8560] =	vst v0  }
0x45: {  	[tilespmem:$0x8570] =	vst v0  }
0x46: {  	[tilespmem:$0x8580] =	vst v0  }
0x47: {  	[tilespmem:$0x8590] =	vst v0  }
0x48: {  	[tilespmem:$0x8600] =	vst v0  }
0x49: {  	[tilespmem:$0x8610] =	vst v0  }
0x4a: {  	[tilespmem:$0x8620] =	vst v0  }
0x4b: {  	[tilespmem:$0x8630] =	vst v0  }
0x4c: {  	[tilespmem:$0x8640] =	vst v0  }
0x4d: {  	[tilespmem:$0x8650] =	vst v0  }
0x4e: {  	[tilespmem:$0x8660] =	vst v0  }
0x4f: {  	[tilespmem:$0x8670] =	vst v0  }
0x50: {  	[tilespmem:$0x8680] =	vst v0  }
0x51: {  	[tilespmem:$0x8690] =	vst v0  }
0x52: {  	[tilespmem:$0x8700] =	vst v0  }
0x53: {  	[tilespmem:$0x8710] =	vst v0  }
0x54: {  	[tilespmem:$0x8720] =	vst v0  }
0x55: {  	[tilespmem:$0x8730] =	vst v0  }
0x56: {  	[tilespmem:$0x8740] =	vst v0  }
0x57: {  	[tilespmem:$0x8750] =	vst v0  }
0x58: {  	[tilespmem:$0x8760] =	vst v0  }
0x59: {  	[tilespmem:$0x8770] =	vst v0  }
0x5a: {  	[tilespmem:$0x8780] =	vst v0  }
0x5b: {  	[tilespmem:$0x8790] =	vst v0  }
0x5c: {  	[tilespmem:s2], [sflag:$0x1] =	stream.linear.gather [hbm4b:s3+s2], $0x8000, $0x38;
	[tilespmem:$0x8800] =	vst v63  }
0x5d: {  	_ =	swait.ge [sflag:s7], $0x8000  }
0x5e: {  	[sflag:s7] =	ssyncset.done $0x0  }
0x5f: {  	s17 =	simm.s32 $0x0;
	[sflag:s7] =	ssyncadd.s32 $0xFFFF8000  }
.LBB2_2:
0x60: {  	s18 =	sshra.s32 s17, $0x2  }
0x61: {  	v2 =	vld [tilespmem:s18+$0x0];
	_ =	sdelay $0x4  }
0x62: {  	v3 =	vand.u32 $0xFF, v2;
	_ =	sdelay $0x4  }
0x63: {  	v2 =	vand.u32 $0xFFFF0000, v2;
	[tilespmem:v3+s8+$0x0] =	vst.idx.add.f32.msk $0xffff, v1  }
0x64: {  	[tilespmem:v3+s9+$0x0] =	vst.idx.add.f32.msk $0xffff, v2  }
0x65: {  	v2 =	vld [tilespmem:s18+$0x10];
	_ =	sdelay $0x4  }
0x66: {  	v3 =	vand.u32 $0xFF, v2;
	_ =	sdelay $0x4  }
0x67: {  	v2 =	vand.u32 $0xFFFF0000, v2;
	[tilespmem:v3+s10+$0x0] =	vst.idx.add.f32.msk $0xffff, v1  }
0x68: {  	[tilespmem:v3+s11+$0x0] =	vst.idx.add.f32.msk $0xffff, v2  }
0x69: {  	v2 =	vld [tilespmem:s18+$0x20];
	_ =	sdelay $0x4  }
0x6a: {  	v3 =	vand.u32 $0xFF, v2;
	_ =	sdelay $0x4  }
0x6b: {  	v2 =	vand.u32 $0xFFFF0000, v2;
	[tilespmem:v3+s12+$0x0] =	vst.idx.add.f32.msk $0xffff, v1  }
0x6c: {  	[tilespmem:v3+s13+$0x0] =	vst.idx.add.f32.msk $0xffff, v2  }
0x6d: {  	v2 =	vld [tilespmem:s18+$0x30];
	_ =	sdelay $0x4  }
0x6e: {  	v3 =	vand.u32 $0xFF, v2;
	_ =	sdelay $0x4  }
0x6f: {  	v2 =	vand.u32 $0xFFFF0000, v2;
	[tilespmem:v3+s14+$0x0] =	vst.idx.add.f32.msk $0xffff, v1  }
0x70: {  	[tilespmem:v3+s15+$0x0] =	vst.idx.add.f32.msk $0xffff, v2  }
0x71: {  	v2 =	vld [tilespmem:s18+$0x40];
	_ =	sdelay $0x4  }
0x72: {  	v3 =	vand.u32 $0xFF, v2;
	_ =	sdelay $0x4  }
0x73: {  	v2 =	vand.u32 $0xFFFF0000, v2;
	[tilespmem:v3+s8+$0x0] =	vst.idx.add.f32.msk $0xffff, v1  }
0x74: {  	[tilespmem:v3+s9+$0x0] =	vst.idx.add.f32.msk $0xffff, v2  }
0x75: {  	v2 =	vld [tilespmem:s18+$0x50];
	_ =	sdelay $0x4  }
0x76: {  	v3 =	vand.u32 $0xFF, v2;
	_ =	sdelay $0x4  }
0x77: {  	v2 =	vand.u32 $0xFFFF0000, v2;
	[tilespmem:v3+s10+$0x0] =	vst.idx.add.f32.msk $0xffff, v1  }
0x78: {  	[tilespmem:v3+s11+$0x0] =	vst.idx.add.f32.msk $0xffff, v2  }
0x79: {  	v2 =	vld [tilespmem:s18+$0x60];
	_ =	sdelay $0x4  }
0x7a: {  	v3 =	vand.u32 $0xFF, v2;
	_ =	sdelay $0x4  }
0x7b: {  	v2 =	vand.u32 $0xFFFF0000, v2;
	[tilespmem:v3+s12+$0x0] =	vst.idx.add.f32.msk $0xffff, v1  }
0x7c: {  	[tilespmem:v3+s13+$0x0] =	vst.idx.add.f32.msk $0xffff, v2  }
0x7d: {  	v2 =	vld [tilespmem:s18+$0x70];
	_ =	sdelay $0x4  }
0x7e: {  	v3 =	vand.u32 $0xFF, v2  }
0x7f: {  	p0 =	sne.s32 s17, $0x1FE00  }
.Ltmp0:
0x80: {  	_ = 	snop;
	(pc) =	sbr.rel @p0 .LBB2_2-.Ltmp0, $3  }
0x81: {  	_ =	sdelay $0x1  }
0x82: {  	v2 =	vand.u32 $0xFFFF0000, v2;
	[tilespmem:v3+s14+$0x0] =	vst.idx.add.f32.msk $0xffff, v1  }
0x83: {  	s17 =	sadd.s32 $0x200, s17;
	[tilespmem:v3+s15+$0x0] =	vst.idx.add.f32.msk $0xffff, v2  }
0x84: {  	v2 =	vld [tilespmem:$0x8000]  }
0x85: {  	v3 =	vld [tilespmem:$0x8100]  }
0x86: {  	v4 =	vld [tilespmem:$0x8200]  }
0x87: {  	v5 =	vld [tilespmem:$0x8300]  }
0x88: {  	v6 =	vld [tilespmem:$0x8400]  }
0x89: {  	v7 =	vld [tilespmem:$0x8500]  }
0x8a: {  	v8 =	vld [tilespmem:$0x8600]  }
0x8b: {  	v9 =	vld [tilespmem:$0x8700]  }
0x8c: {  	v10 =	vld [tilespmem:$0x8010]  }
0x8d: {  	v11 =	vld [tilespmem:$0x8110]  }
0x8e: {  	v12 =	vld [tilespmem:$0x8210]  }
0x8f: {  	v13 =	vld [tilespmem:$0x8310]  }
0x90: {  	v14 =	vld [tilespmem:$0x8410]  }
0x91: {  	v15 =	vld [tilespmem:$0x8510]  }
0x92: {  	v16 =	vld [tilespmem:$0x8610]  }
0x93: {  	v17 =	vld [tilespmem:$0x8710]  }
0x94: {  	v18 =	vld [tilespmem:$0x8020]  }
0x95: {  	v19 =	vld [tilespmem:$0x8120]  }
0x96: {  	v20 =	vld [tilespmem:$0x8220]  }
0x97: {  	v21 =	vld [tilespmem:$0x8320]  }
0x98: {  	v22 =	vld [tilespmem:$0x8420]  }
0x99: {  	v23 =	vld [tilespmem:$0x8520]  }
0x9a: {  	v24 =	vld [tilespmem:$0x8620]  }
0x9b: {  	v25 =	vld [tilespmem:$0x8720]  }
0x9c: {  	v26 =	vld [tilespmem:$0x8030]  }
0x9d: {  	v27 =	vld [tilespmem:$0x8130]  }
0x9e: {  	v28 =	vld [tilespmem:$0x8230]  }
0x9f: {  	v29 =	vld [tilespmem:$0x8330]  }
0xa0: {  	v30 =	vld [tilespmem:$0x8430]  }
0xa1: {  	v31 =	vld [tilespmem:$0x8530]  }
0xa2: {  	v32 =	vld [tilespmem:$0x8630]  }
0xa3: {  	v33 =	vld [tilespmem:$0x8730]  }
0xa4: {  	v34 =	vld [tilespmem:$0x8040]  }
0xa5: {  	v35 =	vld [tilespmem:$0x8140]  }
0xa6: {  	v36 =	vld [tilespmem:$0x8240]  }
0xa7: {  	v37 =	vld [tilespmem:$0x8340]  }
0xa8: {  	v38 =	vld [tilespmem:$0x8440]  }
0xa9: {  	v39 =	vld [tilespmem:$0x8540]  }
0xaa: {  	v40 =	vld [tilespmem:$0x8640]  }
0xab: {  	v41 =	vld [tilespmem:$0x8740]  }
0xac: {  	v42 =	vld [tilespmem:$0x8050]  }
0xad: {  	v43 =	vld [tilespmem:$0x8150]  }
0xae: {  	v44 =	vld [tilespmem:$0x8250]  }
0xaf: {  	v45 =	vld [tilespmem:$0x8350]  }
0xb0: {  	v46 =	vld [tilespmem:$0x8450]  }
0xb1: {  	v47 =	vld [tilespmem:$0x8550]  }
0xb2: {  	v48 =	vld [tilespmem:$0x8650]  }
0xb3: {  	v49 =	vld [tilespmem:$0x8750]  }
0xb4: {  	v50 =	vld [tilespmem:$0x8060]  }
0xb5: {  	v51 =	vld [tilespmem:$0x8160]  }
0xb6: {  	v52 =	vld [tilespmem:$0x8260]  }
0xb7: {  	v53 =	vld [tilespmem:$0x8360]  }
0xb8: {  	v54 =	vld [tilespmem:$0x8460]  }
0xb9: {  	v55 =	vld [tilespmem:$0x8370]  }
0xba: {  	v58 =	vld [tilespmem:$0x8570];
	v3 =	vadd.f32 v4, v3;
	v7 =	vadd.f32 v8, v7  }
0xbb: {  	v60 =	vld [tilespmem:$0x8670];
	v63 =	vadd.f32 v12, v11;
	v16 =	vadd.f32 v16, v15  }
0xbc: {  	v61 =	vld [tilespmem:$0x8770];
	v20 =	vadd.f32 v20, v19;
	v56 =	vadd.f32 v24, v23  }
0xbd: {  	v4 =	vld [tilespmem:$0x8560];
	v57 =	vadd.f32 v28, v27;
	v59 =	vadd.f32 v32, v31  }
0xbe: {  	v8 =	vld [tilespmem:$0x8660];
	v62 =	vadd.f32 v36, v35;
	v31 =	vadd.f32 v40, v39  }
0xbf: {  	v11 =	vld [tilespmem:$0x8760];
	v3 =	vadd.f32 v5, v3;
	v7 =	vadd.f32 v9, v7  }
0xc0: {  	v12 =	vld [tilespmem:$0x8070];
	v17 =	vadd.f32 v17, v16;
	v16 =	vadd.f32 v29, v57  }
0xc1: {  	v40 =	vld [tilespmem:$0x8580];
	v19 =	vadd.f32 v33, v59;
	v33 =	vadd.f32 v44, v43  }
0xc2: {  	v5 =	vld [tilespmem:$0x8170];
	v36 =	vadd.f32 v41, v31;
	v44 =	vadd.f32 v52, v51  }
0xc3: {  	v9 =	vld [tilespmem:$0x8270];
	v2 =	vadd.f32 v3, v2;
	v3 =	vadd.f32 v13, v63  }
0xc4: {  	v43 =	vld [tilespmem:$0x8680];
	v6 =	vadd.f32 v7, v6;
	v7 =	vadd.f32 v17, v14  }
0xc5: {  	v51 =	vld [tilespmem:$0x8590];
	v14 =	vadd.f32 v25, v56;
	v16 =	vadd.f32 v16, v26  }
0xc6: {  	v52 =	vld [tilespmem:$0x8690];
	v19 =	vadd.f32 v19, v30;
	v4 =	vadd.f32 v8, v4  }
0xc7: {  	v15 =	vld [tilespmem:$0x8470];
	v3 =	vadd.f32 v3, v10;
	v10 =	vadd.f32 v21, v20;
	[tilespmem:$0x8000] =	vst v2  }
0xc8: {  	v32 =	vld [tilespmem:$0x8280];
	v14 =	vadd.f32 v14, v22;
	v2 =	vadd.f32 v37, v62;
	[tilespmem:$0x8400] =	vst v6  }
0xc9: {  	v35 =	vld [tilespmem:$0x8380];
	v37 =	vadd.f32 v48, v47;
	[tilespmem:$0x8410] =	vst v7;
	v6 =	vadd.f32 v36, v38  }
0xca: {  	v39 =	vld [tilespmem:$0x8480];
	[tilespmem:$0x8030] =	vst v16;
	v5 =	vadd.f32 v9, v5;
	v4 =	vadd.f32 v11, v4  }
0xcb: {  	v63 =	vld [tilespmem:$0x8180];
	[tilespmem:$0x8430] =	vst v19;
	v57 =	vadd.f32 v43, v40;
	v62 =	vadd.f32 v52, v51  }
0xcc: {  	v47 =	vld [tilespmem:$0x8190];
	v10 =	vadd.f32 v10, v18;
	[tilespmem:$0x8010] =	vst v3;
	v2 =	vadd.f32 v2, v34  }
0xcd: {  	v48 =	vld [tilespmem:$0x8290];
	v3 =	vadd.f32 v45, v33;
	v41 =	vadd.f32 v49, v37;
	[tilespmem:$0x8420] =	vst v14  }
0xce: {  	v21 =	vld [tilespmem:$0x8080];
	v49 =	vadd.f32 v60, v58;
	[tilespmem:$0x8440] =	vst v6;
	v5 =	vadd.f32 v55, v5  }
0xcf: {  	v45 =	vld [tilespmem:$0x8780];
	v4 =	vadd.f32 v4, v54;
	[tilespmem:$0x8020] =	vst v10;
	v10 =	vadd.f32 v53, v44  }
0xd0: {  	v54 =	vld [tilespmem:$0x8390];
	v55 =	vadd.f32 v32, v63;
	v3 =	vadd.f32 v3, v42;
	[tilespmem:$0x8040] =	vst v2  }
0xd1: {  	v56 =	vld [tilespmem:$0x8790];
	v7 =	vadd.f32 v41, v46;
	[tilespmem:$0x8460] =	vst v4;
	v2 =	vadd.f32 v10, v50  }
0xd2: {  	v58 =	vld [tilespmem:$0x8090];
	v53 =	vadd.f32 v61, v49;
	v59 =	vadd.f32 v48, v47;
	[tilespmem:$0x8050] =	vst v3  }
0xd3: {  	v60 =	vld [tilespmem:$0x8490];
	v3 =	vadd.f32 v5, v12;
	[tilespmem:$0x8060] =	vst v2;
	v2 =	vadd.f32 v35, v55  }
0xd4: {  	[tilespmem:$0x8450] =	vst v7;
	v6 =	vadd.f32 v53, v15;
	v61 =	vadd.f32 v45, v57  }
0xd5: {  	[tilespmem:$0x8070] =	vst v3;
	v3 =	vadd.f32 v54, v59;
	v2 =	vadd.f32 v2, v21  }
0xd6: {  	v63 =	vadd.f32 v56, v62;
	[tilespmem:$0x8470] =	vst v6;
	v4 =	vadd.f32 v61, v39  }
0xd7: {  	[tilespmem:$0x8080] =	vst v2;
	v2 =	vadd.f32 v3, v58  }
0xd8: {  	[tilespmem:$0x8480] =	vst v4;
	v3 =	vadd.f32 v63, v60  }
0xd9: {  	[tilespmem:$0x8090] =	vst v2  }
0xda: {  	[tilespmem:$0x8490] =	vst v3  }
0xdb: {  	[hbm4b:s4+s2] =	stream.linear.scatter [tilespmem:s8], [sflag:$0x1], $0xA0, $0x38;
	[tilespmem:$0x8800] =	vst v63  }
0xdc: {  	s16 =	sadd.s32 $0x1, s16;
	_ =	swait.ge [sflag:s7], $0xA0  }
0xdd: {  	p0 =	sne.s32 s16, s6;
	[sflag:s7] =	ssyncset.done $0x0  }
.Ltmp1:
0xde: {  	[sflag:s7] =	ssyncadd.s32 $0xFFFFFF60;
	(pc) =	sbr.rel @p0 .LBB2_1-.Ltmp1, $4  }
0xdf: {  	[hbm4b:s5+s2] =	stream.linear.scatter [tilespmem:s9], [sflag:$0x1], $0xA0, $0x38;
	[tilespmem:$0x8800] =	vst v63  }
0xe0: {  	_ =	swait.ge [sflag:s7], $0xA0  }
0xe1: {  	[sflag:s7] =	ssyncset.done $0x0  }
0xe2: {  	[sflag:s7] =	ssyncadd.s32 $0xFFFFFF60  }
0xe3: {  	_ =	sfence.sel $0x180000  }
0xe4: {  	[bflag:$0x0] =	sbarrier.arrive $0xFFFF  }
0xe5: {  	p0 =	sne.s32 s0, $0x0;
	_ =	strace $0x90000047  }
0xe6: {  	s0 =	sadd.s32 @!p0 $0x100000, s1;
	[bflag:$0x2] =	sbarrier.arrive $0xFFFF  }
0xe7: {  	[sflag:s0] =	ssyncadd.tile.s32 @!p0 $0x1;
	_ =	shalt  }
.Lfunc_end2:
_tile_overlayer_lowered:
.L_overlay_start_2:
0xe8: {  	(tag) =	ssettag $0x2  }
0xe9: {  	s0 =	rddreg [dreg:$0x0];
	s2 =	stileid.u32  }
0xea: {  	s1 =	rddreg [dreg:$0x1];
	p0 =	sne.s32 s2, $0x0  }
0xeb: {  	s3 =	rddreg [dreg:$0x2];
	[bflag:$0x3] =	sbarrier.arrive $0xFFFF;
	s2 =	simm.s32 @!p0 $0x1C01  }
0xec: {  	[timem:s3], [sflag:s2] =	dma.local @!p0 [hbm:s0], s1  }
0xed: {  	s0 =	simm.s32 @!p0 $0x1  }
0xee: {  	_ =	swait.ge @!p0 [sflag:s0], s1  }
0xef: {  	s1 =	ssub.s32 @!p0 $0x0, s1;
	[sflag:s0] =	ssyncset.done @!p0 $0x0  }
0xf0: {  	[sflag:s0] =	ssyncadd.s32 @!p0 s1  }
0xf1: {  	[bflag:$0x3] =	sbarrier.arrive $0xFFFF  }
0xf2: {  	_ =	shalt  }

// kernel: kernel.8.cloned.1.call-start
scs
__scs_entry_jumppad:
0x0: {  	(pc) =	sbr.rel $0x88, $3  }
0x1: {  	(tag) =	ssettag $0x0;
	lr =	simm.s32 $0x1  }
0x2: {  	[smem:$0x3F9F] =	sst lr;
	_ =	strace $0xD0000000  }
0x3: {  	_ = 	snop  }
0x4: {  	_ = 	snop  }
0x5: {  	_ = 	snop  }
0x6: {  	_ = 	snop  }
0x7: {  	_ = 	snop  }
__scs_overlays_trampoline_lowered:
0x8: {  	[smem:$0x3FAE] =	sst s0  }
0x9: {  	[smem:$0x3FAF] =	sst s1  }
0xa: {  	[smem:$0x3FB0] =	sst s2  }
0xb: {  	[smem:$0x3FB1] =	sst s3  }
0xc: {  	[smem:$0x3FB2] =	sst s4  }
0xd: {  	[smem:$0x3FB3] =	sst s5  }
0xe: {  	[smem:$0x3FB4] =	sst s6  }
0xf: {  	[smem:$0x3FB5] =	sst s7  }
0x10: {  	[smem:$0x3FB6] =	sst s8  }
0x11: {  	[smem:$0x3FB7] =	sst s9;
	s0 =	simm.s32 @!p0 $0x0  }
0x12: {  	s1 =	sld [smem:$0x3F9D];
	s0 =	simm.s32 @p0 $0x1  }
0x13: {  	[smem:$0x3FB8] =	sst s0;
	s0 =	simm.s32 @!p1 $0x0  }
0x14: {  	s2 =	sld [smem:$0x3F9C];
	s0 =	simm.s32 @p1 $0x1  }
0x15: {  	[smem:$0x3FB9] =	sst s0;
	s0 =	simm.s32 @!p2 $0x0  }
0x16: {  	s3 =	sld [smem:$0x3FDB];
	s0 =	simm.s32 @p2 $0x1  }
0x17: {  	s4 =	simm.s32 $0x1BF5;
	[smem:$0x3FBB] =	sst s0  }
0x18: {  	s0 =	sld [smem:$0x3F9E];
	_ =	swait.ge [sflag:s4], $0x0  }
0x19: {  	s7 =	sld [smem:$0x3F9F]  }
0x1a: {  	s8 =	sadd.s32 $0xFFFFE003, lr  }
0x1b: {  	s9 =	sadd.s32 $0xFFFFFEF7, lr;
	s5 =	simm.s32 $0xFFFFFFFF;
	p2 =	slt.u32 s8, $0xFFFFF086  }
0x1c: {  	p1 =	slt.u32 s9, $0xF7A;
	s5 =	simm.s32 @!p2 $0x0  }
0x1d: {  	s5 =	simm.s32 @p1 $0x1;
	p0 =	seq.s32 s7, s2  }
0x1e: {  	s7 =	smul.u32 @!p0 $0xF7A, s2;
	p2 =	seq.s32 @!p0 s5, $0x0  }
0x1f: {  	s9 =	smul.u32 $0xF7A, s1;
	s8 =	simm.s32 @!p0 $0x1BF5;
	p2 =	por !p2, p0  }
0x20: {  	[sflag:s8] =	ssyncset.s32 @!p0 $0xFFFFF086;
	s6 =	sadd.s32 @!p0 s3, s7;
	s7 =	simm.s32 @!p0 $0x108  }
0x21: {  	s3 =	sadd.s32 s3, s9;
	s6 =	sadd.s32 @!p0 $0x88, s6;
	s7 =	simm.s32 @p2 $0x1082  }
0x22: {  	[simem:s7], [sflag:s8] =	dma.local @!p0 [hbm:s6], $0xF7A  }
0x23: {  	s9 =	sor.u32 $0xD0000000, s2;
	s6 =	simm.s32 $0x108;
	_ =	swait.ge @!p0 [sflag:s8], $0x0  }
0x24: {  	s3 =	sadd.s32 $0x88, s3;
	s6 =	simm.s32 @!p1 $0x1082;
	[sflag:s4] =	ssyncset.s32 $0xFFFFF086  }
0x25: {  	[simem:s6], [sflag:s4] =	dma.local [hbm:s3], $0xF7A  }
0x26: {  	[smem:$0x3F9F] =	sst s1;
	(tag) =	ssettag s2;
	_ =	strace s9  }
0x27: {  	s1 =	sld [smem:$0x3FAF]  }
0x28: {  	s2 =	sld [smem:$0x3FB0]  }
0x29: {  	s4 =	sld [smem:$0x3FB2]  }
0x2a: {  	p0 =	seq.s32 s5, $0x0;
	s5 =	sld [smem:$0x3FB3]  }
0x2b: {  	s6 =	sld [smem:$0x3FB4]  }
0x2c: {  	s7 =	sld [smem:$0x3FB5]  }
0x2d: {  	s3 =	simm.s32 $0x108;
	s8 =	sld [smem:$0x3FB6]  }
0x2e: {  	s3 =	simm.s32 @!p0 $0x1082;
	s9 =	sld [smem:$0x3FB7]  }
0x2f: {  	lr =	sadd.s32 s0, s3;
	s0 =	sld [smem:$0x3FAE]  }
0x30: {  	s3 =	sld [smem:$0x3FB1]  }
0x31: {  	[smem:$0x3FBA] =	sst s10  }
0x32: {  	s10 =	sld [smem:$0x3FB8];
	_ =	sdelay $0x3  }
0x33: {  	p0 =	seq.s32 s10, $0x1;
	s10 =	sld [smem:$0x3FBA];
	_ =	sdelay $0x3  }
0x34: {  	[smem:$0x3FBA] =	sst s10  }
0x35: {  	s10 =	sld [smem:$0x3FB9];
	_ =	sdelay $0x3  }
0x36: {  	p1 =	seq.s32 s10, $0x1;
	s10 =	sld [smem:$0x3FBA];
	_ =	sdelay $0x3  }
0x37: {  	[smem:$0x3FBA] =	sst s10  }
0x38: {  	s10 =	sld [smem:$0x3FBB]  }
0x39: {  	_ = 	snop;
	(pc) =	sbr.ind lr, $3  }
0x3a: {  	_ = 	snop  }
0x3b: {  	_ = 	snop  }
0x3c: {  	p2 =	seq.s32 s10, $0x1;
	s10 =	sld [smem:$0x3FBA]  }
0x3d: {  	_ =	shalt  }
0x3e: {  	_ =	shalt  }
0x3f: {  	_ =	shalt  }
0x40: {  	_ =	shalt  }
0x41: {  	_ =	shalt  }
0x42: {  	_ =	shalt  }
0x43: {  	_ =	shalt  }
0x44: {  	_ =	shalt  }
0x45: {  	_ =	shalt  }
0x46: {  	_ =	shalt  }
0x47: {  	_ =	shalt  }
0x48: {  	_ =	shalt  }
0x49: {  	_ =	shalt  }
0x4a: {  	_ =	shalt  }
0x4b: {  	_ =	shalt  }
0x4c: {  	_ =	shalt  }
0x4d: {  	_ =	shalt  }
0x4e: {  	_ =	shalt  }
0x4f: {  	_ =	shalt  }
0x50: {  	_ =	shalt  }
0x51: {  	_ =	shalt  }
0x52: {  	_ =	shalt  }
0x53: {  	_ =	shalt  }
0x54: {  	_ =	shalt  }
0x55: {  	_ =	shalt  }
0x56: {  	_ =	shalt  }
0x57: {  	_ =	shalt  }
0x58: {  	_ =	shalt  }
0x59: {  	_ =	shalt  }
0x5a: {  	_ =	shalt  }
0x5b: {  	_ =	shalt  }
0x5c: {  	_ =	shalt  }
0x5d: {  	_ =	shalt  }
0x5e: {  	_ =	shalt  }
0x5f: {  	_ =	shalt  }
0x60: {  	_ =	shalt  }
0x61: {  	_ =	shalt  }
0x62: {  	_ =	shalt  }
0x63: {  	_ =	shalt  }
0x64: {  	_ =	shalt  }
0x65: {  	_ =	shalt  }
0x66: {  	_ =	shalt  }
0x67: {  	_ =	shalt  }
0x68: {  	_ =	shalt  }
0x69: {  	_ =	shalt  }
0x6a: {  	_ =	shalt  }
0x6b: {  	_ =	shalt  }
0x6c: {  	_ =	shalt  }
0x6d: {  	_ =	shalt  }
0x6e: {  	_ =	shalt  }
0x6f: {  	_ =	shalt  }
0x70: {  	_ =	shalt  }
0x71: {  	_ =	shalt  }
0x72: {  	_ =	shalt  }
0x73: {  	_ =	shalt  }
0x74: {  	_ =	shalt  }
0x75: {  	_ =	shalt  }
0x76: {  	_ =	shalt  }
0x77: {  	_ =	shalt  }
0x78: {  	_ =	shalt  }
0x79: {  	_ =	shalt  }
0x7a: {  	_ =	shalt  }
0x7b: {  	_ =	shalt  }
0x7c: {  	_ =	shalt  }
0x7d: {  	_ =	shalt  }
0x7e: {  	_ =	shalt  }
0x7f: {  	_ =	shalt  }
0x80: {  	_ =	shalt  }
0x81: {  	_ =	shalt  }
0x82: {  	_ =	shalt  }
0x83: {  	_ =	shalt  }
0x84: {  	_ =	shalt  }
0x85: {  	_ =	shalt  }
0x86: {  	_ =	shalt  }
0x87: {  	_ =	shalt  }
.Lfunc_end0:
.L_simem_size_0:
called_computation.1_lowered:
.L_overlay_start_0:
0x88: {  	s2 =	sld [smem:$0x3FD9]  }
0x89: {  	s3 =	sld [smem:$0x3FFE];
	_ =	sdelay $0x1  }
0x8a: {  	s1 =	srdreg.scid  }
0x8b: {  	s0 =	sand.u32 $0x1, s1  }
0x8c: {  	s17 =	sshll.u32 s0, $0xA;
	s2 =	sadd.s32 s3, s2  }
0x8d: {  	s2 =	sadd.s32 s2, s17  }
0x8e: {  	[smem:$0x3FC6] =	sst s2  }
0x8f: {  	_ = 	snop  }
0x90: {  	s2 =	sld [smem:$0x3FD0];
	(tm) =	ssettm $0x1  }
0x91: {  	s18 =	sld [smem:$0x3FFB];
	_ =	sdelay $0x3  }
0x92: {  	_ =	strace s18  }
0x93: {  	s3 =	sld [smem:$0x3FFC];
	_ =	sdelay $0x3  }
0x94: {  	_ =	strace s3  }
0x95: {  	s3 =	sld [smem:$0x3FFD];
	_ =	sdelay $0x3  }
0x96: {  	_ =	strace s3  }
0x97: {  	_ =	strace $0x8FFFFFFF  }
0x98: {  	s19 =	sld [smem:$0x3FDB];
	_ =	sdelay $0x1  }
0x99: {  	s4 =	simm.s32 $_scs_section_size  }
0x9a: {  	s5 =	simm.s32 $_size__tile_overlayer_lowered;
	s6 =	simm.s32 $_tile_overlayer_lowered  }
0x9b: {  	s22 =	simm.s32 $0x1BFF;
	s21 =	sshll.u32 s6, $0x1;
	s3 =	sadd.s32 s4, s19  }
0x9c: {  	s7 =	simm.s32 $0x0;
	s20 =	sshll.u32 s5, $0x1;
	s5 =	sadd.s32 s21, s3  }
0x9d: {  	[timem:s7], [sflag:s22] =	dma.local [hbm:s5], s20  }
0x9e: {  	_ =	swait.ge [sflag:s22], s20  }
0x9f: {  	s4 =	ssub.s32 $0x0, s20;
	[sflag:s22] =	ssyncset.done $0x0  }
0xa0: {  	[sflag:s22] =	ssyncadd.s32 s4;
	_ =	sdelay $0x1  }
0xa1: {  	s23 =	simm.s32 $0x1B8B  }
0xa2: {  	_ =	swait.ge [sflag:s23], $0x1  }
0xa3: {  	[sflag:s23] =	ssyncset.done $0x0  }
0xa4: {  	s25 =	simm.s32 $0x1B8E;
	s24 =	sld [smem:$0x3FFE];
	[sflag:s23] =	ssyncadd.s32 $0xFFFFFFFF  }
0xa5: {  	s26 =	simm.s32 $execute0_lowered;
	[smem:$0x3FD2] =	sst s25  }
0xa6: {  	s5 =	sshll.u32 s26, $0x1;
	_ =	strace $0x80000049;
	[dreg:$0x1] =	wrdreg $0xFFFFFFFF  }
0xa7: {  	s28 =	simm.s32 $_size_execute0_lowered;
	s3 =	sadd.s32 s3, s5;
	[dreg:$0x0] =	wrdreg $0x0  }
0xa8: {  	s5 =	sshll.u32 s28, $0x1;
	[dreg:$0x2] =	wrdreg s3  }
0xa9: {  	[dreg:$0x3] =	wrdreg s5  }
0xaa: {  	[dreg:$0x4] =	wrdreg $0xC0  }
0xab: {  	_ =	task [dreg:s7], $0x5FFFF  }
0xac: {  	[dreg:$0x1] =	wrdreg $0xFFFFFFFF  }
0xad: {  	[dreg:$0x0] =	wrdreg $0x60  }
0xae: {  	[dreg:$0x2] =	wrdreg s24  }
0xaf: {  	[dreg:$0x3] =	wrdreg s2  }
0xb0: {  	[dreg:$0x4] =	wrdreg $0x9  }
0xb1: {  	_ =	task.clear_ibuf [dreg:s7], $0x5FFFF;
	_ =	strace $0x90000049  }
0xb2: {  	s29 =	simm.s32 $0x9;
	_ =	strace $0x8000004B  }
0xb3: {  	_ =	swait.ge [sflag:s29], $0x1  }
0xb4: {  	[sflag:s29] =	ssyncadd.s32 $0xFFFFFFFF  }
0xb5: {  	_ =	strace $0x9000004B  }
0xb6: {  	_ =	sfence  }
0xb7: {  	s30 =	sld [smem:$0x0];
	_ =	sdelay $0x2  }
0xb8: {  	s31 =	sshll.u32 s1, $0xD;
	s1 =	sshrl.u32 s1, $0x2  }
0xb9: {  	s3 =	sand.u32 $0x4000, s31;
	s1 =	sadd.s32 s1, s30  }
0xba: {  	s0 =	sor.u32 s3, s0;
	s1 =	sshll.u32 s1, $0x11  }
0xbb: {  	s0 =	sor.u32 s1, s0  }
0xbc: {  	s0 =	sadd.s32 $0x8F2B, s0  }
0xbd: {  	[sflag:s0] =	ssyncadd.remote.s32 $0x1  }
0xbe: {  	_ =	sfence.sel $0xFFFF  }
0xbf: {  	[dreg:$0x0] =	wrdreg $0xFFFFFFFF;
	(pc) =	sbr.abs _section_cstart, $3  }
0xc0: {  	[dreg:$0x1] =	wrdreg $0xFFFFFFFF  }
0xc1: {  	_ =	task.clear_ibuf [dreg:s7], $0x2FFFF;
	_ =	strace $0x9FFFFFFF  }
0xc2: {  	(tm) =	ssettm $0x7FFFFFFF  }
0xc3: {  	_ =	shalt  }
tec
execute0_lowered:
.L_overlay_start_1:
0x0: {  	(tag) =	ssettag $0x1  }
0x1: {  	s0 =	srdreg.scid  }
0x2: {  	s4 =	sand.u32 $0x1, s0;
	s0 =	stileid.u32  }
0x3: {  	s5 =	sshll.u32 s0, $0x1;
	s6 =	ssub.s32 $0x0, s4  }
0x4: {  	p0 =	sne.s32 s5, s6  }
.Ltmp0:
0x5: {  	_ = 	snop;
	(pc) =	sbr.rel @p0 .LBB2_5-.Ltmp0, $4  }
0x6: {  	_ = 	snop  }
0x7: {  	s3 =	rddreg [dreg:$0x0]  }
0x8: {  	s2 =	rddreg [dreg:$0x1]  }
0x9: {  	s1 =	rddreg [dreg:$0x2];
	_ =	strace $0x8000004A  }
0xa: {  	s4 =	ssub.s32 $0x2, s4  }
0xb: {  	s3 =	sadd.s32 $0x20A00, s3;
	s5 =	sshrl.u32 s4, $0x1  }
0xc: {  	s6 =	simm.s32 $0x1;
	s7 =	simm.s32 $0x2800;
	s4 =	ssub.s32 s4, s5  }
0xd: {  	s8 =	simm.s32 $0x0;
	s5 =	simm.s32 $0x0;
	s4 =	smax.u32 s4, $0x1  }
.LBB2_2:
0xe: {  	[tilespmem:s5], [sflag:$0x1] =	stream.linear.gather [hbm4b:s3+s5], $0x2800, $0x38;
	[tilespmem:$0x2880] =	vst v63  }
0xf: {  	_ =	swait.ge [sflag:s6], $0x2800  }
0x10: {  	[sflag:s6] =	ssyncset.done $0x0  }
0x11: {  	s9 =	sand.u32 $0x3FC0, s5;
	[sflag:s6] =	ssyncadd.s32 $0xFFFFD800  }
0x12: {  	s10 =	simm.s32 $0xA0;
	v0 =	vld [tilespmem:s9+$0x100]  }
0x13: {  	v1 =	vld [tilespmem:s10+$0x90]  }
0x14: {  	v4 =	vld [tilespmem:s10+$0xFFFFFF70]  }
0x15: {  	v5 =	vld [tilespmem:s10+$0xFFFFFF80]  }
0x16: {  	v6 =	vld [tilespmem:s10+$0xFFFFFF90]  }
0x17: {  	v7 =	vld [tilespmem:s10+$0xFFFFFFA0]  }
0x18: {  	v9 =	vld [tilespmem:s10+$0xFFFFFFB0]  }
0x19: {  	v11 =	vld [tilespmem:s10+$0xFFFFFFC0]  }
0x1a: {  	v14 =	vld [tilespmem:s10+$0xFFFFFFD0]  }
0x1b: {  	v15 =	vld [tilespmem:s10+$0xFFFFFFF0]  }
0x1c: {  	v16 =	vld [tilespmem:s10+$0x0]  }
0x1d: {  	v2 =	vimm.f32 $0.0e+00;
	v17 =	vld [tilespmem:s10+$0x10]  }
0x1e: {  	v21 =	vld [tilespmem:s10+$0x20];
	v3 =	vadd.f32 v0, v2  }
0x1f: {  	v22 =	vld [tilespmem:s10+$0x30];
	v0 =	vadd.f32 v1, v2;
	v13 =	vadd.f32 v4, v2  }
0x20: {  	v23 =	vld [tilespmem:s10+$0x50];
	v12 =	vadd.f32 v5, v2;
	v10 =	vadd.f32 v6, v2  }
0x21: {  	v5 =	vld [tilespmem:s10+$0x40];
	v8 =	vadd.f32 v7, v2;
	v7 =	vadd.f32 v9, v2  }
0x22: {  	v20 =	vld [tilespmem:s10+$0x70];
	v6 =	vadd.f32 v11, v2;
	v4 =	vadd.f32 v14, v2  }
0x23: {  	v1 =	vadd.f32 v15, v2;
	v18 =	vadd.f32 v17, v2;
	v17 =	vld [tilespmem:s10+$0x80]  }
0x24: {  	s11 =	simm.s32 $0x140;
	v24 =	vld [tilespmem:s10+$0xFFFFFF60];
	v19 =	vadd.f32 v16, v2;
	v16 =	vadd.f32 v21, v2  }
0x25: {  	v15 =	vadd.f32 v22, v2;
	s10 =	sand.u32 $0x3FC0, s11;
	v21 =	vld [tilespmem:s9+$0x80];
	v11 =	vadd.f32 v23, v2;
	v23 =	vimm.f32 $0.0e+00  }
0x26: {  	s11 =	simm.s32 $0x280;
	s9 =	simm.s32 $0x1E0;
	v9 =	vimm.f32 $0.0e+00;
	v22 =	vld [tilespmem:s10+$0x100];
	v14 =	vadd.f32 v5, v2;
	v5 =	vimm.f32 $0.0e+00  }
.LBB2_3:
0x27: {  	p0 =	sne.s32 s11, $0x26C0;
	v25 =	vld [tilespmem:s9+$0x90];
	v2 =	vadd.f32 v20, v2  }
0x28: {  	v20 =	vld [tilespmem:s9+$0xFFFFFF70];
	v5 =	vadd.f32 v17, v5  }
0x29: {  	v17 =	vld [tilespmem:s9+$0xFFFFFF80];
	v23 =	vadd.f32 v24, v23  }
0x2a: {  	v24 =	vld [tilespmem:s9+$0xFFFFFF90];
	v9 =	vadd.f32 v21, v9  }
0x2b: {  	v21 =	vld [tilespmem:s9+$0xFFFFFFA0]  }
0x2c: {  	v3 =	vadd.f32 v22, v3;
	v26 =	vld [tilespmem:s9+$0xFFFFFFB0];
	v0 =	vadd.f32 v25, v0  }
0x2d: {  	v13 =	vadd.f32 v20, v13;
	v20 =	vld [tilespmem:s9+$0xFFFFFFC0]  }
0x2e: {  	v12 =	vadd.f32 v17, v12;
	v17 =	vld [tilespmem:s9+$0xFFFFFFD0]  }
0x2f: {  	v10 =	vadd.f32 v24, v10;
	v22 =	vld [tilespmem:s9+$0xFFFFFFF0]  }
0x30: {  	v8 =	vadd.f32 v21, v8;
	v21 =	vld [tilespmem:s9+$0x0]  }
0x31: {  	v7 =	vadd.f32 v26, v7;
	v24 =	vld [tilespmem:s9+$0x10]  }
0x32: {  	v6 =	vadd.f32 v20, v6;
	v25 =	vld [tilespmem:s9+$0x20]  }
0x33: {  	v4 =	vadd.f32 v17, v4;
	v26 =	vld [tilespmem:s9+$0x30]  }
0x34: {  	v1 =	vadd.f32 v22, v1;
	v22 =	vld [tilespmem:s9+$0x40]  }
0x35: {  	v19 =	vadd.f32 v21, v19;
	v27 =	vld [tilespmem:s9+$0x50]  }
.Ltmp1:
0x36: {  	v18 =	vadd.f32 v24, v18;
	v20 =	vld [tilespmem:s9+$0x70];
	(pc) =	sbr.rel @p0 .LBB2_3-.Ltmp1, $4  }
0x37: {  	v16 =	vadd.f32 v25, v16;
	v17 =	vld [tilespmem:s9+$0x80]  }
0x38: {  	v24 =	vld [tilespmem:s9+$0xFFFFFF60];
	v15 =	vadd.f32 v26, v15  }
0x39: {  	v21 =	vld [tilespmem:s10+$0x80];
	s10 =	sand.u32 $0x3FC0, s11;
	v14 =	vadd.f32 v22, v14  }
0x3a: {  	s9 =	sadd.s32 $0x140, s9;
	s11 =	sadd.s32 $0x140, s11;
	v22 =	vld [tilespmem:s10+$0x100];
	v11 =	vadd.f32 v27, v11  }
0x3b: {  	v25 =	vld [tilespmem:s9+$0xFFFFFF60];
	_ =	sdelay $0x2  }
0x3c: {  	v39 =	vld [tilespmem:s9+$0x0];
	v23 =	vadd.f32 v24, v23  }
0x3d: {  	v26 =	vld [tilespmem:s9+$0xFFFFFF70]  }
0x3e: {  	v27 =	vld [tilespmem:s9+$0x10];
	v23 =	vadd.f32 v25, v23  }
0x3f: {  	v40 =	vld [tilespmem:s9+$0xFFFFFF80]  }
0x40: {  	v41 =	vld [tilespmem:s9+$0x20];
	(xrf2) =	vadd.scan.msk.f32 $0xffff, v23  }
0x41: {  	v42 =	vld [tilespmem:s9+$0xFFFFFF90];
	v19 =	vadd.f32 v39, v19  }
0x42: {  	v43 =	vld [tilespmem:s9+$0x30];
	v13 =	vadd.f32 v26, v13  }
0x43: {  	v44 =	vld [tilespmem:s9+$0xFFFFFFA0];
	v18 =	vadd.f32 v27, v18;
	(xrf2) =	vadd.scan.msk.f32 $0xffff, v19  }
0x44: {  	v45 =	vld [tilespmem:s9+$0x40];
	v12 =	vadd.f32 v40, v12;
	(xrf2) =	vadd.scan.msk.f32 $0xffff, v13  }
0x45: {  	v46 =	vld [tilespmem:s9+$0xFFFFFFB0];
	v16 =	vadd.f32 v41, v16;
	(xrf2) =	vadd.scan.msk.f32 $0xffff, v18  }
0x46: {  	v47 =	vld [tilespmem:s9+$0x50];
	v10 =	vadd.f32 v42, v10;
	(xrf2) =	vadd.scan.msk.f32 $0xffff, v12  }
0x47: {  	v48 =	vld [tilespmem:s9+$0xFFFFFFC0];
	v15 =	vadd.f32 v43, v15;
	(xrf2) =	vadd.scan.msk.f32 $0xffff, v16  }
0x48: {  	v8 =	vadd.f32 v44, v8;
	(xrf2) =	vadd.scan.msk.f32 $0xffff, v10  }
0x49: {  	v49 =	vadd.f32 v45, v14;
	(xrf2) =	vadd.scan.msk.f32 $0xffff, v15  }
0x4a: {  	v50 =	vld [tilespmem:s9+$0xFFFFFFD0];
	v7 =	vadd.f32 v46, v7;
	v51, _, _ =	vpop (xrf2);
	(xrf2) =	vadd.scan.msk.f32 $0xffff, v8  }
0x4b: {  	v52 =	vld [tilespmem:s9+$0x70];
	v11 =	vadd.f32 v47, v11;
	v13 =	vmul.f32 $1.000000010e-01, v51;
	(xrf2) =	vadd.scan.msk.f32 $0xffff, v49  }
0x4c: {  	v53 =	vld [tilespmem:s10+$0x80];
	v6 =	vadd.f32 v48, v6;
	(xrf2) =	vadd.scan.msk.f32 $0xffff, v7  }
0x4d: {  	v3 =	vadd.f32 v22, v3;
	v54, _, _ =	vpop (xrf2);
	v55 =	vadd.f32 $9.999999970e-07, v13;
	(xrf2) =	vadd.scan.msk.f32 $0xffff, v11  }
0x4e: {  	v2 =	vadd.f32 v20, v2;
	v56 =	vld [tilespmem:s9+$0x80];
	v9 =	vadd.f32 v21, v9;
	v57, _, _ =	vpop (xrf2);
	(xrf2) =	vadd.scan.msk.f32 $0xffff, v6  }
0x4f: {  	v58 =	vld [tilespmem:s9+$0xFFFFFFF0];
	v4 =	vadd.f32 v50, v4;
	v59, _, _ =	vpop (xrf2);
	v13 =	vmul.f32 $1.000000010e-01, v57;
	v12 =	vbroadcast v55, $0xF;
	(xrf2) =	vadd.scan.msk.f32 $0xffff, v3  }
0x50: {  	v5 =	vadd.f32 v17, v5;
	v2 =	vadd.f32 v52, v2;
	v60, _, _ =	vpop (xrf2)  }
0x51: {  	v61 =	vadd.f32 v53, v9;
	v62 =	vadd.f32 $9.999999970e-07, v13;
	v63, _, _ =	vpop (xrf2);
	(xrf2) =	vadd.scan.msk.f32 $0xffff, v4;
	(erf) = vrcp.f32 v12  }
0x52: {  	v3 =	vmul.f32 $1.000000010e-01, v60;
	v18, _, _ =	vpop (xrf2);
	(xrf2) =	vadd.scan.msk.f32 $0xffff, v2  }
0x53: {  	v19 =	vadd.f32 v56, v5;
	v20 =	vbroadcast v62, $0xF;
	v21, _, _ =	vpop (xrf2);
	(xrf2) =	vadd.scan.msk.f32 $0xffff, v61  }
0x54: {  	v1 =	vadd.f32 v58, v1;
	v3 =	vadd.f32 $9.999999970e-07, v3;
	v22, _, _ =	vpop (xrf2)  }
0x55: {  	v4 =	vmul.f32 $1.000000010e-01, v18;
	(erf) = vrcp.f32 v20;
	(xrf2) =	vadd.scan.msk.f32 $0xffff, v19;
	v23, _, _ =	vpop (xrf2)  }
0x56: {  	v24 =	vbroadcast v3, $0xF;
	v25 =	vmul.f32 $1.000000010e-01, v22;
	(xrf2) =	vadd.scan.msk.f32 $0xffff, v1;
	v26, _, _ =	vpop (xrf2)  }
0x57: {  	v7 =	vbroadcast v54, $0xF;
	v4 =	vadd.f32 $9.999999970e-07, v4;
	v27, _, _ =	vpop (xrf2)  }
0x58: {  	v36 =	vbroadcast v59, $0xF;
	(erf) = vrcp.f32 v24;
	v29 =	vadd.f32 $9.999999970e-07, v25;
	v28, _, _ =	vpop (xrf2)  }
0x59: {  	v4 =	vbroadcast v4, $0xF;
	v6 =	vmul.f32 $1.000000010e-01, v26;
	v30, _, _ =	vpop (xrf2)  }
0x5a: {  	v2 =	vbroadcast v29, $0xF;
	v8 =	vmul.f32 $1.000000010e-01, v28;
	v31 =	vpop (erf)  }
0x5b: {  	v10 =	vbroadcast v63, $0xF;
	v33 =	vadd.f32 $9.999999970e-07, v6;
	v32, _, _ =	vpop (xrf2);
	(erf) = vrcp.f32 v4  }
0x5c: {  	v35 =	vld [tilespmem:s9+$0x90];
	v7 =	vmul.f32 v7, v31;
	v34, _, _ =	vpop (xrf2);
	(erf) = vrcp.f32 v2;
	v37 =	vadd.f32 $9.999999970e-07, v8  }
0x5d: {  	v4 =	vbroadcast v33, $0xF;
	v12 =	vmul.f32 $1.000000010e-01, v32;
	v38, _, _ =	vpop (xrf2)  }
0x5e: {  	v39 =	vpop (erf);
	v2 =	vbroadcast v37, $0xF;
	v8 =	vmul.f32 $1.000000010e-01, v38  }
0x5f: {  	v7 =	vadd.f32 $0.0e+00, v7;
	(erf) = vrcp.f32 v4;
	v41 =	vadd.f32 $9.999999970e-07, v12;
	v40, _, _ =	vpop (xrf2)  }
0x60: {  	v13 =	vmul.f32 v36, v39;
	(erf) = vrcp.f32 v2;
	v42 =	vadd.f32 $9.999999970e-07, v8;
	v43, _, _ =	vpop (xrf2)  }
0x61: {  	v0 =	vadd.f32 v35, v0;
	v4 =	vbroadcast v41, $0xF;
	v8 =	vmul.f32 $1.000000010e-01, v43  }
0x62: {  	v9 =	vbroadcast v21, $0xF;
	v44 =	vpop (erf);
	v7 =	vadd.f32 v13, v7;
	v2 =	vbroadcast v42, $0xF  }
0x63: {  	(xrf2) =	vadd.scan.msk.f32 $0xffff, v0;
	v10 =	vmul.f32 v10, v44;
	(erf) = vrcp.f32 v4;
	v45 =	vadd.f32 $9.999999970e-07, v8  }
0x64: {  	v5 =	vbroadcast v23, $0xF;
	v46 =	vpop (erf);
	(erf) = vrcp.f32 v2  }
0x65: {  	v47 =	vadd.f32 v10, v7;
	v48 =	vmul.f32 v9, v46;
	v4 =	vbroadcast v45, $0xF  }
0x66: {  	v1 =	vbroadcast v27, $0xF;
	v49 =	vpop (erf)  }
0x67: {  	v5 =	vmul.f32 v5, v49;
	v0 =	vadd.f32 v48, v47;
	(erf) = vrcp.f32 v4  }
0x68: {  	v50 =	vpop (erf)  }
0x69: {  	v51 =	vbroadcast v30, $0xF;
	v1 =	vmul.f32 v1, v50;
	v0 =	vadd.f32 v5, v0  }
0x6a: {  	v52 =	vpop (erf)  }
0x6b: {  	v54 =	vbroadcast v34, $0xF;
	v53 =	vmul.f32 v51, v52;
	v0 =	vadd.f32 v1, v0  }
0x6c: {  	v55 =	vpop (erf)  }
0x6d: {  	v58 =	vbroadcast v40, $0xF;
	v59, _, _ =	vpop (xrf2);
	v57 =	vmul.f32 v54, v55;
	v0 =	vadd.f32 v53, v0  }
0x6e: {  	v56 =	vpop (erf)  }
0x6f: {  	v61 =	vbroadcast v59, $0xF;
	v60 =	vmul.f32 v58, v56;
	v0 =	vadd.f32 v57, v0  }
0x70: {  	v62 =	vpop (erf)  }
0x71: {  	v0 =	vadd.f32 v60, v0;
	v63 =	vmul.f32 v61, v62;
	_ =	sdelay $0x1  }
0x72: {  	v0 =	vadd.f32 v63, v0;
	_ =	sdelay $0x1  }
0x73: {  	s8 =	sadd.s32 $0x1, s8;
	v0 =	vmul.f32 $9.536743160e-07, v0  }
0x74: {  	p0 =	sne.s32 s8, s4  }
.Ltmp2:
0x75: {  	[tilespmem:$0x2800] =	vst v0;
	(pc) =	sbr.rel @p0 .LBB2_2-.Ltmp2, $4  }
0x76: {  	[hbm4b:s2+s5] =	stream.linear.scatter [tilespmem:s7], [sflag:$0x1], $0x80, $0x38;
	[tilespmem:$0x2880] =	vst v63  }
0x77: {  	_ =	swait.ge [sflag:s6], $0x80  }
0x78: {  	[sflag:s6] =	ssyncset.done $0x0  }
0x79: {  	[sflag:s6] =	ssyncadd.s32 $0xFFFFFF80  }
.LBB2_5:
0x7a: {  	_ =	sfence.sel $0x180000  }
0x7b: {  	[bflag:$0x0] =	sbarrier.arrive $0xFFFF  }
0x7c: {  	p0 =	sne.s32 s0, $0x0;
	_ =	strace $0x9000004A  }
0x7d: {  	s0 =	sadd.s32 @!p0 $0x100000, s1;
	[bflag:$0x2] =	sbarrier.arrive $0xFFFF  }
0x7e: {  	[sflag:s0] =	ssyncadd.tile.s32 @!p0 $0x1;
	_ =	shalt  }
.Lfunc_end2:
_tile_overlayer_lowered:
.L_overlay_start_2:
0x7f: {  	(tag) =	ssettag $0x2  }
0x80: {  	s0 =	rddreg [dreg:$0x0];
	s2 =	stileid.u32  }
0x81: {  	s1 =	rddreg [dreg:$0x1];
	p0 =	sne.s32 s2, $0x0  }
0x82: {  	s3 =	rddreg [dreg:$0x2];
	[bflag:$0x3] =	sbarrier.arrive $0xFFFF;
	s2 =	simm.s32 @!p0 $0x1C01  }
0x83: {  	[timem:s3], [sflag:s2] =	dma.local @!p0 [hbm:s0], s1  }
0x84: {  	s0 =	simm.s32 @!p0 $0x1  }
0x85: {  	_ =	swait.ge @!p0 [sflag:s0], s1  }
0x86: {  	s1 =	ssub.s32 @!p0 $0x0, s1;
	[sflag:s0] =	ssyncset.done @!p0 $0x0  }
0x87: {  	[sflag:s0] =	ssyncadd.s32 @!p0 s1  }
0x88: {  	[bflag:$0x3] =	sbarrier.arrive $0xFFFF  }
0x89: {  	_ =	shalt  }

</sc_bundles>
